<compile_context>
chip_gen: v7x
topology: tpu7x:2x2x1
jax: 0.10.2.dev20260603
libtpu: 0.0.44.dev20260713+nightly
codegen_flags: <defaults>
</compile_context>

<pallas_src>
import functools

import jax
import jax.numpy as jnp
from jax import lax
from jax.experimental import pallas as pl
from jax.experimental.pallas import tpu as pltpu
from jax.experimental.pallas import tpu_sc as plsc

N_NODES = 10000
N_EDGES = 320000
IN_DIM = 128
HID = 64
NUM_GRAPHS = 128
N_HEADS = 5

NC = 2
NS = 16
NW = NC * NS
EC = 128
EK = 80
E_PAD = NW * EK * EC
NR = 10240
GARBAGE_ROW = 10200

PK = 5
PC = 64
POOL_W = HID + 16
POOL_R = 256

_vmesh = plsc.VectorSubcoreMesh(core_axis_name="c", subcore_axis_name="s")
_sc_params = pltpu.CompilerParams(use_tc_tiling_on_sc=False)


def _worker_id():
    return lax.axis_index("c") * NS + lax.axis_index("s")


def _zero_shared_slab(zbuf, acc_sh, rows_per_copy, copies_per_sub):
    sid = lax.axis_index("s")
    width = zbuf.shape[-1]
    vw = 32 if zbuf.dtype == jnp.bfloat16 else 16

    @pl.loop(0, zbuf.shape[0])
    def _(i):
        @pl.loop(0, width // vw)
        def _(c):
            zbuf[i, pl.ds(c * vw, vw)] = jnp.zeros((vw,), zbuf.dtype)

    base = sid * rows_per_copy * copies_per_sub

    @pl.loop(0, copies_per_sub)
    def _(t):
        pltpu.sync_copy(zbuf, acc_sh.at[pl.ds(base + t * rows_per_copy,
                                              rows_per_copy)])


@functools.partial(
    pl.kernel,
    out_type=jax.ShapeDtypeStruct((NC, NR, 16), jnp.float32),
    mesh=_vmesh,
    scratch_types=[
        pltpu.VMEM((EK, EC), jnp.int32),
        pltpu.VMEM((EC, 16), jnp.float32),
        pltpu.VMEM((128, 16), jnp.float32),
        pltpu.VMEM_SHARED((NR, 16), jnp.float32),
    ],
    compiler_params=_sc_params,
)
def _deg_sc(dst_hbm, out_hbm, idx_v, ones_v, zbuf, acc_sh):
    cid = lax.axis_index("c")
    sid = lax.axis_index("s")
    wid = _worker_id()

    @pl.loop(0, EC)
    def _(i):
        ones_v[i, :] = jnp.ones((16,), jnp.float32)

    _zero_shared_slab(zbuf, acc_sh, 128, NR // (128 * NS))
    plsc.subcore_barrier()

    pltpu.sync_copy(dst_hbm.at[wid], idx_v)

    @pl.loop(0, EK)
    def _(j):
        pltpu.sync_copy(ones_v, acc_sh.at[idx_v.at[j]], add=True)

    plsc.subcore_barrier()
    rows = NR // NS
    pltpu.sync_copy(acc_sh.at[pl.ds(sid * rows, rows)],
                    out_hbm.at[cid, pl.ds(sid * rows, rows)])


@functools.partial(
    pl.kernel,
    out_type=jax.ShapeDtypeStruct((NC, 2 * NR, HID), jnp.bfloat16),
    mesh=_vmesh,
    scratch_types=[
        pltpu.VMEM((EK, EC), jnp.int32),
        pltpu.VMEM((EK, EC), jnp.int32),
        pltpu.VMEM((EC, HID), jnp.bfloat16),
        pltpu.VMEM((EC, HID), jnp.bfloat16),
        pltpu.VMEM((EC, HID), jnp.bfloat16),
        pltpu.VMEM((EC, HID), jnp.bfloat16),
        pltpu.VMEM((128, HID), jnp.bfloat16),
        pltpu.VMEM_SHARED((2 * NR, HID), jnp.bfloat16),
        pltpu.VMEM_SHARED((N_NODES, HID), jnp.bfloat16),
        pltpu.SemaphoreType.DMA,
    ],
    compiler_params=_sc_params,
)
def _edge_sc(hp_hbm, src_hbm, dst_hbm, out_hbm,
             idxs_v, idxd_v, rows0, rows1, rows2, rows3, zbuf, acc_sh, hp_sh,
             sem):
    cid = lax.axis_index("c")
    sid = lax.axis_index("s")
    wid = _worker_id()

    _zero_shared_slab(zbuf, acc_sh, 128, 2 * NR // (128 * NS))
    hrows = N_NODES // NS
    pltpu.sync_copy(hp_hbm.at[pl.ds(sid * hrows, hrows)],
                    hp_sh.at[pl.ds(sid * hrows, hrows)])
    plsc.subcore_barrier()

    pltpu.sync_copy(src_hbm.at[wid], idxs_v)
    pltpu.sync_copy(dst_hbm.at[wid], idxd_v)

    pltpu.async_copy(hp_sh.at[idxs_v.at[0]], rows0, sem)

    @pl.loop(0, EK, step=2)
    def _(j):
        pltpu.make_async_copy(hp_sh.at[idxs_v.at[j]], rows0, sem).wait()
        pltpu.async_copy(hp_sh.at[idxs_v.at[j + 1]], rows1, sem)
        pltpu.sync_copy(rows0, acc_sh.at[idxd_v.at[j]], add=True)

        pltpu.make_async_copy(hp_sh.at[idxs_v.at[j + 1]], rows1, sem).wait()

        @pl.when(j + 2 < EK)
        def _():
            pltpu.async_copy(hp_sh.at[idxs_v.at[j + 2]], rows0, sem)

        pltpu.sync_copy(rows1, acc_sh.at[idxd_v.at[j + 1]], add=True)

    plsc.subcore_barrier()
    rows = 2 * NR // NS
    pltpu.sync_copy(acc_sh.at[pl.ds(sid * rows, rows)],
                    out_hbm.at[cid, pl.ds(sid * rows, rows)])


def _k1_body(dp_ref, x_ref, w_ref, hp_ref, dinv_ref):
    deg = dp_ref[0, 0:N_NODES, 0:1] + dp_ref[1, 0:N_NODES, 0:1] + 1.0
    dinv = lax.rsqrt(deg)
    dinv_ref[...] = dinv
    hp_ref[...] = (jnp.dot(x_ref[...], w_ref[...],
                           preferred_element_type=jnp.float32)
                   * dinv).astype(jnp.bfloat16)


_k1 = pl.pallas_call(
    _k1_body,
    out_shape=(
        jax.ShapeDtypeStruct((N_NODES, HID), jnp.bfloat16),
        jax.ShapeDtypeStruct((N_NODES, 1), jnp.float32),
    ),
)


def _gcn_bn_relu(accp_ref, hp_ref, dinv_ref, b_ref, g_ref, be_ref):
    acc = (accp_ref[0, 0:N_NODES, :].astype(jnp.float32)
           + accp_ref[0, NR:NR + N_NODES, :].astype(jnp.float32)
           + accp_ref[1, 0:N_NODES, :].astype(jnp.float32)
           + accp_ref[1, NR:NR + N_NODES, :].astype(jnp.float32)
           + hp_ref[...].astype(jnp.float32))
    gcn = acc * dinv_ref[...] + b_ref[...]
    m = jnp.mean(gcn, axis=0, keepdims=True)
    c = gcn - m
    v = jnp.mean(c * c, axis=0, keepdims=True)
    return jnp.maximum(g_ref[...] * c * lax.rsqrt(v + 1e-5) + be_ref[...], 0.0)


def _post_body(accp_ref, hp_ref, dinv_ref, b_ref, g_ref, be_ref, wn_ref,
               o_ref):
    h = _gcn_bn_relu(accp_ref, hp_ref, dinv_ref, b_ref, g_ref, be_ref)
    o_ref[...] = (jnp.dot(h, wn_ref[...], preferred_element_type=jnp.float32)
                  * dinv_ref[...]).astype(jnp.bfloat16)


_post = pl.pallas_call(
    _post_body,
    out_shape=jax.ShapeDtypeStruct((N_NODES, HID), jnp.bfloat16),
)


def _post3_body(accp_ref, hp_ref, dinv_ref, b_ref, g_ref, be_ref, o_ref):
    h = _gcn_bn_relu(accp_ref, hp_ref, dinv_ref, b_ref, g_ref, be_ref)
    o_ref[...] = jnp.concatenate(
        [h, jnp.ones((N_NODES, 16), jnp.float32)], axis=1)


_post3 = pl.pallas_call(
    _post3_body,
    out_shape=jax.ShapeDtypeStruct((N_NODES, POOL_W), jnp.float32),
)


def _head_body(h_ref, batch_ref, w1_ref, b1_ref, w2t_ref, b2_ref, o_ref):
    gids = lax.broadcasted_iota(jnp.int32, (NUM_GRAPHS, N_NODES), 0)
    mask = (batch_ref[...] == gids).astype(jnp.float32)
    s = jnp.dot(mask, h_ref[...], preferred_element_type=jnp.float32)
    sums = s[:, 0:HID]
    counts = s[:, HID:HID + 1]
    pooled = sums / jnp.maximum(counts, 1.0)
    z = jnp.maximum(
        jnp.dot(pooled, w1_ref[...], preferred_element_type=jnp.float32)
        + b1_ref[...], 0.0)
    o_ref[...] = lax.dot_general(
        w2t_ref[...], z, (((1,), (1,)), ((), ())),
        preferred_element_type=jnp.float32) + b2_ref[...]


_head = pl.pallas_call(
    _head_body,
    out_shape=jax.ShapeDtypeStruct((N_HEADS, NUM_GRAPHS), jnp.float32),
)


def kernel(x, edge_index, edge_attr, batch,
           W1, b1, g1, be1, W2, b2, g2, be2, W3, b3, g3, be3,
           Wh1, bh1, Wh2, bh2):
    del edge_attr

    src = edge_index[0]
    dst = edge_index[1]
    srcp = jnp.pad(src, (0, E_PAD - N_EDGES)).reshape(NW, EK, EC)
    dstp = jnp.pad(dst, (0, E_PAD - N_EDGES),
                   constant_values=GARBAGE_ROW).reshape(NW, EK, EC)
    dstp2 = dstp + (jnp.arange(EK, dtype=jnp.int32) % 2)[None, :, None] * NR

    b1r, g1r, be1r = b1.reshape(1, HID), g1.reshape(1, HID), be1.reshape(1, HID)
    b2r, g2r, be2r = b2.reshape(1, HID), g2.reshape(1, HID), be2.reshape(1, HID)
    b3r, g3r, be3r = b3.reshape(1, HID), g3.reshape(1, HID), be3.reshape(1, HID)
    w1h = Wh1.transpose(1, 0, 2).reshape(HID, N_HEADS * 32)
    b1h = bh1.reshape(1, N_HEADS * 32)
    w2 = Wh2[:, :, 0]
    w2t = (jnp.eye(N_HEADS, dtype=jnp.float32)[:, :, None]
           * w2[:, None, :]).reshape(N_HEADS, N_HEADS * 32)
    b2h = bh2[:, 0:1]

    degp = _deg_sc(dstp)
    h1p, dinv = _k1(degp, x, W1)

    acc1 = _edge_sc(h1p, srcp, dstp2)
    h2p = _post(acc1, h1p, dinv, b1r, g1r, be1r, W2)
    acc2 = _edge_sc(h2p, srcp, dstp2)
    h3p = _post(acc2, h2p, dinv, b2r, g2r, be2r, W3)
    acc3 = _edge_sc(h3p, srcp, dstp2)
    h3aug = _post3(acc3, h3p, dinv, b3r, g3r, be3r)

    return _head(h3aug, batch.reshape(1, N_NODES), w1h, b1h, w2t, b2h)

# --- scband reference (transcript-rebuilt; emitter-appended) ---
"""Pipeline reference for scband-molecular-gnn-9964324126753 (READ-ONLY COPY).

The authoritative reference and input builder live on the scoring server;
editing this copy changes nothing except your own understanding.
"""

import jax, jax.numpy as jnp
import numpy as np

N_NODES = 10000
N_EDGES = 320000
IN_DIM = 128
HID = 64
NUM_GRAPHS = 128
N_HEADS = 5


def setup_inputs(seed: int = 0) -> dict:
    key = jax.random.key(seed)
    ks = jax.random.split(key, 16)
    x = jax.random.normal(ks[0], (N_NODES, IN_DIM), dtype=jnp.float32)
    edge_index = jax.random.randint(ks[1], (2, N_EDGES), 0, N_NODES, dtype=jnp.int32)
    edge_attr = jax.random.normal(ks[2], (N_EDGES, 16), dtype=jnp.float32)
    batch = jnp.sort(jax.random.randint(ks[3], (N_NODES,), 0, NUM_GRAPHS, dtype=jnp.int32))

    def lin(k, fan_in, shape):
        return jax.random.normal(k, shape, dtype=jnp.float32) / np.sqrt(fan_in)

    inp = {"x": x, "edge_index": edge_index, "edge_attr": edge_attr, "batch": batch}
    inp["W1"] = lin(ks[4], IN_DIM, (IN_DIM, HID)); inp["b1"] = jnp.zeros((HID,), jnp.float32)
    inp["g1"] = jnp.ones((HID,), jnp.float32); inp["be1"] = jnp.zeros((HID,), jnp.float32)
    inp["W2"] = lin(ks[5], HID, (HID, HID)); inp["b2"] = jnp.zeros((HID,), jnp.float32)
    inp["g2"] = jnp.ones((HID,), jnp.float32); inp["be2"] = jnp.zeros((HID,), jnp.float32)
    inp["W3"] = lin(ks[6], HID, (HID, HID)); inp["b3"] = jnp.zeros((HID,), jnp.float32)
    inp["g3"] = jnp.ones((HID,), jnp.float32); inp["be3"] = jnp.zeros((HID,), jnp.float32)
    inp["Wh1"] = lin(ks[7], HID, (N_HEADS, HID, HID // 2)); inp["bh1"] = jnp.zeros((N_HEADS, HID // 2), jnp.float32)
    inp["Wh2"] = lin(ks[8], HID // 2, (N_HEADS, HID // 2, 1)); inp["bh2"] = jnp.zeros((N_HEADS, 1), jnp.float32)
    return inp


def _gcn(x, src, dst, W, b):
    # PyG GCNConv: self-loops already appended to src/dst by caller
    N = x.shape[0]
    deg = jax.ops.segment_sum(jnp.ones_like(dst, dtype=x.dtype), dst, num_segments=N)
    dinv = jax.lax.rsqrt(jnp.maximum(deg, 1.0))
    norm = dinv[src] * dinv[dst]
    h = x @ W
    out = jax.ops.segment_sum(h[src] * norm[:, None], dst, num_segments=N)
    return out + b


def _bn(x, g, b, eps=1e-5):
    m = x.mean(0)
    v = x.var(0)
    return g * (x - m) * jax.lax.rsqrt(v + eps) + b


def reference(x, edge_index, edge_attr, batch, W1, b1, g1, be1, W2, b2, g2, be2, W3, b3, g3, be3, Wh1, bh1, Wh2, bh2):
    N = x.shape[0]
    loop = jnp.arange(N, dtype=edge_index.dtype)
    src = jnp.concatenate([edge_index[0], loop])
    dst = jnp.concatenate([edge_index[1], loop])
    h = jax.nn.relu(_bn(_gcn(x, src, dst, W1, b1), g1, be1))
    h = jax.nn.relu(_bn(_gcn(h, src, dst, W2, b2), g2, be2))
    h = jax.nn.relu(_bn(_gcn(h, src, dst, W3, b3), g3, be3))
    sums = jax.ops.segment_sum(h, batch, num_segments=NUM_GRAPHS)
    counts = jax.ops.segment_sum(jnp.ones((N,), h.dtype), batch, num_segments=NUM_GRAPHS)
    pooled = sums / jnp.maximum(counts, 1.0)[:, None]
    z = jax.nn.relu(jnp.einsum('gd,hdk->hgk', pooled, Wh1) + bh1[:, None, :])
    out = jnp.einsum('hgk,hko->hgo', z, Wh2) + bh2[:, None, :]
    return out[..., 0]  # [5 heads, NUM_GRAPHS] (Tg, FFV, Tc, Density, Rg)

if __name__ == "__main__":
    import jax
    _d = setup_inputs()
    print(jax.jit(kernel)(*tuple(_d.values())))

</pallas_src>

<mosaic_0001>
#map = affine_map<(d0, d1) -> (0, 0, 0)>
module attributes {stable_mosaic.version = 14 : i64} {
  func.func @_deg_sc(%arg0: i32, %arg1: i32, %arg2: memref<32x80x128xi32, #tpu.memory_space<hbm>>, %arg3: memref<2x10240x16xf32, #tpu.memory_space<hbm>>, %arg4: memref<80x128xi32, #tpu.memory_space<vmem>>, %arg5: memref<128x16xf32, #tpu.memory_space<vmem>>, %arg6: memref<128x16xf32, #tpu.memory_space<vmem>>, %arg7: memref<10240x16xf32, #tpu.memory_space<vmem_shared>>) attributes {dimension_semantics = [#tpu.dimension_semantics<core_parallel>, #tpu.dimension_semantics<subcore_parallel>], iteration_bounds = array<i64: 2, 16>, scalar_prefetch = 0 : i64, scratch_operands = 4 : i64, tpu.core_type = #tpu.core_type<sc_vector_subcore>, window_params = [{transform_indices = #map}, {transform_indices = #map}]} {
    %mul3A = arith.constant 16 : i32
    %mul3A_0 = arith.muli %arg0, %mul3A : i32
    %add3A = arith.addi %mul3A_0, %arg1 : i32
    %scan3A = arith.constant 0 : i32
    %scan3A_1 = arith.constant 128 : i32
    %scan3A_2 = arith.addi %scan3A, %scan3A_1 : i32
    %scan3A_3 = arith.constant 1 : i32
    scf.for %scan3A_29 = %scan3A to %scan3A_2 step %scan3A_3  : i32 {
      %mul3A_30 = arith.constant 1 : i32
      %mul3A_31 = arith.muli %scan3A_29, %mul3A_30 : i32
      %add3A_32 = arith.constant 0 : i32
      %add3A_33 = arith.addi %add3A_32, %mul3A_31 : i32
      %broadcast_in_dim3A = arith.constant 1.000000e+00 : f32
      %broadcast_in_dim3A_34 = vector.broadcast %broadcast_in_dim3A : f32 to vector<16xf32>
      %swap3A = arith.index_cast %add3A_33 : i32 to index
      %swap3A_35 = arith.constant 0 : index
      %swap3A_36 = tpu.vector_load %arg5[%swap3A, %swap3A_35] {strides = array<i32>} : memref<128x16xf32, #tpu.memory_space<vmem>>, vector<1x16xf32>,
      %swap3A_37 = vector.shape_cast %swap3A_36 : vector<1x16xf32> to vector<16xf32>
      %swap3A_38 = vector.shape_cast %broadcast_in_dim3A_34 : vector<16xf32> to vector<1x16xf32>
      tpu.vector_store %arg5[%swap3A, %swap3A_35], %swap3A_38 {strides = array<i32>} : memref<128x16xf32, #tpu.memory_space<vmem>>, vector<1x16xf32>,
    }
    %scan3A_4 = arith.constant 128 : i32
    %scan3A_5 = arith.constant 0 : i32
    %scan3A_6 = arith.constant 128 : i32
    %scan3A_7 = arith.addi %scan3A_5, %scan3A_6 : i32
    %scan3A_8 = arith.constant 1 : i32
    scf.for %scan3A_29 = %scan3A_5 to %scan3A_7 step %scan3A_8  : i32 {
      %mul3A_30 = arith.constant 1 : i32
      %mul3A_31 = arith.muli %scan3A_29, %mul3A_30 : i32
      %add3A_32 = arith.constant 0 : i32
      %add3A_33 = arith.addi %add3A_32, %mul3A_31 : i32
      %scan3A_34 = arith.constant 0 : i32
      %mul3A_35 = arith.constant 1 : i32
      %mul3A_36 = arith.muli %scan3A_34, %mul3A_35 : i32
      %add3A_37 = arith.constant 0 : i32
      %add3A_38 = arith.addi %add3A_37, %mul3A_36 : i32
      %broadcast_in_dim3A = arith.constant 0.000000e+00 : f32
      %broadcast_in_dim3A_39 = vector.broadcast %broadcast_in_dim3A : f32 to vector<16xf32>
      %mul3A_40 = arith.constant 16 : i32
      %mul3A_41 = arith.muli %add3A_38, %mul3A_40 : i32
      %swap3A = arith.index_cast %add3A_33 : i32 to index
      %swap3A_42 = arith.index_cast %mul3A_41 : i32 to index
      %swap3A_43 = tpu.vector_load %arg6[%swap3A, %swap3A_42] {strides = array<i32>} : memref<128x16xf32, #tpu.memory_space<vmem>>, vector<1x16xf32>,
      %swap3A_44 = vector.shape_cast %swap3A_43 : vector<1x16xf32> to vector<16xf32>
      %swap3A_45 = vector.shape_cast %broadcast_in_dim3A_39 : vector<16xf32> to vector<1x16xf32>
      tpu.vector_store %arg6[%swap3A, %swap3A_42], %swap3A_45 {strides = array<i32>} : memref<128x16xf32, #tpu.memory_space<vmem>>, vector<1x16xf32>,
      %scan3A_46 = arith.constant 1 : i32
    }
    %scan3A_9 = arith.constant 128 : i32
    %mul3A_10 = arith.constant 128 : i32
    %mul3A_11 = arith.muli %arg1, %mul3A_10 : i32
    %mul3A_12 = arith.constant 5 : i32
    %mul3A_13 = arith.muli %mul3A_11, %mul3A_12 : i32
    %scan3A_14 = arith.constant 0 : i32
    %scan3A_15 = arith.constant 5 : i32
    %scan3A_16 = arith.addi %scan3A_14, %scan3A_15 : i32
    %scan3A_17 = arith.constant 1 : i32
    scf.for %scan3A_29 = %scan3A_14 to %scan3A_16 step %scan3A_17  : i32 {
      %mul3A_30 = arith.constant 1 : i32
      %mul3A_31 = arith.muli %scan3A_29, %mul3A_30 : i32
      %add3A_32 = arith.constant 0 : i32
      %add3A_33 = arith.addi %add3A_32, %mul3A_31 : i32
      %mul3A_34 = arith.constant 128 : i32
      %mul3A_35 = arith.muli %add3A_33, %mul3A_34 : i32
      %add3A_36 = arith.addi %mul3A_13, %mul3A_35 : i32
      "tpu.region"() ({
        %run_scoped3A = tpu.sem_alloc : memref<!tpu.dma_semaphore, #tpu.memory_space<semaphore_mem>>
        %dma_start3A = arith.constant 0 : i32
        %dma_start3A_37 = tpu.memref_slice %arg7[%add3A_36, %dma_start3A] : memref<10240x16xf32, #tpu.memory_space<vmem_shared>> -> memref<128x16xf32, #tpu.memory_space<vmem_shared>>
        %dma_start3A_38 = arith.constant 0 : i32
        %dma_start3A_39 = tpu.memref_slice %arg7[%add3A_36, %dma_start3A_38] : memref<10240x16xf32, #tpu.memory_space<vmem_shared>> -> memref<128x16xf32, #tpu.memory_space<vmem_shared>>
        tpu.enqueue_dma source(%arg6 : memref<128x16xf32, #tpu.memory_space<vmem>>) target(%dma_start3A_39 : memref<128x16xf32, #tpu.memory_space<vmem_shared>>) target_semaphore(%run_scoped3A : memref<!tpu.dma_semaphore, #tpu.memory_space<semaphore_mem>>)
        %dma_wait3A = arith.constant 0 : i32
        %dma_wait3A_40 = tpu.memref_slice %arg7[%add3A_36, %dma_wait3A] : memref<10240x16xf32, #tpu.memory_space<vmem_shared>> -> memref<128x16xf32, #tpu.memory_space<vmem_shared>>
        %dma_wait3A_41 = arith.constant 0 : i32
        %dma_wait3A_42 = tpu.memref_slice %arg7[%add3A_36, %dma_wait3A_41] : memref<10240x16xf32, #tpu.memory_space<vmem_shared>> -> memref<128x16xf32, #tpu.memory_space<vmem_shared>>
        tpu.wait_dma2 semaphore(%run_scoped3A : memref<!tpu.dma_semaphore, #tpu.memory_space<semaphore_mem>>) src(%arg6 : memref<128x16xf32, #tpu.memory_space<vmem>>) dst(%dma_wait3A_42 : memref<128x16xf32, #tpu.memory_space<vmem_shared>>)
        tpu.yield
      }) : () -> ()
    }
    %scan3A_18 = arith.constant 5 : i32
    %barrier3A = arith.constant 0 : index
    tpu.barrier barrier_id(%barrier3A)
    "tpu.region"() ({
      %run_scoped3A = tpu.sem_alloc : memref<!tpu.dma_semaphore, #tpu.memory_space<semaphore_mem>>
      %dma_start3A = arith.constant 0 : i32
      %dma_start3A_29 = arith.constant 0 : i32
      %dma_start3A_30 = tpu.memref_slice %arg2[%add3A, %dma_start3A, %dma_start3A_29] : memref<32x80x128xi32, #tpu.memory_space<hbm>> -> memref<1x80x128xi32, #tpu.memory_space<hbm>>
      %dma_start3A_31 = tpu.memref_squeeze %dma_start3A_30 : memref<1x80x128xi32, #tpu.memory_space<hbm>> -> memref<80x128xi32, #tpu.memory_space<hbm>>
      %dma_start3A_32 = arith.constant 0 : i32
      %dma_start3A_33 = arith.constant 0 : i32
      %dma_start3A_34 = tpu.memref_slice %arg2[%add3A, %dma_start3A_32, %dma_start3A_33] : memref<32x80x128xi32, #tpu.memory_space<hbm>> -> memref<1x80x128xi32, #tpu.memory_space<hbm>>
      %dma_start3A_35 = tpu.memref_squeeze %dma_start3A_34 : memref<1x80x128xi32, #tpu.memory_space<hbm>> -> memref<80x128xi32, #tpu.memory_space<hbm>>
      tpu.enqueue_dma source(%dma_start3A_35 : memref<80x128xi32, #tpu.memory_space<hbm>>) target(%arg4 : memref<80x128xi32, #tpu.memory_space<vmem>>) target_semaphore(%run_scoped3A : memref<!tpu.dma_semaphore, #tpu.memory_space<semaphore_mem>>)
      %dma_wait3A = arith.constant 0 : i32
      %dma_wait3A_36 = arith.constant 0 : i32
      %dma_wait3A_37 = tpu.memref_slice %arg2[%add3A, %dma_wait3A, %dma_wait3A_36] : memref<32x80x128xi32, #tpu.memory_space<hbm>> -> memref<1x80x128xi32, #tpu.memory_space<hbm>>
      %dma_wait3A_38 = tpu.memref_squeeze %dma_wait3A_37 : memref<1x80x128xi32, #tpu.memory_space<hbm>> -> memref<80x128xi32, #tpu.memory_space<hbm>>
      %dma_wait3A_39 = arith.constant 0 : i32
      %dma_wait3A_40 = arith.constant 0 : i32
      %dma_wait3A_41 = tpu.memref_slice %arg2[%add3A, %dma_wait3A_39, %dma_wait3A_40] : memref<32x80x128xi32, #tpu.memory_space<hbm>> -> memref<1x80x128xi32, #tpu.memory_space<hbm>>
      %dma_wait3A_42 = tpu.memref_squeeze %dma_wait3A_41 : memref<1x80x128xi32, #tpu.memory_space<hbm>> -> memref<80x128xi32, #tpu.memory_space<hbm>>
      tpu.wait_dma2 semaphore(%run_scoped3A : memref<!tpu.dma_semaphore, #tpu.memory_space<semaphore_mem>>) src(%dma_wait3A_42 : memref<80x128xi32, #tpu.memory_space<hbm>>) dst(%arg4 : memref<80x128xi32, #tpu.memory_space<vmem>>)
      tpu.yield
    }) : () -> ()
    %scan3A_19 = arith.constant 0 : i32
    %scan3A_20 = arith.constant 80 : i32
    %scan3A_21 = arith.addi %scan3A_19, %scan3A_20 : i32
    %scan3A_22 = arith.constant 1 : i32
    scf.for %scan3A_29 = %scan3A_19 to %scan3A_21 step %scan3A_22  : i32 {
      %mul3A_30 = arith.constant 1 : i32
      %mul3A_31 = arith.muli %scan3A_29, %mul3A_30 : i32
      %add3A_32 = arith.constant 0 : i32
      %add3A_33 = arith.addi %add3A_32, %mul3A_31 : i32
      "tpu.region"() ({
        %run_scoped3A = tpu.sem_alloc : memref<!tpu.dma_semaphore, #tpu.memory_space<semaphore_mem>>
        %dma_start3A = arith.constant 0 : i32
        %dma_start3A_34 = tpu.memref_slice %arg4[%add3A_33, %dma_start3A] : memref<80x128xi32, #tpu.memory_space<vmem>> -> memref<1x128xi32, #tpu.memory_space<vmem>>
        %dma_start3A_35 = tpu.memref_squeeze %dma_start3A_34 : memref<1x128xi32, #tpu.memory_space<vmem>> -> memref<128xi32, #tpu.memory_space<vmem>>
        %dma_start3A_36 = arith.constant 0 : i32
        %dma_start3A_37 = arith.constant 0 : i32
        %dma_start3A_38 = tpu.memref_slice %arg7[%dma_start3A_36, %dma_start3A_37] : memref<10240x16xf32, #tpu.memory_space<vmem_shared>> -> memref<10240x16xf32, #tpu.memory_space<vmem_shared>>
        tpu.enqueue_indirect_dma source(%arg5 : memref<128x16xf32, #tpu.memory_space<vmem>>) target(%dma_start3A_38 : memref<10240x16xf32, #tpu.memory_space<vmem_shared>>) offsets(%dma_start3A_35 : memref<128xi32, #tpu.memory_space<vmem>>) semaphore(%run_scoped3A : memref<!tpu.dma_semaphore, #tpu.memory_space<semaphore_mem>>) {add = true}
        %dma_wait3A = arith.constant 0 : i32
        %dma_wait3A_39 = tpu.memref_slice %arg4[%add3A_33, %dma_wait3A] : memref<80x128xi32, #tpu.memory_space<vmem>> -> memref<1x128xi32, #tpu.memory_space<vmem>>
        %dma_wait3A_40 = tpu.memref_squeeze %dma_wait3A_39 : memref<1x128xi32, #tpu.memory_space<vmem>> -> memref<128xi32, #tpu.memory_space<vmem>>
        %dma_wait3A_41 = arith.constant 0 : i32
        %dma_wait3A_42 = arith.constant 0 : i32
        %dma_wait3A_43 = tpu.memref_slice %arg7[%dma_wait3A_41, %dma_wait3A_42] : memref<10240x16xf32, #tpu.memory_space<vmem_shared>> -> memref<10240x16xf32, #tpu.memory_space<vmem_shared>>
        tpu.wait_indirect_dma semaphore(%run_scoped3A : memref<!tpu.dma_semaphore, #tpu.memory_space<semaphore_mem>>) src(%arg5 : memref<128x16xf32, #tpu.memory_space<vmem>>) dst(%dma_wait3A_43 : memref<10240x16xf32, #tpu.memory_space<vmem_shared>>)
        tpu.yield
      }) : () -> ()
    }
    %scan3A_23 = arith.constant 80 : i32
    %barrier3A_24 = arith.constant 0 : index
    tpu.barrier barrier_id(%barrier3A_24)
    %mul3A_25 = arith.constant 640 : i32
    %mul3A_26 = arith.muli %arg1, %mul3A_25 : i32
    %mul3A_27 = arith.constant 640 : i32
    %mul3A_28 = arith.muli %arg1, %mul3A_27 : i32
    "tpu.region"() ({
      %run_scoped3A = tpu.sem_alloc : memref<!tpu.dma_semaphore, #tpu.memory_space<semaphore_mem>>
      %dma_start3A = arith.constant 0 : i32
      %dma_start3A_29 = tpu.memref_slice %arg3[%arg0, %mul3A_28, %dma_start3A] : memref<2x10240x16xf32, #tpu.memory_space<hbm>> -> memref<1x640x16xf32, #tpu.memory_space<hbm>>
      %dma_start3A_30 = tpu.memref_squeeze %dma_start3A_29 : memref<1x640x16xf32, #tpu.memory_space<hbm>> -> memref<640x16xf32, #tpu.memory_space<hbm>>
      %dma_start3A_31 = arith.constant 0 : i32
      %dma_start3A_32 = tpu.memref_slice %arg7[%mul3A_26, %dma_start3A_31] : memref<10240x16xf32, #tpu.memory_space<vmem_shared>> -> memref<640x16xf32, #tpu.memory_space<vmem_shared>>
      tpu.enqueue_dma source(%dma_start3A_32 : memref<640x16xf32, #tpu.memory_space<vmem_shared>>) target(%dma_start3A_30 : memref<640x16xf32, #tpu.memory_space<hbm>>) target_semaphore(%run_scoped3A : memref<!tpu.dma_semaphore, #tpu.memory_space<semaphore_mem>>)
      %dma_wait3A = arith.constant 0 : i32
      %dma_wait3A_33 = tpu.memref_slice %arg3[%arg0, %mul3A_28, %dma_wait3A] : memref<2x10240x16xf32, #tpu.memory_space<hbm>> -> memref<1x640x16xf32, #tpu.memory_space<hbm>>
      %dma_wait3A_34 = tpu.memref_squeeze %dma_wait3A_33 : memref<1x640x16xf32, #tpu.memory_space<hbm>> -> memref<640x16xf32, #tpu.memory_space<hbm>>
      %dma_wait3A_35 = arith.constant 0 : i32
      %dma_wait3A_36 = tpu.memref_slice %arg7[%mul3A_26, %dma_wait3A_35] : memref<10240x16xf32, #tpu.memory_space<vmem_shared>> -> memref<640x16xf32, #tpu.memory_space<vmem_shared>>
      tpu.wait_dma2 semaphore(%run_scoped3A : memref<!tpu.dma_semaphore, #tpu.memory_space<semaphore_mem>>) src(%dma_wait3A_36 : memref<640x16xf32, #tpu.memory_space<vmem_shared>>) dst(%dma_wait3A_34 : memref<640x16xf32, #tpu.memory_space<hbm>>)
      tpu.yield
    }) : () -> ()
    return
  }
}

#map = affine_map<(d0, d1) -> (0, 0)>
#map1 = affine_map<(d0, d1) -> (0, 0, 0)>
module attributes {stable_mosaic.version = 14 : i64} {
  func.func @_edge_sc(%arg0: i32, %arg1: i32, %arg2: memref<10000x64xbf16, #tpu.memory_space<hbm>>, %arg3: memref<32x80x128xi32, #tpu.memory_space<hbm>>, %arg4: memref<32x80x128xi32, #tpu.memory_space<hbm>>, %arg5: memref<2x20480x64xbf16, #tpu.memory_space<hbm>>, %arg6: memref<80x128xi32, #tpu.memory_space<vmem>>, %arg7: memref<80x128xi32, #tpu.memory_space<vmem>>, %arg8: memref<128x64xbf16, #tpu.memory_space<vmem>>, %arg9: memref<128x64xbf16, #tpu.memory_space<vmem>>, %arg10: memref<128x64xbf16, #tpu.memory_space<vmem>>, %arg11: memref<128x64xbf16, #tpu.memory_space<vmem>>, %arg12: memref<128x64xbf16, #tpu.memory_space<vmem>>, %arg13: memref<20480x64xbf16, #tpu.memory_space<vmem_shared>>, %arg14: memref<10000x64xbf16, #tpu.memory_space<vmem_shared>>, %arg15: memref<!tpu.dma_semaphore, #tpu.memory_space<semaphore_mem>>) attributes {dimension_semantics = [#tpu.dimension_semantics<core_parallel>, #tpu.dimension_semantics<subcore_parallel>], iteration_bounds = array<i64: 2, 16>, scalar_prefetch = 0 : i64, scratch_operands = 10 : i64, tpu.core_type = #tpu.core_type<sc_vector_subcore>, window_params = [{transform_indices = #map}, {transform_indices = #map1}, {transform_indices = #map1}, {transform_indices = #map1}]} {
    %mul3A = arith.constant 16 : i32
    %mul3A_0 = arith.muli %arg0, %mul3A : i32
    %add3A = arith.addi %mul3A_0, %arg1 : i32
    %scan3A = arith.constant 0 : i32
    %scan3A_1 = arith.constant 128 : i32
    %scan3A_2 = arith.addi %scan3A, %scan3A_1 : i32
    %scan3A_3 = arith.constant 1 : i32
    scf.for %scan3A_34 = %scan3A to %scan3A_2 step %scan3A_3  : i32 {
      %mul3A_35 = arith.constant 1 : i32
      %mul3A_36 = arith.muli %scan3A_34, %mul3A_35 : i32
      %add3A_37 = arith.constant 0 : i32
      %add3A_38 = arith.addi %add3A_37, %mul3A_36 : i32
      %scan3A_39 = arith.constant 0 : i32
      %scan3A_40 = arith.constant 2 : i32
      %scan3A_41 = arith.addi %scan3A_39, %scan3A_40 : i32
      %scan3A_42 = arith.constant 1 : i32
      scf.for %scan3A_44 = %scan3A_39 to %scan3A_41 step %scan3A_42  : i32 {
        %mul3A_45 = arith.constant 1 : i32
        %mul3A_46 = arith.muli %scan3A_44, %mul3A_45 : i32
        %add3A_47 = arith.constant 0 : i32
        %add3A_48 = arith.addi %add3A_47, %mul3A_46 : i32
        %broadcast_in_dim3A = arith.constant 0.000000e+00 : bf16
        %broadcast_in_dim3A_49 = vector.broadcast %broadcast_in_dim3A : bf16 to vector<32xbf16>
        %mul3A_50 = arith.constant 32 : i32
        %mul3A_51 = arith.muli %add3A_48, %mul3A_50 : i32
        %swap3A = arith.index_cast %add3A_38 : i32 to index
        %swap3A_52 = arith.index_cast %mul3A_51 : i32 to index
        %swap3A_53 = tpu.vector_load %arg12[%swap3A, %swap3A_52] {strides = array<i32>} : memref<128x64xbf16, #tpu.memory_space<vmem>>, vector<1x32xbf16>,
        %swap3A_54 = vector.shape_cast %swap3A_53 : vector<1x32xbf16> to vector<32xbf16>
        %swap3A_55 = vector.shape_cast %broadcast_in_dim3A_49 : vector<32xbf16> to vector<1x32xbf16>
        tpu.vector_store %arg12[%swap3A, %swap3A_52], %swap3A_55 {strides = array<i32>} : memref<128x64xbf16, #tpu.memory_space<vmem>>, vector<1x32xbf16>,
      }
      %scan3A_43 = arith.constant 2 : i32
    }
    %scan3A_4 = arith.constant 128 : i32
    %mul3A_5 = arith.constant 128 : i32
    %mul3A_6 = arith.muli %arg1, %mul3A_5 : i32
    %mul3A_7 = arith.constant 10 : i32
    %mul3A_8 = arith.muli %mul3A_6, %mul3A_7 : i32
    %scan3A_9 = arith.constant 0 : i32
    %scan3A_10 = arith.constant 10 : i32
    %scan3A_11 = arith.addi %scan3A_9, %scan3A_10 : i32
    %scan3A_12 = arith.constant 1 : i32
    scf.for %scan3A_34 = %scan3A_9 to %scan3A_11 step %scan3A_12  : i32 {
      %mul3A_35 = arith.constant 1 : i32
      %mul3A_36 = arith.muli %scan3A_34, %mul3A_35 : i32
      %add3A_37 = arith.constant 0 : i32
      %add3A_38 = arith.addi %add3A_37, %mul3A_36 : i32
      %mul3A_39 = arith.constant 128 : i32
      %mul3A_40 = arith.muli %add3A_38, %mul3A_39 : i32
      %add3A_41 = arith.addi %mul3A_8, %mul3A_40 : i32
      "tpu.region"() ({
        %run_scoped3A = tpu.sem_alloc : memref<!tpu.dma_semaphore, #tpu.memory_space<semaphore_mem>>
        %dma_start3A_42 = arith.constant 0 : i32
        %dma_start3A_43 = tpu.memref_slice %arg13[%add3A_41, %dma_start3A_42] : memref<20480x64xbf16, #tpu.memory_space<vmem_shared>> -> memref<128x64xbf16, #tpu.memory_space<vmem_shared>>
        %dma_start3A_44 = arith.constant 0 : i32
        %dma_start3A_45 = tpu.memref_slice %arg13[%add3A_41, %dma_start3A_44] : memref<20480x64xbf16, #tpu.memory_space<vmem_shared>> -> memref<128x64xbf16, #tpu.memory_space<vmem_shared>>
        tpu.enqueue_dma source(%arg12 : memref<128x64xbf16, #tpu.memory_space<vmem>>) target(%dma_start3A_45 : memref<128x64xbf16, #tpu.memory_space<vmem_shared>>) target_semaphore(%run_scoped3A : memref<!tpu.dma_semaphore, #tpu.memory_space<semaphore_mem>>)
        %dma_wait3A = arith.constant 0 : i32
        %dma_wait3A_46 = tpu.memref_slice %arg13[%add3A_41, %dma_wait3A] : memref<20480x64xbf16, #tpu.memory_space<vmem_shared>> -> memref<128x64xbf16, #tpu.memory_space<vmem_shared>>
        %dma_wait3A_47 = arith.constant 0 : i32
        %dma_wait3A_48 = tpu.memref_slice %arg13[%add3A_41, %dma_wait3A_47] : memref<20480x64xbf16, #tpu.memory_space<vmem_shared>> -> memref<128x64xbf16, #tpu.memory_space<vmem_shared>>
        tpu.wait_dma2 semaphore(%run_scoped3A : memref<!tpu.dma_semaphore, #tpu.memory_space<semaphore_mem>>) src(%arg12 : memref<128x64xbf16, #tpu.memory_space<vmem>>) dst(%dma_wait3A_48 : memref<128x64xbf16, #tpu.memory_space<vmem_shared>>)
        tpu.yield
      }) : () -> ()
    }
    %scan3A_13 = arith.constant 10 : i32
    %mul3A_14 = arith.constant 625 : i32
    %mul3A_15 = arith.muli %arg1, %mul3A_14 : i32
    %mul3A_16 = arith.constant 625 : i32
    %mul3A_17 = arith.muli %arg1, %mul3A_16 : i32
    "tpu.region"() ({
      %run_scoped3A = tpu.sem_alloc : memref<!tpu.dma_semaphore, #tpu.memory_space<semaphore_mem>>
      %dma_start3A_34 = arith.constant 0 : i32
      %dma_start3A_35 = tpu.memref_slice %arg14[%mul3A_17, %dma_start3A_34] : memref<10000x64xbf16, #tpu.memory_space<vmem_shared>> -> memref<625x64xbf16, #tpu.memory_space<vmem_shared>>
      %dma_start3A_36 = arith.constant 0 : i32
      %dma_start3A_37 = tpu.memref_slice %arg2[%mul3A_15, %dma_start3A_36] : memref<10000x64xbf16, #tpu.memory_space<hbm>> -> memref<625x64xbf16, #tpu.memory_space<hbm>>
      tpu.enqueue_dma source(%dma_start3A_37 : memref<625x64xbf16, #tpu.memory_space<hbm>>) target(%dma_start3A_35 : memref<625x64xbf16, #tpu.memory_space<vmem_shared>>) target_semaphore(%run_scoped3A : memref<!tpu.dma_semaphore, #tpu.memory_space<semaphore_mem>>)
      %dma_wait3A = arith.constant 0 : i32
      %dma_wait3A_38 = tpu.memref_slice %arg14[%mul3A_17, %dma_wait3A] : memref<10000x64xbf16, #tpu.memory_space<vmem_shared>> -> memref<625x64xbf16, #tpu.memory_space<vmem_shared>>
      %dma_wait3A_39 = arith.constant 0 : i32
      %dma_wait3A_40 = tpu.memref_slice %arg2[%mul3A_15, %dma_wait3A_39] : memref<10000x64xbf16, #tpu.memory_space<hbm>> -> memref<625x64xbf16, #tpu.memory_space<hbm>>
      tpu.wait_dma2 semaphore(%run_scoped3A : memref<!tpu.dma_semaphore, #tpu.memory_space<semaphore_mem>>) src(%dma_wait3A_40 : memref<625x64xbf16, #tpu.memory_space<hbm>>) dst(%dma_wait3A_38 : memref<625x64xbf16, #tpu.memory_space<vmem_shared>>)
      tpu.yield
    }) : () -> ()
    %barrier3A = arith.constant 0 : index
    tpu.barrier barrier_id(%barrier3A)
    "tpu.region"() ({
      %run_scoped3A = tpu.sem_alloc : memref<!tpu.dma_semaphore, #tpu.memory_space<semaphore_mem>>
      %dma_start3A_34 = arith.constant 0 : i32
      %dma_start3A_35 = arith.constant 0 : i32
      %dma_start3A_36 = tpu.memref_slice %arg3[%add3A, %dma_start3A_34, %dma_start3A_35] : memref<32x80x128xi32, #tpu.memory_space<hbm>> -> memref<1x80x128xi32, #tpu.memory_space<hbm>>
      %dma_start3A_37 = tpu.memref_squeeze %dma_start3A_36 : memref<1x80x128xi32, #tpu.memory_space<hbm>> -> memref<80x128xi32, #tpu.memory_space<hbm>>
      %dma_start3A_38 = arith.constant 0 : i32
      %dma_start3A_39 = arith.constant 0 : i32
      %dma_start3A_40 = tpu.memref_slice %arg3[%add3A, %dma_start3A_38, %dma_start3A_39] : memref<32x80x128xi32, #tpu.memory_space<hbm>> -> memref<1x80x128xi32, #tpu.memory_space<hbm>>
      %dma_start3A_41 = tpu.memref_squeeze %dma_start3A_40 : memref<1x80x128xi32, #tpu.memory_space<hbm>> -> memref<80x128xi32, #tpu.memory_space<hbm>>
      tpu.enqueue_dma source(%dma_start3A_41 : memref<80x128xi32, #tpu.memory_space<hbm>>) target(%arg6 : memref<80x128xi32, #tpu.memory_space<vmem>>) target_semaphore(%run_scoped3A : memref<!tpu.dma_semaphore, #tpu.memory_space<semaphore_mem>>)
      %dma_wait3A = arith.constant 0 : i32
      %dma_wait3A_42 = arith.constant 0 : i32
      %dma_wait3A_43 = tpu.memref_slice %arg3[%add3A, %dma_wait3A, %dma_wait3A_42] : memref<32x80x128xi32, #tpu.memory_space<hbm>> -> memref<1x80x128xi32, #tpu.memory_space<hbm>>
      %dma_wait3A_44 = tpu.memref_squeeze %dma_wait3A_43 : memref<1x80x128xi32, #tpu.memory_space<hbm>> -> memref<80x128xi32, #tpu.memory_space<hbm>>
      %dma_wait3A_45 = arith.constant 0 : i32
      %dma_wait3A_46 = arith.constant 0 : i32
      %dma_wait3A_47 = tpu.memref_slice %arg3[%add3A, %dma_wait3A_45, %dma_wait3A_46] : memref<32x80x128xi32, #tpu.memory_space<hbm>> -> memref<1x80x128xi32, #tpu.memory_space<hbm>>
      %dma_wait3A_48 = tpu.memref_squeeze %dma_wait3A_47 : memref<1x80x128xi32, #tpu.memory_space<hbm>> -> memref<80x128xi32, #tpu.memory_space<hbm>>
      tpu.wait_dma2 semaphore(%run_scoped3A : memref<!tpu.dma_semaphore, #tpu.memory_space<semaphore_mem>>) src(%dma_wait3A_48 : memref<80x128xi32, #tpu.memory_space<hbm>>) dst(%arg6 : memref<80x128xi32, #tpu.memory_space<vmem>>)
      tpu.yield
    }) : () -> ()
    "tpu.region"() ({
      %run_scoped3A = tpu.sem_alloc : memref<!tpu.dma_semaphore, #tpu.memory_space<semaphore_mem>>
      %dma_start3A_34 = arith.constant 0 : i32
      %dma_start3A_35 = arith.constant 0 : i32
      %dma_start3A_36 = tpu.memref_slice %arg4[%add3A, %dma_start3A_34, %dma_start3A_35] : memref<32x80x128xi32, #tpu.memory_space<hbm>> -> memref<1x80x128xi32, #tpu.memory_space<hbm>>
      %dma_start3A_37 = tpu.memref_squeeze %dma_start3A_36 : memref<1x80x128xi32, #tpu.memory_space<hbm>> -> memref<80x128xi32, #tpu.memory_space<hbm>>
      %dma_start3A_38 = arith.constant 0 : i32
      %dma_start3A_39 = arith.constant 0 : i32
      %dma_start3A_40 = tpu.memref_slice %arg4[%add3A, %dma_start3A_38, %dma_start3A_39] : memref<32x80x128xi32, #tpu.memory_space<hbm>> -> memref<1x80x128xi32, #tpu.memory_space<hbm>>
      %dma_start3A_41 = tpu.memref_squeeze %dma_start3A_40 : memref<1x80x128xi32, #tpu.memory_space<hbm>> -> memref<80x128xi32, #tpu.memory_space<hbm>>
      tpu.enqueue_dma source(%dma_start3A_41 : memref<80x128xi32, #tpu.memory_space<hbm>>) target(%arg7 : memref<80x128xi32, #tpu.memory_space<vmem>>) target_semaphore(%run_scoped3A : memref<!tpu.dma_semaphore, #tpu.memory_space<semaphore_mem>>)
      %dma_wait3A = arith.constant 0 : i32
      %dma_wait3A_42 = arith.constant 0 : i32
      %dma_wait3A_43 = tpu.memref_slice %arg4[%add3A, %dma_wait3A, %dma_wait3A_42] : memref<32x80x128xi32, #tpu.memory_space<hbm>> -> memref<1x80x128xi32, #tpu.memory_space<hbm>>
      %dma_wait3A_44 = tpu.memref_squeeze %dma_wait3A_43 : memref<1x80x128xi32, #tpu.memory_space<hbm>> -> memref<80x128xi32, #tpu.memory_space<hbm>>
      %dma_wait3A_45 = arith.constant 0 : i32
      %dma_wait3A_46 = arith.constant 0 : i32
      %dma_wait3A_47 = tpu.memref_slice %arg4[%add3A, %dma_wait3A_45, %dma_wait3A_46] : memref<32x80x128xi32, #tpu.memory_space<hbm>> -> memref<1x80x128xi32, #tpu.memory_space<hbm>>
      %dma_wait3A_48 = tpu.memref_squeeze %dma_wait3A_47 : memref<1x80x128xi32, #tpu.memory_space<hbm>> -> memref<80x128xi32, #tpu.memory_space<hbm>>
      tpu.wait_dma2 semaphore(%run_scoped3A : memref<!tpu.dma_semaphore, #tpu.memory_space<semaphore_mem>>) src(%dma_wait3A_48 : memref<80x128xi32, #tpu.memory_space<hbm>>) dst(%arg7 : memref<80x128xi32, #tpu.memory_space<vmem>>)
      tpu.yield
    }) : () -> ()
    %dma_start3A = arith.constant 0 : i32
    %dma_start3A_18 = arith.constant 0 : i32
    %dma_start3A_19 = tpu.memref_slice %arg6[%dma_start3A, %dma_start3A_18] : memref<80x128xi32, #tpu.memory_space<vmem>> -> memref<1x128xi32, #tpu.memory_space<vmem>>
    %dma_start3A_20 = tpu.memref_squeeze %dma_start3A_19 : memref<1x128xi32, #tpu.memory_space<vmem>> -> memref<128xi32, #tpu.memory_space<vmem>>
    %dma_start3A_21 = arith.constant 0 : i32
    %dma_start3A_22 = arith.constant 0 : i32
    %dma_start3A_23 = tpu.memref_slice %arg14[%dma_start3A_21, %dma_start3A_22] : memref<10000x64xbf16, #tpu.memory_space<vmem_shared>> -> memref<10000x64xbf16, #tpu.memory_space<vmem_shared>>
    tpu.enqueue_indirect_dma source(%dma_start3A_23 : memref<10000x64xbf16, #tpu.memory_space<vmem_shared>>) target(%arg8 : memref<128x64xbf16, #tpu.memory_space<vmem>>) offsets(%dma_start3A_20 : memref<128xi32, #tpu.memory_space<vmem>>) semaphore(%arg15 : memref<!tpu.dma_semaphore, #tpu.memory_space<semaphore_mem>>)
    %scan3A_24 = arith.constant 0 : i32
    %scan3A_25 = arith.constant 40 : i32
    %scan3A_26 = arith.addi %scan3A_24, %scan3A_25 : i32
    %scan3A_27 = arith.constant 1 : i32
    scf.for %scan3A_34 = %scan3A_24 to %scan3A_26 step %scan3A_27  : i32 {
      %mul3A_35 = arith.constant 2 : i32
      %mul3A_36 = arith.muli %scan3A_34, %mul3A_35 : i32
      %add3A_37 = arith.constant 0 : i32
      %add3A_38 = arith.addi %add3A_37, %mul3A_36 : i32
      %dma_wait3A = arith.constant 0 : i32
      %dma_wait3A_39 = tpu.memref_slice %arg6[%add3A_38, %dma_wait3A] : memref<80x128xi32, #tpu.memory_space<vmem>> -> memref<1x128xi32, #tpu.memory_space<vmem>>
      %dma_wait3A_40 = tpu.memref_squeeze %dma_wait3A_39 : memref<1x128xi32, #tpu.memory_space<vmem>> -> memref<128xi32, #tpu.memory_space<vmem>>
      %dma_wait3A_41 = arith.constant 0 : i32
      %dma_wait3A_42 = arith.constant 0 : i32
      %dma_wait3A_43 = tpu.memref_slice %arg14[%dma_wait3A_41, %dma_wait3A_42] : memref<10000x64xbf16, #tpu.memory_space<vmem_shared>> -> memref<10000x64xbf16, #tpu.memory_space<vmem_shared>>
      tpu.wait_indirect_dma semaphore(%arg15 : memref<!tpu.dma_semaphore, #tpu.memory_space<semaphore_mem>>) src(%dma_wait3A_43 : memref<10000x64xbf16, #tpu.memory_space<vmem_shared>>) dst(%arg8 : memref<128x64xbf16, #tpu.memory_space<vmem>>)
      %add3A_44 = arith.constant 1 : i32
      %add3A_45 = arith.addi %add3A_38, %add3A_44 : i32
      %dma_start3A_46 = arith.constant 0 : i32
      %dma_start3A_47 = tpu.memref_slice %arg6[%add3A_45, %dma_start3A_46] : memref<80x128xi32, #tpu.memory_space<vmem>> -> memref<1x128xi32, #tpu.memory_space<vmem>>
      %dma_start3A_48 = tpu.memref_squeeze %dma_start3A_47 : memref<1x128xi32, #tpu.memory_space<vmem>> -> memref<128xi32, #tpu.memory_space<vmem>>
      %dma_start3A_49 = arith.constant 0 : i32
      %dma_start3A_50 = arith.constant 0 : i32
      %dma_start3A_51 = tpu.memref_slice %arg14[%dma_start3A_49, %dma_start3A_50] : memref<10000x64xbf16, #tpu.memory_space<vmem_shared>> -> memref<10000x64xbf16, #tpu.memory_space<vmem_shared>>
      tpu.enqueue_indirect_dma source(%dma_start3A_51 : memref<10000x64xbf16, #tpu.memory_space<vmem_shared>>) target(%arg9 : memref<128x64xbf16, #tpu.memory_space<vmem>>) offsets(%dma_start3A_48 : memref<128xi32, #tpu.memory_space<vmem>>) semaphore(%arg15 : memref<!tpu.dma_semaphore, #tpu.memory_space<semaphore_mem>>)
      "tpu.region"() ({
        %run_scoped3A = tpu.sem_alloc : memref<!tpu.dma_semaphore, #tpu.memory_space<semaphore_mem>>
        %dma_start3A_66 = arith.constant 0 : i32
        %dma_start3A_67 = tpu.memref_slice %arg7[%add3A_38, %dma_start3A_66] : memref<80x128xi32, #tpu.memory_space<vmem>> -> memref<1x128xi32, #tpu.memory_space<vmem>>
        %dma_start3A_68 = tpu.memref_squeeze %dma_start3A_67 : memref<1x128xi32, #tpu.memory_space<vmem>> -> memref<128xi32, #tpu.memory_space<vmem>>
        %dma_start3A_69 = arith.constant 0 : i32
        %dma_start3A_70 = arith.constant 0 : i32
        %dma_start3A_71 = tpu.memref_slice %arg13[%dma_start3A_69, %dma_start3A_70] : memref<20480x64xbf16, #tpu.memory_space<vmem_shared>> -> memref<20480x64xbf16, #tpu.memory_space<vmem_shared>>
        tpu.enqueue_indirect_dma source(%arg8 : memref<128x64xbf16, #tpu.memory_space<vmem>>) target(%dma_start3A_71 : memref<20480x64xbf16, #tpu.memory_space<vmem_shared>>) offsets(%dma_start3A_68 : memref<128xi32, #tpu.memory_space<vmem>>) semaphore(%run_scoped3A : memref<!tpu.dma_semaphore, #tpu.memory_space<semaphore_mem>>) {add = true}
        %dma_wait3A_72 = arith.constant 0 : i32
        %dma_wait3A_73 = tpu.memref_slice %arg7[%add3A_38, %dma_wait3A_72] : memref<80x128xi32, #tpu.memory_space<vmem>> -> memref<1x128xi32, #tpu.memory_space<vmem>>
        %dma_wait3A_74 = tpu.memref_squeeze %dma_wait3A_73 : memref<1x128xi32, #tpu.memory_space<vmem>> -> memref<128xi32, #tpu.memory_space<vmem>>
        %dma_wait3A_75 = arith.constant 0 : i32
        %dma_wait3A_76 = arith.constant 0 : i32
        %dma_wait3A_77 = tpu.memref_slice %arg13[%dma_wait3A_75, %dma_wait3A_76] : memref<20480x64xbf16, #tpu.memory_space<vmem_shared>> -> memref<20480x64xbf16, #tpu.memory_space<vmem_shared>>
        tpu.wait_indirect_dma semaphore(%run_scoped3A : memref<!tpu.dma_semaphore, #tpu.memory_space<semaphore_mem>>) src(%arg8 : memref<128x64xbf16, #tpu.memory_space<vmem>>) dst(%dma_wait3A_77 : memref<20480x64xbf16, #tpu.memory_space<vmem_shared>>)
        tpu.yield
      }) : () -> ()
      %add3A_52 = arith.constant 1 : i32
      %add3A_53 = arith.addi %add3A_38, %add3A_52 : i32
      %dma_wait3A_54 = arith.constant 0 : i32
      %dma_wait3A_55 = tpu.memref_slice %arg6[%add3A_53, %dma_wait3A_54] : memref<80x128xi32, #tpu.memory_space<vmem>> -> memref<1x128xi32, #tpu.memory_space<vmem>>
      %dma_wait3A_56 = tpu.memref_squeeze %dma_wait3A_55 : memref<1x128xi32, #tpu.memory_space<vmem>> -> memref<128xi32, #tpu.memory_space<vmem>>
      %dma_wait3A_57 = arith.constant 0 : i32
      %dma_wait3A_58 = arith.constant 0 : i32
      %dma_wait3A_59 = tpu.memref_slice %arg14[%dma_wait3A_57, %dma_wait3A_58] : memref<10000x64xbf16, #tpu.memory_space<vmem_shared>> -> memref<10000x64xbf16, #tpu.memory_space<vmem_shared>>
      tpu.wait_indirect_dma semaphore(%arg15 : memref<!tpu.dma_semaphore, #tpu.memory_space<semaphore_mem>>) src(%dma_wait3A_59 : memref<10000x64xbf16, #tpu.memory_space<vmem_shared>>) dst(%arg9 : memref<128x64xbf16, #tpu.memory_space<vmem>>)
      %add3A_60 = arith.constant 2 : i32
      %add3A_61 = arith.addi %add3A_38, %add3A_60 : i32
      %lt3A = arith.constant 80 : i32
      %lt3A_62 = arith.cmpi slt, %add3A_61, %lt3A : i32
      %convert_element_type3A = arith.extui %lt3A_62 : i1 to i32
      %cond3A = arith.constant 0 : i32
      %cond3A_63 = arith.cmpi ne, %convert_element_type3A, %cond3A : i32
      scf.if %cond3A_63 {
        %add3A_66 = arith.constant 2 : i32
        %add3A_67 = arith.addi %add3A_38, %add3A_66 : i32
        %dma_start3A_68 = arith.constant 0 : i32
        %dma_start3A_69 = tpu.memref_slice %arg6[%add3A_67, %dma_start3A_68] : memref<80x128xi32, #tpu.memory_space<vmem>> -> memref<1x128xi32, #tpu.memory_space<vmem>>
        %dma_start3A_70 = tpu.memref_squeeze %dma_start3A_69 : memref<1x128xi32, #tpu.memory_space<vmem>> -> memref<128xi32, #tpu.memory_space<vmem>>
        %dma_start3A_71 = arith.constant 0 : i32
        %dma_start3A_72 = arith.constant 0 : i32
        %dma_start3A_73 = tpu.memref_slice %arg14[%dma_start3A_71, %dma_start3A_72] : memref<10000x64xbf16, #tpu.memory_space<vmem_shared>> -> memref<10000x64xbf16, #tpu.memory_space<vmem_shared>>
        tpu.enqueue_indirect_dma source(%dma_start3A_73 : memref<10000x64xbf16, #tpu.memory_space<vmem_shared>>) target(%arg8 : memref<128x64xbf16, #tpu.memory_space<vmem>>) offsets(%dma_start3A_70 : memref<128xi32, #tpu.memory_space<vmem>>) semaphore(%arg15 : memref<!tpu.dma_semaphore, #tpu.memory_space<semaphore_mem>>)
      } else {
      }
      %add3A_64 = arith.constant 1 : i32
      %add3A_65 = arith.addi %add3A_38, %add3A_64 : i32
      "tpu.region"() ({
        %run_scoped3A = tpu.sem_alloc : memref<!tpu.dma_semaphore, #tpu.memory_space<semaphore_mem>>
        %dma_start3A_66 = arith.constant 0 : i32
        %dma_start3A_67 = tpu.memref_slice %arg7[%add3A_65, %dma_start3A_66] : memref<80x128xi32, #tpu.memory_space<vmem>> -> memref<1x128xi32, #tpu.memory_space<vmem>>
        %dma_start3A_68 = tpu.memref_squeeze %dma_start3A_67 : memref<1x128xi32, #tpu.memory_space<vmem>> -> memref<128xi32, #tpu.memory_space<vmem>>
        %dma_start3A_69 = arith.constant 0 : i32
        %dma_start3A_70 = arith.constant 0 : i32
        %dma_start3A_71 = tpu.memref_slice %arg13[%dma_start3A_69, %dma_start3A_70] : memref<20480x64xbf16, #tpu.memory_space<vmem_shared>> -> memref<20480x64xbf16, #tpu.memory_space<vmem_shared>>
        tpu.enqueue_indirect_dma source(%arg9 : memref<128x64xbf16, #tpu.memory_space<vmem>>) target(%dma_start3A_71 : memref<20480x64xbf16, #tpu.memory_space<vmem_shared>>) offsets(%dma_start3A_68 : memref<128xi32, #tpu.memory_space<vmem>>) semaphore(%run_scoped3A : memref<!tpu.dma_semaphore, #tpu.memory_space<semaphore_mem>>) {add = true}
        %dma_wait3A_72 = arith.constant 0 : i32
        %dma_wait3A_73 = tpu.memref_slice %arg7[%add3A_65, %dma_wait3A_72] : memref<80x128xi32, #tpu.memory_space<vmem>> -> memref<1x128xi32, #tpu.memory_space<vmem>>
        %dma_wait3A_74 = tpu.memref_squeeze %dma_wait3A_73 : memref<1x128xi32, #tpu.memory_space<vmem>> -> memref<128xi32, #tpu.memory_space<vmem>>
        %dma_wait3A_75 = arith.constant 0 : i32
        %dma_wait3A_76 = arith.constant 0 : i32
        %dma_wait3A_77 = tpu.memref_slice %arg13[%dma_wait3A_75, %dma_wait3A_76] : memref<20480x64xbf16, #tpu.memory_space<vmem_shared>> -> memref<20480x64xbf16, #tpu.memory_space<vmem_shared>>
        tpu.wait_indirect_dma semaphore(%run_scoped3A : memref<!tpu.dma_semaphore, #tpu.memory_space<semaphore_mem>>) src(%arg9 : memref<128x64xbf16, #tpu.memory_space<vmem>>) dst(%dma_wait3A_77 : memref<20480x64xbf16, #tpu.memory_space<vmem_shared>>)
        tpu.yield
      }) : () -> ()
    }
    %scan3A_28 = arith.constant 40 : i32
    %barrier3A_29 = arith.constant 0 : index
    tpu.barrier barrier_id(%barrier3A_29)
    %mul3A_30 = arith.constant 1280 : i32
    %mul3A_31 = arith.muli %arg1, %mul3A_30 : i32
    %mul3A_32 = arith.constant 1280 : i32
    %mul3A_33 = arith.muli %arg1, %mul3A_32 : i32
    "tpu.region"() ({
      %run_scoped3A = tpu.sem_alloc : memref<!tpu.dma_semaphore, #tpu.memory_space<semaphore_mem>>
      %dma_start3A_34 = arith.constant 0 : i32
      %dma_start3A_35 = tpu.memref_slice %arg5[%arg0, %mul3A_33, %dma_start3A_34] : memref<2x20480x64xbf16, #tpu.memory_space<hbm>> -> memref<1x1280x64xbf16, #tpu.memory_space<hbm>>
      %dma_start3A_36 = tpu.memref_squeeze %dma_start3A_35 : memref<1x1280x64xbf16, #tpu.memory_space<hbm>> -> memref<1280x64xbf16, #tpu.memory_space<hbm>>
      %dma_start3A_37 = arith.constant 0 : i32
      %dma_start3A_38 = tpu.memref_slice %arg13[%mul3A_31, %dma_start3A_37] : memref<20480x64xbf16, #tpu.memory_space<vmem_shared>> -> memref<1280x64xbf16, #tpu.memory_space<vmem_shared>>
      tpu.enqueue_dma source(%dma_start3A_38 : memref<1280x64xbf16, #tpu.memory_space<vmem_shared>>) target(%dma_start3A_36 : memref<1280x64xbf16, #tpu.memory_space<hbm>>) target_semaphore(%run_scoped3A : memref<!tpu.dma_semaphore, #tpu.memory_space<semaphore_mem>>)
      %dma_wait3A = arith.constant 0 : i32
      %dma_wait3A_39 = tpu.memref_slice %arg5[%arg0, %mul3A_33, %dma_wait3A] : memref<2x20480x64xbf16, #tpu.memory_space<hbm>> -> memref<1x1280x64xbf16, #tpu.memory_space<hbm>>
      %dma_wait3A_40 = tpu.memref_squeeze %dma_wait3A_39 : memref<1x1280x64xbf16, #tpu.memory_space<hbm>> -> memref<1280x64xbf16, #tpu.memory_space<hbm>>
      %dma_wait3A_41 = arith.constant 0 : i32
      %dma_wait3A_42 = tpu.memref_slice %arg13[%mul3A_31, %dma_wait3A_41] : memref<20480x64xbf16, #tpu.memory_space<vmem_shared>> -> memref<1280x64xbf16, #tpu.memory_space<vmem_shared>>
      tpu.wait_dma2 semaphore(%run_scoped3A : memref<!tpu.dma_semaphore, #tpu.memory_space<semaphore_mem>>) src(%dma_wait3A_42 : memref<1280x64xbf16, #tpu.memory_space<vmem_shared>>) dst(%dma_wait3A_40 : memref<1280x64xbf16, #tpu.memory_space<hbm>>)
      tpu.yield
    }) : () -> ()
    return
  }
}

#map = affine_map<(d0, d1) -> (0, 0)>
#map1 = affine_map<(d0, d1) -> (0, 0, 0)>
module attributes {stable_mosaic.version = 14 : i64} {
  func.func @_edge_sc(%arg0: i32, %arg1: i32, %arg2: memref<10000x64xbf16, #tpu.memory_space<hbm>>, %arg3: memref<32x80x128xi32, #tpu.memory_space<hbm>>, %arg4: memref<32x80x128xi32, #tpu.memory_space<hbm>>, %arg5: memref<2x20480x64xbf16, #tpu.memory_space<hbm>>, %arg6: memref<80x128xi32, #tpu.memory_space<vmem>>, %arg7: memref<80x128xi32, #tpu.memory_space<vmem>>, %arg8: memref<128x64xbf16, #tpu.memory_space<vmem>>, %arg9: memref<128x64xbf16, #tpu.memory_space<vmem>>, %arg10: memref<128x64xbf16, #tpu.memory_space<vmem>>, %arg11: memref<128x64xbf16, #tpu.memory_space<vmem>>, %arg12: memref<128x64xbf16, #tpu.memory_space<vmem>>, %arg13: memref<20480x64xbf16, #tpu.memory_space<vmem_shared>>, %arg14: memref<10000x64xbf16, #tpu.memory_space<vmem_shared>>, %arg15: memref<!tpu.dma_semaphore, #tpu.memory_space<semaphore_mem>>) attributes {dimension_semantics = [#tpu.dimension_semantics<core_parallel>, #tpu.dimension_semantics<subcore_parallel>], iteration_bounds = array<i64: 2, 16>, scalar_prefetch = 0 : i64, scratch_operands = 10 : i64, tpu.core_type = #tpu.core_type<sc_vector_subcore>, window_params = [{transform_indices = #map}, {transform_indices = #map1}, {transform_indices = #map1}, {transform_indices = #map1}]} {
    %mul3A = arith.constant 16 : i32
    %mul3A_0 = arith.muli %arg0, %mul3A : i32
    %add3A = arith.addi %mul3A_0, %arg1 : i32
    %scan3A = arith.constant 0 : i32
    %scan3A_1 = arith.constant 128 : i32
    %scan3A_2 = arith.addi %scan3A, %scan3A_1 : i32
    %scan3A_3 = arith.constant 1 : i32
    scf.for %scan3A_34 = %scan3A to %scan3A_2 step %scan3A_3  : i32 {
      %mul3A_35 = arith.constant 1 : i32
      %mul3A_36 = arith.muli %scan3A_34, %mul3A_35 : i32
      %add3A_37 = arith.constant 0 : i32
      %add3A_38 = arith.addi %add3A_37, %mul3A_36 : i32
      %scan3A_39 = arith.constant 0 : i32
      %scan3A_40 = arith.constant 2 : i32
      %scan3A_41 = arith.addi %scan3A_39, %scan3A_40 : i32
      %scan3A_42 = arith.constant 1 : i32
      scf.for %scan3A_44 = %scan3A_39 to %scan3A_41 step %scan3A_42  : i32 {
        %mul3A_45 = arith.constant 1 : i32
        %mul3A_46 = arith.muli %scan3A_44, %mul3A_45 : i32
        %add3A_47 = arith.constant 0 : i32
        %add3A_48 = arith.addi %add3A_47, %mul3A_46 : i32
        %broadcast_in_dim3A = arith.constant 0.000000e+00 : bf16
        %broadcast_in_dim3A_49 = vector.broadcast %broadcast_in_dim3A : bf16 to vector<32xbf16>
        %mul3A_50 = arith.constant 32 : i32
        %mul3A_51 = arith.muli %add3A_48, %mul3A_50 : i32
        %swap3A = arith.index_cast %add3A_38 : i32 to index
        %swap3A_52 = arith.index_cast %mul3A_51 : i32 to index
        %swap3A_53 = tpu.vector_load %arg12[%swap3A, %swap3A_52] {strides = array<i32>} : memref<128x64xbf16, #tpu.memory_space<vmem>>, vector<1x32xbf16>,
        %swap3A_54 = vector.shape_cast %swap3A_53 : vector<1x32xbf16> to vector<32xbf16>
        %swap3A_55 = vector.shape_cast %broadcast_in_dim3A_49 : vector<32xbf16> to vector<1x32xbf16>
        tpu.vector_store %arg12[%swap3A, %swap3A_52], %swap3A_55 {strides = array<i32>} : memref<128x64xbf16, #tpu.memory_space<vmem>>, vector<1x32xbf16>,
      }
      %scan3A_43 = arith.constant 2 : i32
    }
    %scan3A_4 = arith.constant 128 : i32
    %mul3A_5 = arith.constant 128 : i32
    %mul3A_6 = arith.muli %arg1, %mul3A_5 : i32
    %mul3A_7 = arith.constant 10 : i32
    %mul3A_8 = arith.muli %mul3A_6, %mul3A_7 : i32
    %scan3A_9 = arith.constant 0 : i32
    %scan3A_10 = arith.constant 10 : i32
    %scan3A_11 = arith.addi %scan3A_9, %scan3A_10 : i32
    %scan3A_12 = arith.constant 1 : i32
    scf.for %scan3A_34 = %scan3A_9 to %scan3A_11 step %scan3A_12  : i32 {
      %mul3A_35 = arith.constant 1 : i32
      %mul3A_36 = arith.muli %scan3A_34, %mul3A_35 : i32
      %add3A_37 = arith.constant 0 : i32
      %add3A_38 = arith.addi %add3A_37, %mul3A_36 : i32
      %mul3A_39 = arith.constant 128 : i32
      %mul3A_40 = arith.muli %add3A_38, %mul3A_39 : i32
      %add3A_41 = arith.addi %mul3A_8, %mul3A_40 : i32
      "tpu.region"() ({
        %run_scoped3A = tpu.sem_alloc : memref<!tpu.dma_semaphore, #tpu.memory_space<semaphore_mem>>
        %dma_start3A_42 = arith.constant 0 : i32
        %dma_start3A_43 = tpu.memref_slice %arg13[%add3A_41, %dma_start3A_42] : memref<20480x64xbf16, #tpu.memory_space<vmem_shared>> -> memref<128x64xbf16, #tpu.memory_space<vmem_shared>>
        %dma_start3A_44 = arith.constant 0 : i32
        %dma_start3A_45 = tpu.memref_slice %arg13[%add3A_41, %dma_start3A_44] : memref<20480x64xbf16, #tpu.memory_space<vmem_shared>> -> memref<128x64xbf16, #tpu.memory_space<vmem_shared>>
        tpu.enqueue_dma source(%arg12 : memref<128x64xbf16, #tpu.memory_space<vmem>>) target(%dma_start3A_45 : memref<128x64xbf16, #tpu.memory_space<vmem_shared>>) target_semaphore(%run_scoped3A : memref<!tpu.dma_semaphore, #tpu.memory_space<semaphore_mem>>)
        %dma_wait3A = arith.constant 0 : i32
        %dma_wait3A_46 = tpu.memref_slice %arg13[%add3A_41, %dma_wait3A] : memref<20480x64xbf16, #tpu.memory_space<vmem_shared>> -> memref<128x64xbf16, #tpu.memory_space<vmem_shared>>
        %dma_wait3A_47 = arith.constant 0 : i32
        %dma_wait3A_48 = tpu.memref_slice %arg13[%add3A_41, %dma_wait3A_47] : memref<20480x64xbf16, #tpu.memory_space<vmem_shared>> -> memref<128x64xbf16, #tpu.memory_space<vmem_shared>>
        tpu.wait_dma2 semaphore(%run_scoped3A : memref<!tpu.dma_semaphore, #tpu.memory_space<semaphore_mem>>) src(%arg12 : memref<128x64xbf16, #tpu.memory_space<vmem>>) dst(%dma_wait3A_48 : memref<128x64xbf16, #tpu.memory_space<vmem_shared>>)
        tpu.yield
      }) : () -> ()
    }
    %scan3A_13 = arith.constant 10 : i32
    %mul3A_14 = arith.constant 625 : i32
    %mul3A_15 = arith.muli %arg1, %mul3A_14 : i32
    %mul3A_16 = arith.constant 625 : i32
    %mul3A_17 = arith.muli %arg1, %mul3A_16 : i32
    "tpu.region"() ({
      %run_scoped3A = tpu.sem_alloc : memref<!tpu.dma_semaphore, #tpu.memory_space<semaphore_mem>>
      %dma_start3A_34 = arith.constant 0 : i32
      %dma_start3A_35 = tpu.memref_slice %arg14[%mul3A_17, %dma_start3A_34] : memref<10000x64xbf16, #tpu.memory_space<vmem_shared>> -> memref<625x64xbf16, #tpu.memory_space<vmem_shared>>
      %dma_start3A_36 = arith.constant 0 : i32
      %dma_start3A_37 = tpu.memref_slice %arg2[%mul3A_15, %dma_start3A_36] : memref<10000x64xbf16, #tpu.memory_space<hbm>> -> memref<625x64xbf16, #tpu.memory_space<hbm>>
      tpu.enqueue_dma source(%dma_start3A_37 : memref<625x64xbf16, #tpu.memory_space<hbm>>) target(%dma_start3A_35 : memref<625x64xbf16, #tpu.memory_space<vmem_shared>>) target_semaphore(%run_scoped3A : memref<!tpu.dma_semaphore, #tpu.memory_space<semaphore_mem>>)
      %dma_wait3A = arith.constant 0 : i32
      %dma_wait3A_38 = tpu.memref_slice %arg14[%mul3A_17, %dma_wait3A] : memref<10000x64xbf16, #tpu.memory_space<vmem_shared>> -> memref<625x64xbf16, #tpu.memory_space<vmem_shared>>
      %dma_wait3A_39 = arith.constant 0 : i32
      %dma_wait3A_40 = tpu.memref_slice %arg2[%mul3A_15, %dma_wait3A_39] : memref<10000x64xbf16, #tpu.memory_space<hbm>> -> memref<625x64xbf16, #tpu.memory_space<hbm>>
      tpu.wait_dma2 semaphore(%run_scoped3A : memref<!tpu.dma_semaphore, #tpu.memory_space<semaphore_mem>>) src(%dma_wait3A_40 : memref<625x64xbf16, #tpu.memory_space<hbm>>) dst(%dma_wait3A_38 : memref<625x64xbf16, #tpu.memory_space<vmem_shared>>)
      tpu.yield
    }) : () -> ()
    %barrier3A = arith.constant 0 : index
    tpu.barrier barrier_id(%barrier3A)
    "tpu.region"() ({
      %run_scoped3A = tpu.sem_alloc : memref<!tpu.dma_semaphore, #tpu.memory_space<semaphore_mem>>
      %dma_start3A_34 = arith.constant 0 : i32
      %dma_start3A_35 = arith.constant 0 : i32
      %dma_start3A_36 = tpu.memref_slice %arg3[%add3A, %dma_start3A_34, %dma_start3A_35] : memref<32x80x128xi32, #tpu.memory_space<hbm>> -> memref<1x80x128xi32, #tpu.memory_space<hbm>>
      %dma_start3A_37 = tpu.memref_squeeze %dma_start3A_36 : memref<1x80x128xi32, #tpu.memory_space<hbm>> -> memref<80x128xi32, #tpu.memory_space<hbm>>
      %dma_start3A_38 = arith.constant 0 : i32
      %dma_start3A_39 = arith.constant 0 : i32
      %dma_start3A_40 = tpu.memref_slice %arg3[%add3A, %dma_start3A_38, %dma_start3A_39] : memref<32x80x128xi32, #tpu.memory_space<hbm>> -> memref<1x80x128xi32, #tpu.memory_space<hbm>>
      %dma_start3A_41 = tpu.memref_squeeze %dma_start3A_40 : memref<1x80x128xi32, #tpu.memory_space<hbm>> -> memref<80x128xi32, #tpu.memory_space<hbm>>
      tpu.enqueue_dma source(%dma_start3A_41 : memref<80x128xi32, #tpu.memory_space<hbm>>) target(%arg6 : memref<80x128xi32, #tpu.memory_space<vmem>>) target_semaphore(%run_scoped3A : memref<!tpu.dma_semaphore, #tpu.memory_space<semaphore_mem>>)
      %dma_wait3A = arith.constant 0 : i32
      %dma_wait3A_42 = arith.constant 0 : i32
      %dma_wait3A_43 = tpu.memref_slice %arg3[%add3A, %dma_wait3A, %dma_wait3A_42] : memref<32x80x128xi32, #tpu.memory_space<hbm>> -> memref<1x80x128xi32, #tpu.memory_space<hbm>>
      %dma_wait3A_44 = tpu.memref_squeeze %dma_wait3A_43 : memref<1x80x128xi32, #tpu.memory_space<hbm>> -> memref<80x128xi32, #tpu.memory_space<hbm>>
      %dma_wait3A_45 = arith.constant 0 : i32
      %dma_wait3A_46 = arith.constant 0 : i32
      %dma_wait3A_47 = tpu.memref_slice %arg3[%add3A, %dma_wait3A_45, %dma_wait3A_46] : memref<32x80x128xi32, #tpu.memory_space<hbm>> -> memref<1x80x128xi32, #tpu.memory_space<hbm>>
      %dma_wait3A_48 = tpu.memref_squeeze %dma_wait3A_47 : memref<1x80x128xi32, #tpu.memory_space<hbm>> -> memref<80x128xi32, #tpu.memory_space<hbm>>
      tpu.wait_dma2 semaphore(%run_scoped3A : memref<!tpu.dma_semaphore, #tpu.memory_space<semaphore_mem>>) src(%dma_wait3A_48 : memref<80x128xi32, #tpu.memory_space<hbm>>) dst(%arg6 : memref<80x128xi32, #tpu.memory_space<vmem>>)
      tpu.yield
    }) : () -> ()
    "tpu.region"() ({
      %run_scoped3A = tpu.sem_alloc : memref<!tpu.dma_semaphore, #tpu.memory_space<semaphore_mem>>
      %dma_start3A_34 = arith.constant 0 : i32
      %dma_start3A_35 = arith.constant 0 : i32
      %dma_start3A_36 = tpu.memref_slice %arg4[%add3A, %dma_start3A_34, %dma_start3A_35] : memref<32x80x128xi32, #tpu.memory_space<hbm>> -> memref<1x80x128xi32, #tpu.memory_space<hbm>>
      %dma_start3A_37 = tpu.memref_squeeze %dma_start3A_36 : memref<1x80x128xi32, #tpu.memory_space<hbm>> -> memref<80x128xi32, #tpu.memory_space<hbm>>
      %dma_start3A_38 = arith.constant 0 : i32
      %dma_start3A_39 = arith.constant 0 : i32
      %dma_start3A_40 = tpu.memref_slice %arg4[%add3A, %dma_start3A_38, %dma_start3A_39] : memref<32x80x128xi32, #tpu.memory_space<hbm>> -> memref<1x80x128xi32, #tpu.memory_space<hbm>>
      %dma_start3A_41 = tpu.memref_squeeze %dma_start3A_40 : memref<1x80x128xi32, #tpu.memory_space<hbm>> -> memref<80x128xi32, #tpu.memory_space<hbm>>
      tpu.enqueue_dma source(%dma_start3A_41 : memref<80x128xi32, #tpu.memory_space<hbm>>) target(%arg7 : memref<80x128xi32, #tpu.memory_space<vmem>>) target_semaphore(%run_scoped3A : memref<!tpu.dma_semaphore, #tpu.memory_space<semaphore_mem>>)
      %dma_wait3A = arith.constant 0 : i32
      %dma_wait3A_42 = arith.constant 0 : i32
      %dma_wait3A_43 = tpu.memref_slice %arg4[%add3A, %dma_wait3A, %dma_wait3A_42] : memref<32x80x128xi32, #tpu.memory_space<hbm>> -> memref<1x80x128xi32, #tpu.memory_space<hbm>>
      %dma_wait3A_44 = tpu.memref_squeeze %dma_wait3A_43 : memref<1x80x128xi32, #tpu.memory_space<hbm>> -> memref<80x128xi32, #tpu.memory_space<hbm>>
      %dma_wait3A_45 = arith.constant 0 : i32
      %dma_wait3A_46 = arith.constant 0 : i32
      %dma_wait3A_47 = tpu.memref_slice %arg4[%add3A, %dma_wait3A_45, %dma_wait3A_46] : memref<32x80x128xi32, #tpu.memory_space<hbm>> -> memref<1x80x128xi32, #tpu.memory_space<hbm>>
      %dma_wait3A_48 = tpu.memref_squeeze %dma_wait3A_47 : memref<1x80x128xi32, #tpu.memory_space<hbm>> -> memref<80x128xi32, #tpu.memory_space<hbm>>
      tpu.wait_dma2 semaphore(%run_scoped3A : memref<!tpu.dma_semaphore, #tpu.memory_space<semaphore_mem>>) src(%dma_wait3A_48 : memref<80x128xi32, #tpu.memory_space<hbm>>) dst(%arg7 : memref<80x128xi32, #tpu.memory_space<vmem>>)
      tpu.yield
    }) : () -> ()
    %dma_start3A = arith.constant 0 : i32
    %dma_start3A_18 = arith.constant 0 : i32
    %dma_start3A_19 = tpu.memref_slice %arg6[%dma_start3A, %dma_start3A_18] : memref<80x128xi32, #tpu.memory_space<vmem>> -> memref<1x128xi32, #tpu.memory_space<vmem>>
    %dma_start3A_20 = tpu.memref_squeeze %dma_start3A_19 : memref<1x128xi32, #tpu.memory_space<vmem>> -> memref<128xi32, #tpu.memory_space<vmem>>
    %dma_start3A_21 = arith.constant 0 : i32
    %dma_start3A_22 = arith.constant 0 : i32
    %dma_start3A_23 = tpu.memref_slice %arg14[%dma_start3A_21, %dma_start3A_22] : memref<10000x64xbf16, #tpu.memory_space<vmem_shared>> -> memref<10000x64xbf16, #tpu.memory_space<vmem_shared>>
    tpu.enqueue_indirect_dma source(%dma_start3A_23 : memref<10000x64xbf16, #tpu.memory_space<vmem_shared>>) target(%arg8 : memref<128x64xbf16, #tpu.memory_space<vmem>>) offsets(%dma_start3A_20 : memref<128xi32, #tpu.memory_space<vmem>>) semaphore(%arg15 : memref<!tpu.dma_semaphore, #tpu.memory_space<semaphore_mem>>)
    %scan3A_24 = arith.constant 0 : i32
    %scan3A_25 = arith.constant 40 : i32
    %scan3A_26 = arith.addi %scan3A_24, %scan3A_25 : i32
    %scan3A_27 = arith.constant 1 : i32
    scf.for %scan3A_34 = %scan3A_24 to %scan3A_26 step %scan3A_27  : i32 {
      %mul3A_35 = arith.constant 2 : i32
      %mul3A_36 = arith.muli %scan3A_34, %mul3A_35 : i32
      %add3A_37 = arith.constant 0 : i32
      %add3A_38 = arith.addi %add3A_37, %mul3A_36 : i32
      %dma_wait3A = arith.constant 0 : i32
      %dma_wait3A_39 = tpu.memref_slice %arg6[%add3A_38, %dma_wait3A] : memref<80x128xi32, #tpu.memory_space<vmem>> -> memref<1x128xi32, #tpu.memory_space<vmem>>
      %dma_wait3A_40 = tpu.memref_squeeze %dma_wait3A_39 : memref<1x128xi32, #tpu.memory_space<vmem>> -> memref<128xi32, #tpu.memory_space<vmem>>
      %dma_wait3A_41 = arith.constant 0 : i32
      %dma_wait3A_42 = arith.constant 0 : i32
      %dma_wait3A_43 = tpu.memref_slice %arg14[%dma_wait3A_41, %dma_wait3A_42] : memref<10000x64xbf16, #tpu.memory_space<vmem_shared>> -> memref<10000x64xbf16, #tpu.memory_space<vmem_shared>>
      tpu.wait_indirect_dma semaphore(%arg15 : memref<!tpu.dma_semaphore, #tpu.memory_space<semaphore_mem>>) src(%dma_wait3A_43 : memref<10000x64xbf16, #tpu.memory_space<vmem_shared>>) dst(%arg8 : memref<128x64xbf16, #tpu.memory_space<vmem>>)
      %add3A_44 = arith.constant 1 : i32
      %add3A_45 = arith.addi %add3A_38, %add3A_44 : i32
      %dma_start3A_46 = arith.constant 0 : i32
      %dma_start3A_47 = tpu.memref_slice %arg6[%add3A_45, %dma_start3A_46] : memref<80x128xi32, #tpu.memory_space<vmem>> -> memref<1x128xi32, #tpu.memory_space<vmem>>
      %dma_start3A_48 = tpu.memref_squeeze %dma_start3A_47 : memref<1x128xi32, #tpu.memory_space<vmem>> -> memref<128xi32, #tpu.memory_space<vmem>>
      %dma_start3A_49 = arith.constant 0 : i32
      %dma_start3A_50 = arith.constant 0 : i32
      %dma_start3A_51 = tpu.memref_slice %arg14[%dma_start3A_49, %dma_start3A_50] : memref<10000x64xbf16, #tpu.memory_space<vmem_shared>> -> memref<10000x64xbf16, #tpu.memory_space<vmem_shared>>
      tpu.enqueue_indirect_dma source(%dma_start3A_51 : memref<10000x64xbf16, #tpu.memory_space<vmem_shared>>) target(%arg9 : memref<128x64xbf16, #tpu.memory_space<vmem>>) offsets(%dma_start3A_48 : memref<128xi32, #tpu.memory_space<vmem>>) semaphore(%arg15 : memref<!tpu.dma_semaphore, #tpu.memory_space<semaphore_mem>>)
      "tpu.region"() ({
        %run_scoped3A = tpu.sem_alloc : memref<!tpu.dma_semaphore, #tpu.memory_space<semaphore_mem>>
        %dma_start3A_66 = arith.constant 0 : i32
        %dma_start3A_67 = tpu.memref_slice %arg7[%add3A_38, %dma_start3A_66] : memref<80x128xi32, #tpu.memory_space<vmem>> -> memref<1x128xi32, #tpu.memory_space<vmem>>
        %dma_start3A_68 = tpu.memref_squeeze %dma_start3A_67 : memref<1x128xi32, #tpu.memory_space<vmem>> -> memref<128xi32, #tpu.memory_space<vmem>>
        %dma_start3A_69 = arith.constant 0 : i32
        %dma_start3A_70 = arith.constant 0 : i32
        %dma_start3A_71 = tpu.memref_slice %arg13[%dma_start3A_69, %dma_start3A_70] : memref<20480x64xbf16, #tpu.memory_space<vmem_shared>> -> memref<20480x64xbf16, #tpu.memory_space<vmem_shared>>
        tpu.enqueue_indirect_dma source(%arg8 : memref<128x64xbf16, #tpu.memory_space<vmem>>) target(%dma_start3A_71 : memref<20480x64xbf16, #tpu.memory_space<vmem_shared>>) offsets(%dma_start3A_68 : memref<128xi32, #tpu.memory_space<vmem>>) semaphore(%run_scoped3A : memref<!tpu.dma_semaphore, #tpu.memory_space<semaphore_mem>>) {add = true}
        %dma_wait3A_72 = arith.constant 0 : i32
        %dma_wait3A_73 = tpu.memref_slice %arg7[%add3A_38, %dma_wait3A_72] : memref<80x128xi32, #tpu.memory_space<vmem>> -> memref<1x128xi32, #tpu.memory_space<vmem>>
        %dma_wait3A_74 = tpu.memref_squeeze %dma_wait3A_73 : memref<1x128xi32, #tpu.memory_space<vmem>> -> memref<128xi32, #tpu.memory_space<vmem>>
        %dma_wait3A_75 = arith.constant 0 : i32
        %dma_wait3A_76 = arith.constant 0 : i32
        %dma_wait3A_77 = tpu.memref_slice %arg13[%dma_wait3A_75, %dma_wait3A_76] : memref<20480x64xbf16, #tpu.memory_space<vmem_shared>> -> memref<20480x64xbf16, #tpu.memory_space<vmem_shared>>
        tpu.wait_indirect_dma semaphore(%run_scoped3A : memref<!tpu.dma_semaphore, #tpu.memory_space<semaphore_mem>>) src(%arg8 : memref<128x64xbf16, #tpu.memory_space<vmem>>) dst(%dma_wait3A_77 : memref<20480x64xbf16, #tpu.memory_space<vmem_shared>>)
        tpu.yield
      }) : () -> ()
      %add3A_52 = arith.constant 1 : i32
      %add3A_53 = arith.addi %add3A_38, %add3A_52 : i32
      %dma_wait3A_54 = arith.constant 0 : i32
      %dma_wait3A_55 = tpu.memref_slice %arg6[%add3A_53, %dma_wait3A_54] : memref<80x128xi32, #tpu.memory_space<vmem>> -> memref<1x128xi32, #tpu.memory_space<vmem>>
      %dma_wait3A_56 = tpu.memref_squeeze %dma_wait3A_55 : memref<1x128xi32, #tpu.memory_space<vmem>> -> memref<128xi32, #tpu.memory_space<vmem>>
      %dma_wait3A_57 = arith.constant 0 : i32
      %dma_wait3A_58 = arith.constant 0 : i32
      %dma_wait3A_59 = tpu.memref_slice %arg14[%dma_wait3A_57, %dma_wait3A_58] : memref<10000x64xbf16, #tpu.memory_space<vmem_shared>> -> memref<10000x64xbf16, #tpu.memory_space<vmem_shared>>
      tpu.wait_indirect_dma semaphore(%arg15 : memref<!tpu.dma_semaphore, #tpu.memory_space<semaphore_mem>>) src(%dma_wait3A_59 : memref<10000x64xbf16, #tpu.memory_space<vmem_shared>>) dst(%arg9 : memref<128x64xbf16, #tpu.memory_space<vmem>>)
      %add3A_60 = arith.constant 2 : i32
      %add3A_61 = arith.addi %add3A_38, %add3A_60 : i32
      %lt3A = arith.constant 80 : i32
      %lt3A_62 = arith.cmpi slt, %add3A_61, %lt3A : i32
      %convert_element_type3A = arith.extui %lt3A_62 : i1 to i32
      %cond3A = arith.constant 0 : i32
      %cond3A_63 = arith.cmpi ne, %convert_element_type3A, %cond3A : i32
      scf.if %cond3A_63 {
        %add3A_66 = arith.constant 2 : i32
        %add3A_67 = arith.addi %add3A_38, %add3A_66 : i32
        %dma_start3A_68 = arith.constant 0 : i32
        %dma_start3A_69 = tpu.memref_slice %arg6[%add3A_67, %dma_start3A_68] : memref<80x128xi32, #tpu.memory_space<vmem>> -> memref<1x128xi32, #tpu.memory_space<vmem>>
        %dma_start3A_70 = tpu.memref_squeeze %dma_start3A_69 : memref<1x128xi32, #tpu.memory_space<vmem>> -> memref<128xi32, #tpu.memory_space<vmem>>
        %dma_start3A_71 = arith.constant 0 : i32
        %dma_start3A_72 = arith.constant 0 : i32
        %dma_start3A_73 = tpu.memref_slice %arg14[%dma_start3A_71, %dma_start3A_72] : memref<10000x64xbf16, #tpu.memory_space<vmem_shared>> -> memref<10000x64xbf16, #tpu.memory_space<vmem_shared>>
        tpu.enqueue_indirect_dma source(%dma_start3A_73 : memref<10000x64xbf16, #tpu.memory_space<vmem_shared>>) target(%arg8 : memref<128x64xbf16, #tpu.memory_space<vmem>>) offsets(%dma_start3A_70 : memref<128xi32, #tpu.memory_space<vmem>>) semaphore(%arg15 : memref<!tpu.dma_semaphore, #tpu.memory_space<semaphore_mem>>)
      } else {
      }
      %add3A_64 = arith.constant 1 : i32
      %add3A_65 = arith.addi %add3A_38, %add3A_64 : i32
      "tpu.region"() ({
        %run_scoped3A = tpu.sem_alloc : memref<!tpu.dma_semaphore, #tpu.memory_space<semaphore_mem>>
        %dma_start3A_66 = arith.constant 0 : i32
        %dma_start3A_67 = tpu.memref_slice %arg7[%add3A_65, %dma_start3A_66] : memref<80x128xi32, #tpu.memory_space<vmem>> -> memref<1x128xi32, #tpu.memory_space<vmem>>
        %dma_start3A_68 = tpu.memref_squeeze %dma_start3A_67 : memref<1x128xi32, #tpu.memory_space<vmem>> -> memref<128xi32, #tpu.memory_space<vmem>>
        %dma_start3A_69 = arith.constant 0 : i32
        %dma_start3A_70 = arith.constant 0 : i32
        %dma_start3A_71 = tpu.memref_slice %arg13[%dma_start3A_69, %dma_start3A_70] : memref<20480x64xbf16, #tpu.memory_space<vmem_shared>> -> memref<20480x64xbf16, #tpu.memory_space<vmem_shared>>
        tpu.enqueue_indirect_dma source(%arg9 : memref<128x64xbf16, #tpu.memory_space<vmem>>) target(%dma_start3A_71 : memref<20480x64xbf16, #tpu.memory_space<vmem_shared>>) offsets(%dma_start3A_68 : memref<128xi32, #tpu.memory_space<vmem>>) semaphore(%run_scoped3A : memref<!tpu.dma_semaphore, #tpu.memory_space<semaphore_mem>>) {add = true}
        %dma_wait3A_72 = arith.constant 0 : i32
        %dma_wait3A_73 = tpu.memref_slice %arg7[%add3A_65, %dma_wait3A_72] : memref<80x128xi32, #tpu.memory_space<vmem>> -> memref<1x128xi32, #tpu.memory_space<vmem>>
        %dma_wait3A_74 = tpu.memref_squeeze %dma_wait3A_73 : memref<1x128xi32, #tpu.memory_space<vmem>> -> memref<128xi32, #tpu.memory_space<vmem>>
        %dma_wait3A_75 = arith.constant 0 : i32
        %dma_wait3A_76 = arith.constant 0 : i32
        %dma_wait3A_77 = tpu.memref_slice %arg13[%dma_wait3A_75, %dma_wait3A_76] : memref<20480x64xbf16, #tpu.memory_space<vmem_shared>> -> memref<20480x64xbf16, #tpu.memory_space<vmem_shared>>
        tpu.wait_indirect_dma semaphore(%run_scoped3A : memref<!tpu.dma_semaphore, #tpu.memory_space<semaphore_mem>>) src(%arg9 : memref<128x64xbf16, #tpu.memory_space<vmem>>) dst(%dma_wait3A_77 : memref<20480x64xbf16, #tpu.memory_space<vmem_shared>>)
        tpu.yield
      }) : () -> ()
    }
    %scan3A_28 = arith.constant 40 : i32
    %barrier3A_29 = arith.constant 0 : index
    tpu.barrier barrier_id(%barrier3A_29)
    %mul3A_30 = arith.constant 1280 : i32
    %mul3A_31 = arith.muli %arg1, %mul3A_30 : i32
    %mul3A_32 = arith.constant 1280 : i32
    %mul3A_33 = arith.muli %arg1, %mul3A_32 : i32
    "tpu.region"() ({
      %run_scoped3A = tpu.sem_alloc : memref<!tpu.dma_semaphore, #tpu.memory_space<semaphore_mem>>
      %dma_start3A_34 = arith.constant 0 : i32
      %dma_start3A_35 = tpu.memref_slice %arg5[%arg0, %mul3A_33, %dma_start3A_34] : memref<2x20480x64xbf16, #tpu.memory_space<hbm>> -> memref<1x1280x64xbf16, #tpu.memory_space<hbm>>
      %dma_start3A_36 = tpu.memref_squeeze %dma_start3A_35 : memref<1x1280x64xbf16, #tpu.memory_space<hbm>> -> memref<1280x64xbf16, #tpu.memory_space<hbm>>
      %dma_start3A_37 = arith.constant 0 : i32
      %dma_start3A_38 = tpu.memref_slice %arg13[%mul3A_31, %dma_start3A_37] : memref<20480x64xbf16, #tpu.memory_space<vmem_shared>> -> memref<1280x64xbf16, #tpu.memory_space<vmem_shared>>
      tpu.enqueue_dma source(%dma_start3A_38 : memref<1280x64xbf16, #tpu.memory_space<vmem_shared>>) target(%dma_start3A_36 : memref<1280x64xbf16, #tpu.memory_space<hbm>>) target_semaphore(%run_scoped3A : memref<!tpu.dma_semaphore, #tpu.memory_space<semaphore_mem>>)
      %dma_wait3A = arith.constant 0 : i32
      %dma_wait3A_39 = tpu.memref_slice %arg5[%arg0, %mul3A_33, %dma_wait3A] : memref<2x20480x64xbf16, #tpu.memory_space<hbm>> -> memref<1x1280x64xbf16, #tpu.memory_space<hbm>>
      %dma_wait3A_40 = tpu.memref_squeeze %dma_wait3A_39 : memref<1x1280x64xbf16, #tpu.memory_space<hbm>> -> memref<1280x64xbf16, #tpu.memory_space<hbm>>
      %dma_wait3A_41 = arith.constant 0 : i32
      %dma_wait3A_42 = tpu.memref_slice %arg13[%mul3A_31, %dma_wait3A_41] : memref<20480x64xbf16, #tpu.memory_space<vmem_shared>> -> memref<1280x64xbf16, #tpu.memory_space<vmem_shared>>
      tpu.wait_dma2 semaphore(%run_scoped3A : memref<!tpu.dma_semaphore, #tpu.memory_space<semaphore_mem>>) src(%dma_wait3A_42 : memref<1280x64xbf16, #tpu.memory_space<vmem_shared>>) dst(%dma_wait3A_40 : memref<1280x64xbf16, #tpu.memory_space<hbm>>)
      tpu.yield
    }) : () -> ()
    return
  }
}

#map = affine_map<(d0, d1) -> (0, 0)>
#map1 = affine_map<(d0, d1) -> (0, 0, 0)>
module attributes {stable_mosaic.version = 14 : i64} {
  func.func @_edge_sc(%arg0: i32, %arg1: i32, %arg2: memref<10000x64xbf16, #tpu.memory_space<hbm>>, %arg3: memref<32x80x128xi32, #tpu.memory_space<hbm>>, %arg4: memref<32x80x128xi32, #tpu.memory_space<hbm>>, %arg5: memref<2x20480x64xbf16, #tpu.memory_space<hbm>>, %arg6: memref<80x128xi32, #tpu.memory_space<vmem>>, %arg7: memref<80x128xi32, #tpu.memory_space<vmem>>, %arg8: memref<128x64xbf16, #tpu.memory_space<vmem>>, %arg9: memref<128x64xbf16, #tpu.memory_space<vmem>>, %arg10: memref<128x64xbf16, #tpu.memory_space<vmem>>, %arg11: memref<128x64xbf16, #tpu.memory_space<vmem>>, %arg12: memref<128x64xbf16, #tpu.memory_space<vmem>>, %arg13: memref<20480x64xbf16, #tpu.memory_space<vmem_shared>>, %arg14: memref<10000x64xbf16, #tpu.memory_space<vmem_shared>>, %arg15: memref<!tpu.dma_semaphore, #tpu.memory_space<semaphore_mem>>) attributes {dimension_semantics = [#tpu.dimension_semantics<core_parallel>, #tpu.dimension_semantics<subcore_parallel>], iteration_bounds = array<i64: 2, 16>, scalar_prefetch = 0 : i64, scratch_operands = 10 : i64, tpu.core_type = #tpu.core_type<sc_vector_subcore>, window_params = [{transform_indices = #map}, {transform_indices = #map1}, {transform_indices = #map1}, {transform_indices = #map1}]} {
    %mul3A = arith.constant 16 : i32
    %mul3A_0 = arith.muli %arg0, %mul3A : i32
    %add3A = arith.addi %mul3A_0, %arg1 : i32
    %scan3A = arith.constant 0 : i32
    %scan3A_1 = arith.constant 128 : i32
    %scan3A_2 = arith.addi %scan3A, %scan3A_1 : i32
    %scan3A_3 = arith.constant 1 : i32
    scf.for %scan3A_34 = %scan3A to %scan3A_2 step %scan3A_3  : i32 {
      %mul3A_35 = arith.constant 1 : i32
      %mul3A_36 = arith.muli %scan3A_34, %mul3A_35 : i32
      %add3A_37 = arith.constant 0 : i32
      %add3A_38 = arith.addi %add3A_37, %mul3A_36 : i32
      %scan3A_39 = arith.constant 0 : i32
      %scan3A_40 = arith.constant 2 : i32
      %scan3A_41 = arith.addi %scan3A_39, %scan3A_40 : i32
      %scan3A_42 = arith.constant 1 : i32
      scf.for %scan3A_44 = %scan3A_39 to %scan3A_41 step %scan3A_42  : i32 {
        %mul3A_45 = arith.constant 1 : i32
        %mul3A_46 = arith.muli %scan3A_44, %mul3A_45 : i32
        %add3A_47 = arith.constant 0 : i32
        %add3A_48 = arith.addi %add3A_47, %mul3A_46 : i32
        %broadcast_in_dim3A = arith.constant 0.000000e+00 : bf16
        %broadcast_in_dim3A_49 = vector.broadcast %broadcast_in_dim3A : bf16 to vector<32xbf16>
        %mul3A_50 = arith.constant 32 : i32
        %mul3A_51 = arith.muli %add3A_48, %mul3A_50 : i32
        %swap3A = arith.index_cast %add3A_38 : i32 to index
        %swap3A_52 = arith.index_cast %mul3A_51 : i32 to index
        %swap3A_53 = tpu.vector_load %arg12[%swap3A, %swap3A_52] {strides = array<i32>} : memref<128x64xbf16, #tpu.memory_space<vmem>>, vector<1x32xbf16>,
        %swap3A_54 = vector.shape_cast %swap3A_53 : vector<1x32xbf16> to vector<32xbf16>
        %swap3A_55 = vector.shape_cast %broadcast_in_dim3A_49 : vector<32xbf16> to vector<1x32xbf16>
        tpu.vector_store %arg12[%swap3A, %swap3A_52], %swap3A_55 {strides = array<i32>} : memref<128x64xbf16, #tpu.memory_space<vmem>>, vector<1x32xbf16>,
      }
      %scan3A_43 = arith.constant 2 : i32
    }
    %scan3A_4 = arith.constant 128 : i32
    %mul3A_5 = arith.constant 128 : i32
    %mul3A_6 = arith.muli %arg1, %mul3A_5 : i32
    %mul3A_7 = arith.constant 10 : i32
    %mul3A_8 = arith.muli %mul3A_6, %mul3A_7 : i32
    %scan3A_9 = arith.constant 0 : i32
    %scan3A_10 = arith.constant 10 : i32
    %scan3A_11 = arith.addi %scan3A_9, %scan3A_10 : i32
    %scan3A_12 = arith.constant 1 : i32
    scf.for %scan3A_34 = %scan3A_9 to %scan3A_11 step %scan3A_12  : i32 {
      %mul3A_35 = arith.constant 1 : i32
      %mul3A_36 = arith.muli %scan3A_34, %mul3A_35 : i32
      %add3A_37 = arith.constant 0 : i32
      %add3A_38 = arith.addi %add3A_37, %mul3A_36 : i32
      %mul3A_39 = arith.constant 128 : i32
      %mul3A_40 = arith.muli %add3A_38, %mul3A_39 : i32
      %add3A_41 = arith.addi %mul3A_8, %mul3A_40 : i32
      "tpu.region"() ({
        %run_scoped3A = tpu.sem_alloc : memref<!tpu.dma_semaphore, #tpu.memory_space<semaphore_mem>>
        %dma_start3A_42 = arith.constant 0 : i32
        %dma_start3A_43 = tpu.memref_slice %arg13[%add3A_41, %dma_start3A_42] : memref<20480x64xbf16, #tpu.memory_space<vmem_shared>> -> memref<128x64xbf16, #tpu.memory_space<vmem_shared>>
        %dma_start3A_44 = arith.constant 0 : i32
        %dma_start3A_45 = tpu.memref_slice %arg13[%add3A_41, %dma_start3A_44] : memref<20480x64xbf16, #tpu.memory_space<vmem_shared>> -> memref<128x64xbf16, #tpu.memory_space<vmem_shared>>
        tpu.enqueue_dma source(%arg12 : memref<128x64xbf16, #tpu.memory_space<vmem>>) target(%dma_start3A_45 : memref<128x64xbf16, #tpu.memory_space<vmem_shared>>) target_semaphore(%run_scoped3A : memref<!tpu.dma_semaphore, #tpu.memory_space<semaphore_mem>>)
        %dma_wait3A = arith.constant 0 : i32
        %dma_wait3A_46 = tpu.memref_slice %arg13[%add3A_41, %dma_wait3A] : memref<20480x64xbf16, #tpu.memory_space<vmem_shared>> -> memref<128x64xbf16, #tpu.memory_space<vmem_shared>>
        %dma_wait3A_47 = arith.constant 0 : i32
        %dma_wait3A_48 = tpu.memref_slice %arg13[%add3A_41, %dma_wait3A_47] : memref<20480x64xbf16, #tpu.memory_space<vmem_shared>> -> memref<128x64xbf16, #tpu.memory_space<vmem_shared>>
        tpu.wait_dma2 semaphore(%run_scoped3A : memref<!tpu.dma_semaphore, #tpu.memory_space<semaphore_mem>>) src(%arg12 : memref<128x64xbf16, #tpu.memory_space<vmem>>) dst(%dma_wait3A_48 : memref<128x64xbf16, #tpu.memory_space<vmem_shared>>)
        tpu.yield
      }) : () -> ()
    }
    %scan3A_13 = arith.constant 10 : i32
    %mul3A_14 = arith.constant 625 : i32
    %mul3A_15 = arith.muli %arg1, %mul3A_14 : i32
    %mul3A_16 = arith.constant 625 : i32
    %mul3A_17 = arith.muli %arg1, %mul3A_16 : i32
    "tpu.region"() ({
      %run_scoped3A = tpu.sem_alloc : memref<!tpu.dma_semaphore, #tpu.memory_space<semaphore_mem>>
      %dma_start3A_34 = arith.constant 0 : i32
      %dma_start3A_35 = tpu.memref_slice %arg14[%mul3A_17, %dma_start3A_34] : memref<10000x64xbf16, #tpu.memory_space<vmem_shared>> -> memref<625x64xbf16, #tpu.memory_space<vmem_shared>>
      %dma_start3A_36 = arith.constant 0 : i32
      %dma_start3A_37 = tpu.memref_slice %arg2[%mul3A_15, %dma_start3A_36] : memref<10000x64xbf16, #tpu.memory_space<hbm>> -> memref<625x64xbf16, #tpu.memory_space<hbm>>
      tpu.enqueue_dma source(%dma_start3A_37 : memref<625x64xbf16, #tpu.memory_space<hbm>>) target(%dma_start3A_35 : memref<625x64xbf16, #tpu.memory_space<vmem_shared>>) target_semaphore(%run_scoped3A : memref<!tpu.dma_semaphore, #tpu.memory_space<semaphore_mem>>)
      %dma_wait3A = arith.constant 0 : i32
      %dma_wait3A_38 = tpu.memref_slice %arg14[%mul3A_17, %dma_wait3A] : memref<10000x64xbf16, #tpu.memory_space<vmem_shared>> -> memref<625x64xbf16, #tpu.memory_space<vmem_shared>>
      %dma_wait3A_39 = arith.constant 0 : i32
      %dma_wait3A_40 = tpu.memref_slice %arg2[%mul3A_15, %dma_wait3A_39] : memref<10000x64xbf16, #tpu.memory_space<hbm>> -> memref<625x64xbf16, #tpu.memory_space<hbm>>
      tpu.wait_dma2 semaphore(%run_scoped3A : memref<!tpu.dma_semaphore, #tpu.memory_space<semaphore_mem>>) src(%dma_wait3A_40 : memref<625x64xbf16, #tpu.memory_space<hbm>>) dst(%dma_wait3A_38 : memref<625x64xbf16, #tpu.memory_space<vmem_shared>>)
      tpu.yield
    }) : () -> ()
    %barrier3A = arith.constant 0 : index
    tpu.barrier barrier_id(%barrier3A)
    "tpu.region"() ({
      %run_scoped3A = tpu.sem_alloc : memref<!tpu.dma_semaphore, #tpu.memory_space<semaphore_mem>>
      %dma_start3A_34 = arith.constant 0 : i32
      %dma_start3A_35 = arith.constant 0 : i32
      %dma_start3A_36 = tpu.memref_slice %arg3[%add3A, %dma_start3A_34, %dma_start3A_35] : memref<32x80x128xi32, #tpu.memory_space<hbm>> -> memref<1x80x128xi32, #tpu.memory_space<hbm>>
      %dma_start3A_37 = tpu.memref_squeeze %dma_start3A_36 : memref<1x80x128xi32, #tpu.memory_space<hbm>> -> memref<80x128xi32, #tpu.memory_space<hbm>>
      %dma_start3A_38 = arith.constant 0 : i32
      %dma_start3A_39 = arith.constant 0 : i32
      %dma_start3A_40 = tpu.memref_slice %arg3[%add3A, %dma_start3A_38, %dma_start3A_39] : memref<32x80x128xi32, #tpu.memory_space<hbm>> -> memref<1x80x128xi32, #tpu.memory_space<hbm>>
      %dma_start3A_41 = tpu.memref_squeeze %dma_start3A_40 : memref<1x80x128xi32, #tpu.memory_space<hbm>> -> memref<80x128xi32, #tpu.memory_space<hbm>>
      tpu.enqueue_dma source(%dma_start3A_41 : memref<80x128xi32, #tpu.memory_space<hbm>>) target(%arg6 : memref<80x128xi32, #tpu.memory_space<vmem>>) target_semaphore(%run_scoped3A : memref<!tpu.dma_semaphore, #tpu.memory_space<semaphore_mem>>)
      %dma_wait3A = arith.constant 0 : i32
      %dma_wait3A_42 = arith.constant 0 : i32
      %dma_wait3A_43 = tpu.memref_slice %arg3[%add3A, %dma_wait3A, %dma_wait3A_42] : memref<32x80x128xi32, #tpu.memory_space<hbm>> -> memref<1x80x128xi32, #tpu.memory_space<hbm>>
      %dma_wait3A_44 = tpu.memref_squeeze %dma_wait3A_43 : memref<1x80x128xi32, #tpu.memory_space<hbm>> -> memref<80x128xi32, #tpu.memory_space<hbm>>
      %dma_wait3A_45 = arith.constant 0 : i32
      %dma_wait3A_46 = arith.constant 0 : i32
      %dma_wait3A_47 = tpu.memref_slice %arg3[%add3A, %dma_wait3A_45, %dma_wait3A_46] : memref<32x80x128xi32, #tpu.memory_space<hbm>> -> memref<1x80x128xi32, #tpu.memory_space<hbm>>
      %dma_wait3A_48 = tpu.memref_squeeze %dma_wait3A_47 : memref<1x80x128xi32, #tpu.memory_space<hbm>> -> memref<80x128xi32, #tpu.memory_space<hbm>>
      tpu.wait_dma2 semaphore(%run_scoped3A : memref<!tpu.dma_semaphore, #tpu.memory_space<semaphore_mem>>) src(%dma_wait3A_48 : memref<80x128xi32, #tpu.memory_space<hbm>>) dst(%arg6 : memref<80x128xi32, #tpu.memory_space<vmem>>)
      tpu.yield
    }) : () -> ()
    "tpu.region"() ({
      %run_scoped3A = tpu.sem_alloc : memref<!tpu.dma_semaphore, #tpu.memory_space<semaphore_mem>>
      %dma_start3A_34 = arith.constant 0 : i32
      %dma_start3A_35 = arith.constant 0 : i32
      %dma_start3A_36 = tpu.memref_slice %arg4[%add3A, %dma_start3A_34, %dma_start3A_35] : memref<32x80x128xi32, #tpu.memory_space<hbm>> -> memref<1x80x128xi32, #tpu.memory_space<hbm>>
      %dma_start3A_37 = tpu.memref_squeeze %dma_start3A_36 : memref<1x80x128xi32, #tpu.memory_space<hbm>> -> memref<80x128xi32, #tpu.memory_space<hbm>>
      %dma_start3A_38 = arith.constant 0 : i32
      %dma_start3A_39 = arith.constant 0 : i32
      %dma_start3A_40 = tpu.memref_slice %arg4[%add3A, %dma_start3A_38, %dma_start3A_39] : memref<32x80x128xi32, #tpu.memory_space<hbm>> -> memref<1x80x128xi32, #tpu.memory_space<hbm>>
      %dma_start3A_41 = tpu.memref_squeeze %dma_start3A_40 : memref<1x80x128xi32, #tpu.memory_space<hbm>> -> memref<80x128xi32, #tpu.memory_space<hbm>>
      tpu.enqueue_dma source(%dma_start3A_41 : memref<80x128xi32, #tpu.memory_space<hbm>>) target(%arg7 : memref<80x128xi32, #tpu.memory_space<vmem>>) target_semaphore(%run_scoped3A : memref<!tpu.dma_semaphore, #tpu.memory_space<semaphore_mem>>)
      %dma_wait3A = arith.constant 0 : i32
      %dma_wait3A_42 = arith.constant 0 : i32
      %dma_wait3A_43 = tpu.memref_slice %arg4[%add3A, %dma_wait3A, %dma_wait3A_42] : memref<32x80x128xi32, #tpu.memory_space<hbm>> -> memref<1x80x128xi32, #tpu.memory_space<hbm>>
      %dma_wait3A_44 = tpu.memref_squeeze %dma_wait3A_43 : memref<1x80x128xi32, #tpu.memory_space<hbm>> -> memref<80x128xi32, #tpu.memory_space<hbm>>
      %dma_wait3A_45 = arith.constant 0 : i32
      %dma_wait3A_46 = arith.constant 0 : i32
      %dma_wait3A_47 = tpu.memref_slice %arg4[%add3A, %dma_wait3A_45, %dma_wait3A_46] : memref<32x80x128xi32, #tpu.memory_space<hbm>> -> memref<1x80x128xi32, #tpu.memory_space<hbm>>
      %dma_wait3A_48 = tpu.memref_squeeze %dma_wait3A_47 : memref<1x80x128xi32, #tpu.memory_space<hbm>> -> memref<80x128xi32, #tpu.memory_space<hbm>>
      tpu.wait_dma2 semaphore(%run_scoped3A : memref<!tpu.dma_semaphore, #tpu.memory_space<semaphore_mem>>) src(%dma_wait3A_48 : memref<80x128xi32, #tpu.memory_space<hbm>>) dst(%arg7 : memref<80x128xi32, #tpu.memory_space<vmem>>)
      tpu.yield
    }) : () -> ()
    %dma_start3A = arith.constant 0 : i32
    %dma_start3A_18 = arith.constant 0 : i32
    %dma_start3A_19 = tpu.memref_slice %arg6[%dma_start3A, %dma_start3A_18] : memref<80x128xi32, #tpu.memory_space<vmem>> -> memref<1x128xi32, #tpu.memory_space<vmem>>
    %dma_start3A_20 = tpu.memref_squeeze %dma_start3A_19 : memref<1x128xi32, #tpu.memory_space<vmem>> -> memref<128xi32, #tpu.memory_space<vmem>>
    %dma_start3A_21 = arith.constant 0 : i32
    %dma_start3A_22 = arith.constant 0 : i32
    %dma_start3A_23 = tpu.memref_slice %arg14[%dma_start3A_21, %dma_start3A_22] : memref<10000x64xbf16, #tpu.memory_space<vmem_shared>> -> memref<10000x64xbf16, #tpu.memory_space<vmem_shared>>
    tpu.enqueue_indirect_dma source(%dma_start3A_23 : memref<10000x64xbf16, #tpu.memory_space<vmem_shared>>) target(%arg8 : memref<128x64xbf16, #tpu.memory_space<vmem>>) offsets(%dma_start3A_20 : memref<128xi32, #tpu.memory_space<vmem>>) semaphore(%arg15 : memref<!tpu.dma_semaphore, #tpu.memory_space<semaphore_mem>>)
    %scan3A_24 = arith.constant 0 : i32
    %scan3A_25 = arith.constant 40 : i32
    %scan3A_26 = arith.addi %scan3A_24, %scan3A_25 : i32
    %scan3A_27 = arith.constant 1 : i32
    scf.for %scan3A_34 = %scan3A_24 to %scan3A_26 step %scan3A_27  : i32 {
      %mul3A_35 = arith.constant 2 : i32
      %mul3A_36 = arith.muli %scan3A_34, %mul3A_35 : i32
      %add3A_37 = arith.constant 0 : i32
      %add3A_38 = arith.addi %add3A_37, %mul3A_36 : i32
      %dma_wait3A = arith.constant 0 : i32
      %dma_wait3A_39 = tpu.memref_slice %arg6[%add3A_38, %dma_wait3A] : memref<80x128xi32, #tpu.memory_space<vmem>> -> memref<1x128xi32, #tpu.memory_space<vmem>>
      %dma_wait3A_40 = tpu.memref_squeeze %dma_wait3A_39 : memref<1x128xi32, #tpu.memory_space<vmem>> -> memref<128xi32, #tpu.memory_space<vmem>>
      %dma_wait3A_41 = arith.constant 0 : i32
      %dma_wait3A_42 = arith.constant 0 : i32
      %dma_wait3A_43 = tpu.memref_slice %arg14[%dma_wait3A_41, %dma_wait3A_42] : memref<10000x64xbf16, #tpu.memory_space<vmem_shared>> -> memref<10000x64xbf16, #tpu.memory_space<vmem_shared>>
      tpu.wait_indirect_dma semaphore(%arg15 : memref<!tpu.dma_semaphore, #tpu.memory_space<semaphore_mem>>) src(%dma_wait3A_43 : memref<10000x64xbf16, #tpu.memory_space<vmem_shared>>) dst(%arg8 : memref<128x64xbf16, #tpu.memory_space<vmem>>)
      %add3A_44 = arith.constant 1 : i32
      %add3A_45 = arith.addi %add3A_38, %add3A_44 : i32
      %dma_start3A_46 = arith.constant 0 : i32
      %dma_start3A_47 = tpu.memref_slice %arg6[%add3A_45, %dma_start3A_46] : memref<80x128xi32, #tpu.memory_space<vmem>> -> memref<1x128xi32, #tpu.memory_space<vmem>>
      %dma_start3A_48 = tpu.memref_squeeze %dma_start3A_47 : memref<1x128xi32, #tpu.memory_space<vmem>> -> memref<128xi32, #tpu.memory_space<vmem>>
      %dma_start3A_49 = arith.constant 0 : i32
      %dma_start3A_50 = arith.constant 0 : i32
      %dma_start3A_51 = tpu.memref_slice %arg14[%dma_start3A_49, %dma_start3A_50] : memref<10000x64xbf16, #tpu.memory_space<vmem_shared>> -> memref<10000x64xbf16, #tpu.memory_space<vmem_shared>>
      tpu.enqueue_indirect_dma source(%dma_start3A_51 : memref<10000x64xbf16, #tpu.memory_space<vmem_shared>>) target(%arg9 : memref<128x64xbf16, #tpu.memory_space<vmem>>) offsets(%dma_start3A_48 : memref<128xi32, #tpu.memory_space<vmem>>) semaphore(%arg15 : memref<!tpu.dma_semaphore, #tpu.memory_space<semaphore_mem>>)
      "tpu.region"() ({
        %run_scoped3A = tpu.sem_alloc : memref<!tpu.dma_semaphore, #tpu.memory_space<semaphore_mem>>
        %dma_start3A_66 = arith.constant 0 : i32
        %dma_start3A_67 = tpu.memref_slice %arg7[%add3A_38, %dma_start3A_66] : memref<80x128xi32, #tpu.memory_space<vmem>> -> memref<1x128xi32, #tpu.memory_space<vmem>>
        %dma_start3A_68 = tpu.memref_squeeze %dma_start3A_67 : memref<1x128xi32, #tpu.memory_space<vmem>> -> memref<128xi32, #tpu.memory_space<vmem>>
        %dma_start3A_69 = arith.constant 0 : i32
        %dma_start3A_70 = arith.constant 0 : i32
        %dma_start3A_71 = tpu.memref_slice %arg13[%dma_start3A_69, %dma_start3A_70] : memref<20480x64xbf16, #tpu.memory_space<vmem_shared>> -> memref<20480x64xbf16, #tpu.memory_space<vmem_shared>>
        tpu.enqueue_indirect_dma source(%arg8 : memref<128x64xbf16, #tpu.memory_space<vmem>>) target(%dma_start3A_71 : memref<20480x64xbf16, #tpu.memory_space<vmem_shared>>) offsets(%dma_start3A_68 : memref<128xi32, #tpu.memory_space<vmem>>) semaphore(%run_scoped3A : memref<!tpu.dma_semaphore, #tpu.memory_space<semaphore_mem>>) {add = true}
        %dma_wait3A_72 = arith.constant 0 : i32
        %dma_wait3A_73 = tpu.memref_slice %arg7[%add3A_38, %dma_wait3A_72] : memref<80x128xi32, #tpu.memory_space<vmem>> -> memref<1x128xi32, #tpu.memory_space<vmem>>
        %dma_wait3A_74 = tpu.memref_squeeze %dma_wait3A_73 : memref<1x128xi32, #tpu.memory_space<vmem>> -> memref<128xi32, #tpu.memory_space<vmem>>
        %dma_wait3A_75 = arith.constant 0 : i32
        %dma_wait3A_76 = arith.constant 0 : i32
        %dma_wait3A_77 = tpu.memref_slice %arg13[%dma_wait3A_75, %dma_wait3A_76] : memref<20480x64xbf16, #tpu.memory_space<vmem_shared>> -> memref<20480x64xbf16, #tpu.memory_space<vmem_shared>>
        tpu.wait_indirect_dma semaphore(%run_scoped3A : memref<!tpu.dma_semaphore, #tpu.memory_space<semaphore_mem>>) src(%arg8 : memref<128x64xbf16, #tpu.memory_space<vmem>>) dst(%dma_wait3A_77 : memref<20480x64xbf16, #tpu.memory_space<vmem_shared>>)
        tpu.yield
      }) : () -> ()
      %add3A_52 = arith.constant 1 : i32
      %add3A_53 = arith.addi %add3A_38, %add3A_52 : i32
      %dma_wait3A_54 = arith.constant 0 : i32
      %dma_wait3A_55 = tpu.memref_slice %arg6[%add3A_53, %dma_wait3A_54] : memref<80x128xi32, #tpu.memory_space<vmem>> -> memref<1x128xi32, #tpu.memory_space<vmem>>
      %dma_wait3A_56 = tpu.memref_squeeze %dma_wait3A_55 : memref<1x128xi32, #tpu.memory_space<vmem>> -> memref<128xi32, #tpu.memory_space<vmem>>
      %dma_wait3A_57 = arith.constant 0 : i32
      %dma_wait3A_58 = arith.constant 0 : i32
      %dma_wait3A_59 = tpu.memref_slice %arg14[%dma_wait3A_57, %dma_wait3A_58] : memref<10000x64xbf16, #tpu.memory_space<vmem_shared>> -> memref<10000x64xbf16, #tpu.memory_space<vmem_shared>>
      tpu.wait_indirect_dma semaphore(%arg15 : memref<!tpu.dma_semaphore, #tpu.memory_space<semaphore_mem>>) src(%dma_wait3A_59 : memref<10000x64xbf16, #tpu.memory_space<vmem_shared>>) dst(%arg9 : memref<128x64xbf16, #tpu.memory_space<vmem>>)
      %add3A_60 = arith.constant 2 : i32
      %add3A_61 = arith.addi %add3A_38, %add3A_60 : i32
      %lt3A = arith.constant 80 : i32
      %lt3A_62 = arith.cmpi slt, %add3A_61, %lt3A : i32
      %convert_element_type3A = arith.extui %lt3A_62 : i1 to i32
      %cond3A = arith.constant 0 : i32
      %cond3A_63 = arith.cmpi ne, %convert_element_type3A, %cond3A : i32
      scf.if %cond3A_63 {
        %add3A_66 = arith.constant 2 : i32
        %add3A_67 = arith.addi %add3A_38, %add3A_66 : i32
        %dma_start3A_68 = arith.constant 0 : i32
        %dma_start3A_69 = tpu.memref_slice %arg6[%add3A_67, %dma_start3A_68] : memref<80x128xi32, #tpu.memory_space<vmem>> -> memref<1x128xi32, #tpu.memory_space<vmem>>
        %dma_start3A_70 = tpu.memref_squeeze %dma_start3A_69 : memref<1x128xi32, #tpu.memory_space<vmem>> -> memref<128xi32, #tpu.memory_space<vmem>>
        %dma_start3A_71 = arith.constant 0 : i32
        %dma_start3A_72 = arith.constant 0 : i32
        %dma_start3A_73 = tpu.memref_slice %arg14[%dma_start3A_71, %dma_start3A_72] : memref<10000x64xbf16, #tpu.memory_space<vmem_shared>> -> memref<10000x64xbf16, #tpu.memory_space<vmem_shared>>
        tpu.enqueue_indirect_dma source(%dma_start3A_73 : memref<10000x64xbf16, #tpu.memory_space<vmem_shared>>) target(%arg8 : memref<128x64xbf16, #tpu.memory_space<vmem>>) offsets(%dma_start3A_70 : memref<128xi32, #tpu.memory_space<vmem>>) semaphore(%arg15 : memref<!tpu.dma_semaphore, #tpu.memory_space<semaphore_mem>>)
      } else {
      }
      %add3A_64 = arith.constant 1 : i32
      %add3A_65 = arith.addi %add3A_38, %add3A_64 : i32
      "tpu.region"() ({
        %run_scoped3A = tpu.sem_alloc : memref<!tpu.dma_semaphore, #tpu.memory_space<semaphore_mem>>
        %dma_start3A_66 = arith.constant 0 : i32
        %dma_start3A_67 = tpu.memref_slice %arg7[%add3A_65, %dma_start3A_66] : memref<80x128xi32, #tpu.memory_space<vmem>> -> memref<1x128xi32, #tpu.memory_space<vmem>>
        %dma_start3A_68 = tpu.memref_squeeze %dma_start3A_67 : memref<1x128xi32, #tpu.memory_space<vmem>> -> memref<128xi32, #tpu.memory_space<vmem>>
        %dma_start3A_69 = arith.constant 0 : i32
        %dma_start3A_70 = arith.constant 0 : i32
        %dma_start3A_71 = tpu.memref_slice %arg13[%dma_start3A_69, %dma_start3A_70] : memref<20480x64xbf16, #tpu.memory_space<vmem_shared>> -> memref<20480x64xbf16, #tpu.memory_space<vmem_shared>>
        tpu.enqueue_indirect_dma source(%arg9 : memref<128x64xbf16, #tpu.memory_space<vmem>>) target(%dma_start3A_71 : memref<20480x64xbf16, #tpu.memory_space<vmem_shared>>) offsets(%dma_start3A_68 : memref<128xi32, #tpu.memory_space<vmem>>) semaphore(%run_scoped3A : memref<!tpu.dma_semaphore, #tpu.memory_space<semaphore_mem>>) {add = true}
        %dma_wait3A_72 = arith.constant 0 : i32
        %dma_wait3A_73 = tpu.memref_slice %arg7[%add3A_65, %dma_wait3A_72] : memref<80x128xi32, #tpu.memory_space<vmem>> -> memref<1x128xi32, #tpu.memory_space<vmem>>
        %dma_wait3A_74 = tpu.memref_squeeze %dma_wait3A_73 : memref<1x128xi32, #tpu.memory_space<vmem>> -> memref<128xi32, #tpu.memory_space<vmem>>
        %dma_wait3A_75 = arith.constant 0 : i32
        %dma_wait3A_76 = arith.constant 0 : i32
        %dma_wait3A_77 = tpu.memref_slice %arg13[%dma_wait3A_75, %dma_wait3A_76] : memref<20480x64xbf16, #tpu.memory_space<vmem_shared>> -> memref<20480x64xbf16, #tpu.memory_space<vmem_shared>>
        tpu.wait_indirect_dma semaphore(%run_scoped3A : memref<!tpu.dma_semaphore, #tpu.memory_space<semaphore_mem>>) src(%arg9 : memref<128x64xbf16, #tpu.memory_space<vmem>>) dst(%dma_wait3A_77 : memref<20480x64xbf16, #tpu.memory_space<vmem_shared>>)
        tpu.yield
      }) : () -> ()
    }
    %scan3A_28 = arith.constant 40 : i32
    %barrier3A_29 = arith.constant 0 : index
    tpu.barrier barrier_id(%barrier3A_29)
    %mul3A_30 = arith.constant 1280 : i32
    %mul3A_31 = arith.muli %arg1, %mul3A_30 : i32
    %mul3A_32 = arith.constant 1280 : i32
    %mul3A_33 = arith.muli %arg1, %mul3A_32 : i32
    "tpu.region"() ({
      %run_scoped3A = tpu.sem_alloc : memref<!tpu.dma_semaphore, #tpu.memory_space<semaphore_mem>>
      %dma_start3A_34 = arith.constant 0 : i32
      %dma_start3A_35 = tpu.memref_slice %arg5[%arg0, %mul3A_33, %dma_start3A_34] : memref<2x20480x64xbf16, #tpu.memory_space<hbm>> -> memref<1x1280x64xbf16, #tpu.memory_space<hbm>>
      %dma_start3A_36 = tpu.memref_squeeze %dma_start3A_35 : memref<1x1280x64xbf16, #tpu.memory_space<hbm>> -> memref<1280x64xbf16, #tpu.memory_space<hbm>>
      %dma_start3A_37 = arith.constant 0 : i32
      %dma_start3A_38 = tpu.memref_slice %arg13[%mul3A_31, %dma_start3A_37] : memref<20480x64xbf16, #tpu.memory_space<vmem_shared>> -> memref<1280x64xbf16, #tpu.memory_space<vmem_shared>>
      tpu.enqueue_dma source(%dma_start3A_38 : memref<1280x64xbf16, #tpu.memory_space<vmem_shared>>) target(%dma_start3A_36 : memref<1280x64xbf16, #tpu.memory_space<hbm>>) target_semaphore(%run_scoped3A : memref<!tpu.dma_semaphore, #tpu.memory_space<semaphore_mem>>)
      %dma_wait3A = arith.constant 0 : i32
      %dma_wait3A_39 = tpu.memref_slice %arg5[%arg0, %mul3A_33, %dma_wait3A] : memref<2x20480x64xbf16, #tpu.memory_space<hbm>> -> memref<1x1280x64xbf16, #tpu.memory_space<hbm>>
      %dma_wait3A_40 = tpu.memref_squeeze %dma_wait3A_39 : memref<1x1280x64xbf16, #tpu.memory_space<hbm>> -> memref<1280x64xbf16, #tpu.memory_space<hbm>>
      %dma_wait3A_41 = arith.constant 0 : i32
      %dma_wait3A_42 = tpu.memref_slice %arg13[%mul3A_31, %dma_wait3A_41] : memref<20480x64xbf16, #tpu.memory_space<vmem_shared>> -> memref<1280x64xbf16, #tpu.memory_space<vmem_shared>>
      tpu.wait_dma2 semaphore(%run_scoped3A : memref<!tpu.dma_semaphore, #tpu.memory_space<semaphore_mem>>) src(%dma_wait3A_42 : memref<1280x64xbf16, #tpu.memory_space<vmem_shared>>) dst(%dma_wait3A_40 : memref<1280x64xbf16, #tpu.memory_space<hbm>>)
      tpu.yield
    }) : () -> ()
    return
  }
}

module attributes {stable_mosaic.version = 14 : i64} {
  func.func @_k1_body(%arg0: memref<2x10240x16xf32, #tpu.memory_space<vmem>>, %arg1: memref<10000x128xf32, #tpu.memory_space<vmem>>, %arg2: memref<128x64xf32, #tpu.memory_space<vmem>>, %arg3: memref<10000x64xbf16, #tpu.memory_space<vmem>>, %arg4: memref<10000x1xf32, #tpu.memory_space<vmem>>) attributes {dimension_semantics = [], scalar_prefetch = 0 : i64, scratch_operands = 0 : i64, tpu.core_type = #tpu.core_type<tc>} {
    %get3A = arith.constant 0 : index
    %get3A_0 = arith.constant 0 : index
    %get3A_1 = arith.constant 0 : index
    %get3A_2 = vector.load %arg0[%get3A, %get3A_0, %get3A_1] : memref<2x10240x16xf32, #tpu.memory_space<vmem>>, vector<1x10000x1xf32>
    %get3A_3 = vector.shape_cast %get3A_2 : vector<1x10000x1xf32> to vector<10000x1xf32>
    %get3A_4 = arith.constant 1 : index
    %get3A_5 = arith.constant 0 : index
    %get3A_6 = arith.constant 0 : index
    %get3A_7 = vector.load %arg0[%get3A_4, %get3A_5, %get3A_6] : memref<2x10240x16xf32, #tpu.memory_space<vmem>>, vector<1x10000x1xf32>
    %get3A_8 = vector.shape_cast %get3A_7 : vector<1x10000x1xf32> to vector<10000x1xf32>
    %add3A = arith.addf %get3A_3, %get3A_8 : vector<10000x1xf32>
    %add3A_9 = arith.constant 1.000000e+00 : f32
    %add3A_10 = vector.broadcast %add3A_9 : f32 to vector<10000x1xf32>
    %add3A_11 = arith.addf %add3A, %add3A_10 : vector<10000x1xf32>
    %rsqrt3A = math.rsqrt %add3A_11 : vector<10000x1xf32>
    %swap3A = arith.constant 0 : index
    %swap3A_12 = arith.constant 0 : index
    %swap3A_13 = vector.load %arg4[%swap3A, %swap3A_12] : memref<10000x1xf32, #tpu.memory_space<vmem>>, vector<10000x1xf32>
    tpu.vector_store %arg4[%swap3A, %swap3A_12], %rsqrt3A {strides = array<i32>} : memref<10000x1xf32, #tpu.memory_space<vmem>>, vector<10000x1xf32>,
    %get3A_14 = arith.constant 0 : index
    %get3A_15 = arith.constant 0 : index
    %get3A_16 = vector.load %arg1[%get3A_14, %get3A_15] : memref<10000x128xf32, #tpu.memory_space<vmem>>, vector<10000x128xf32>
    %get3A_17 = arith.constant 0 : index
    %get3A_18 = arith.constant 0 : index
    %get3A_19 = vector.load %arg2[%get3A_17, %get3A_18] : memref<128x64xf32, #tpu.memory_space<vmem>>, vector<128x64xf32>
    %dot_general3A = arith.constant dense<0.000000e+00> : vector<10000x64xf32>
    %dot_general3A_20 = tpu.matmul %get3A_16, %get3A_19, %dot_general3A {dimension_numbers = #tpu.dot_dimension_numbers<[1], [0], [0], [1], [0, 0, 1, 1], [], []>, transpose_lhs_hint = false} : vector<10000x128xf32>, vector<128x64xf32>, vector<10000x64xf32> -> vector<10000x64xf32>
    %mul3A = vector.broadcast %rsqrt3A : vector<10000x1xf32> to vector<10000x64xf32>
    %mul3A_21 = arith.mulf %dot_general3A_20, %mul3A : vector<10000x64xf32>
    %convert_element_type3A = arith.truncf %mul3A_21 : vector<10000x64xf32> to vector<10000x64xbf16>
    %swap3A_22 = arith.constant 0 : index
    %swap3A_23 = arith.constant 0 : index
    %swap3A_24 = vector.load %arg3[%swap3A_22, %swap3A_23] : memref<10000x64xbf16, #tpu.memory_space<vmem>>, vector<10000x64xbf16>
    tpu.vector_store %arg3[%swap3A_22, %swap3A_23], %convert_element_type3A {strides = array<i32>} : memref<10000x64xbf16, #tpu.memory_space<vmem>>, vector<10000x64xbf16>,
    return
  }
}

module attributes {stable_mosaic.version = 14 : i64} {
  func.func @_post_body(%arg0: memref<2x20480x64xbf16, #tpu.memory_space<vmem>>, %arg1: memref<10000x64xbf16, #tpu.memory_space<vmem>>, %arg2: memref<10000x1xf32, #tpu.memory_space<vmem>>, %arg3: memref<1x64xf32, #tpu.memory_space<vmem>>, %arg4: memref<1x64xf32, #tpu.memory_space<vmem>>, %arg5: memref<1x64xf32, #tpu.memory_space<vmem>>, %arg6: memref<64x64xf32, #tpu.memory_space<vmem>>, %arg7: memref<10000x64xbf16, #tpu.memory_space<vmem>>) attributes {dimension_semantics = [], scalar_prefetch = 0 : i64, scratch_operands = 0 : i64, tpu.core_type = #tpu.core_type<tc>} {
    %get3A = arith.constant 0 : index
    %get3A_0 = arith.constant 0 : index
    %get3A_1 = arith.constant 0 : index
    %get3A_2 = vector.load %arg0[%get3A, %get3A_0, %get3A_1] : memref<2x20480x64xbf16, #tpu.memory_space<vmem>>, vector<1x10000x64xbf16>
    %get3A_3 = vector.shape_cast %get3A_2 : vector<1x10000x64xbf16> to vector<10000x64xbf16>
    %convert_element_type3A = arith.extf %get3A_3 : vector<10000x64xbf16> to vector<10000x64xf32>
    %get3A_4 = arith.constant 0 : index
    %get3A_5 = arith.constant 10240 : index
    %get3A_6 = arith.constant 0 : index
    %get3A_7 = vector.load %arg0[%get3A_4, %get3A_5, %get3A_6] : memref<2x20480x64xbf16, #tpu.memory_space<vmem>>, vector<1x10000x64xbf16>
    %get3A_8 = vector.shape_cast %get3A_7 : vector<1x10000x64xbf16> to vector<10000x64xbf16>
    %convert_element_type3A_9 = arith.extf %get3A_8 : vector<10000x64xbf16> to vector<10000x64xf32>
    %add3A = arith.addf %convert_element_type3A, %convert_element_type3A_9 : vector<10000x64xf32>
    %get3A_10 = arith.constant 1 : index
    %get3A_11 = arith.constant 0 : index
    %get3A_12 = arith.constant 0 : index
    %get3A_13 = vector.load %arg0[%get3A_10, %get3A_11, %get3A_12] : memref<2x20480x64xbf16, #tpu.memory_space<vmem>>, vector<1x10000x64xbf16>
    %get3A_14 = vector.shape_cast %get3A_13 : vector<1x10000x64xbf16> to vector<10000x64xbf16>
    %convert_element_type3A_15 = arith.extf %get3A_14 : vector<10000x64xbf16> to vector<10000x64xf32>
    %add3A_16 = arith.addf %add3A, %convert_element_type3A_15 : vector<10000x64xf32>
    %get3A_17 = arith.constant 1 : index
    %get3A_18 = arith.constant 10240 : index
    %get3A_19 = arith.constant 0 : index
    %get3A_20 = vector.load %arg0[%get3A_17, %get3A_18, %get3A_19] : memref<2x20480x64xbf16, #tpu.memory_space<vmem>>, vector<1x10000x64xbf16>
    %get3A_21 = vector.shape_cast %get3A_20 : vector<1x10000x64xbf16> to vector<10000x64xbf16>
    %convert_element_type3A_22 = arith.extf %get3A_21 : vector<10000x64xbf16> to vector<10000x64xf32>
    %add3A_23 = arith.addf %add3A_16, %convert_element_type3A_22 : vector<10000x64xf32>
    %get3A_24 = arith.constant 0 : index
    %get3A_25 = arith.constant 0 : index
    %get3A_26 = vector.load %arg1[%get3A_24, %get3A_25] : memref<10000x64xbf16, #tpu.memory_space<vmem>>, vector<10000x64xbf16>
    %convert_element_type3A_27 = arith.extf %get3A_26 : vector<10000x64xbf16> to vector<10000x64xf32>
    %add3A_28 = arith.addf %add3A_23, %convert_element_type3A_27 : vector<10000x64xf32>
    %get3A_29 = arith.constant 0 : index
    %get3A_30 = arith.constant 0 : index
    %get3A_31 = vector.load %arg2[%get3A_29, %get3A_30] : memref<10000x1xf32, #tpu.memory_space<vmem>>, vector<10000x1xf32>
    %mul3A = vector.broadcast %get3A_31 : vector<10000x1xf32> to vector<10000x64xf32>
    %mul3A_32 = arith.mulf %add3A_28, %mul3A : vector<10000x64xf32>
    %get3A_33 = arith.constant 0 : index
    %get3A_34 = arith.constant 0 : index
    %get3A_35 = vector.load %arg3[%get3A_33, %get3A_34] : memref<1x64xf32, #tpu.memory_space<vmem>>, vector<1x64xf32>
    %add3A_36 = vector.broadcast %get3A_35 : vector<1x64xf32> to vector<10000x64xf32>
    %add3A_37 = arith.addf %mul3A_32, %add3A_36 : vector<10000x64xf32>
    %reduce_sum3A = arith.constant dense<0.000000e+00> : vector<64xf32>
    %reduce_sum3A_38 = vector.multi_reduction <add>, %add3A_37, %reduce_sum3A [0] : vector<10000x64xf32> to vector<64xf32>
    %broadcast_in_dim3A = vector.shape_cast %reduce_sum3A_38 : vector<64xf32> to vector<1x64xf32>
    %div3A = arith.constant 1.000000e+04 : f32
    %div3A_39 = vector.broadcast %div3A : f32 to vector<1x64xf32>
    %div3A_40 = arith.divf %broadcast_in_dim3A, %div3A_39 : vector<1x64xf32>
    %sub3A = vector.broadcast %div3A_40 : vector<1x64xf32> to vector<10000x64xf32>
    %sub3A_41 = arith.subf %add3A_37, %sub3A : vector<10000x64xf32>
    %mul3A_42 = arith.mulf %sub3A_41, %sub3A_41 : vector<10000x64xf32>
    %reduce_sum3A_43 = arith.constant dense<0.000000e+00> : vector<64xf32>
    %reduce_sum3A_44 = vector.multi_reduction <add>, %mul3A_42, %reduce_sum3A_43 [0] : vector<10000x64xf32> to vector<64xf32>
    %broadcast_in_dim3A_45 = vector.shape_cast %reduce_sum3A_44 : vector<64xf32> to vector<1x64xf32>
    %div3A_46 = arith.constant 1.000000e+04 : f32
    %div3A_47 = vector.broadcast %div3A_46 : f32 to vector<1x64xf32>
    %div3A_48 = arith.divf %broadcast_in_dim3A_45, %div3A_47 : vector<1x64xf32>
    %get3A_49 = arith.constant 0 : index
    %get3A_50 = arith.constant 0 : index
    %get3A_51 = vector.load %arg4[%get3A_49, %get3A_50] : memref<1x64xf32, #tpu.memory_space<vmem>>, vector<1x64xf32>
    %mul3A_52 = vector.broadcast %get3A_51 : vector<1x64xf32> to vector<10000x64xf32>
    %mul3A_53 = arith.mulf %mul3A_52, %sub3A_41 : vector<10000x64xf32>
    %add3A_54 = arith.constant 9.99999974E-6 : f32
    %add3A_55 = vector.broadcast %add3A_54 : f32 to vector<1x64xf32>
    %add3A_56 = arith.addf %div3A_48, %add3A_55 : vector<1x64xf32>
    %rsqrt3A = math.rsqrt %add3A_56 : vector<1x64xf32>
    %mul3A_57 = vector.broadcast %rsqrt3A : vector<1x64xf32> to vector<10000x64xf32>
    %mul3A_58 = arith.mulf %mul3A_53, %mul3A_57 : vector<10000x64xf32>
    %get3A_59 = arith.constant 0 : index
    %get3A_60 = arith.constant 0 : index
    %get3A_61 = vector.load %arg5[%get3A_59, %get3A_60] : memref<1x64xf32, #tpu.memory_space<vmem>>, vector<1x64xf32>
    %add3A_62 = vector.broadcast %get3A_61 : vector<1x64xf32> to vector<10000x64xf32>
    %add3A_63 = arith.addf %mul3A_58, %add3A_62 : vector<10000x64xf32>
    %max3A = arith.constant 0.000000e+00 : f32
    %max3A_64 = vector.broadcast %max3A : f32 to vector<10000x64xf32>
    %max3A_65 = arith.maximumf %add3A_63, %max3A_64 : vector<10000x64xf32>
    %get3A_66 = arith.constant 0 : index
    %get3A_67 = arith.constant 0 : index
    %get3A_68 = vector.load %arg6[%get3A_66, %get3A_67] : memref<64x64xf32, #tpu.memory_space<vmem>>, vector<64x64xf32>
    %dot_general3A = arith.constant dense<0.000000e+00> : vector<10000x64xf32>
    %dot_general3A_69 = tpu.matmul %max3A_65, %get3A_68, %dot_general3A {dimension_numbers = #tpu.dot_dimension_numbers<[1], [0], [0], [1], [0, 0, 1, 1], [], []>, transpose_lhs_hint = false} : vector<10000x64xf32>, vector<64x64xf32>, vector<10000x64xf32> -> vector<10000x64xf32>
    %get3A_70 = arith.constant 0 : index
    %get3A_71 = arith.constant 0 : index
    %get3A_72 = vector.load %arg2[%get3A_70, %get3A_71] : memref<10000x1xf32, #tpu.memory_space<vmem>>, vector<10000x1xf32>
    %mul3A_73 = vector.broadcast %get3A_72 : vector<10000x1xf32> to vector<10000x64xf32>
    %mul3A_74 = arith.mulf %dot_general3A_69, %mul3A_73 : vector<10000x64xf32>
    %convert_element_type3A_75 = arith.truncf %mul3A_74 : vector<10000x64xf32> to vector<10000x64xbf16>
    %swap3A = arith.constant 0 : index
    %swap3A_76 = arith.constant 0 : index
    %swap3A_77 = vector.load %arg7[%swap3A, %swap3A_76] : memref<10000x64xbf16, #tpu.memory_space<vmem>>, vector<10000x64xbf16>
    tpu.vector_store %arg7[%swap3A, %swap3A_76], %convert_element_type3A_75 {strides = array<i32>} : memref<10000x64xbf16, #tpu.memory_space<vmem>>, vector<10000x64xbf16>,
    return
  }
}

module attributes {stable_mosaic.version = 14 : i64} {
  func.func @_post3_body(%arg0: memref<2x20480x64xbf16, #tpu.memory_space<vmem>>, %arg1: memref<10000x64xbf16, #tpu.memory_space<vmem>>, %arg2: memref<10000x1xf32, #tpu.memory_space<vmem>>, %arg3: memref<1x64xf32, #tpu.memory_space<vmem>>, %arg4: memref<1x64xf32, #tpu.memory_space<vmem>>, %arg5: memref<1x64xf32, #tpu.memory_space<vmem>>, %arg6: memref<10000x80xf32, #tpu.memory_space<vmem>>) attributes {dimension_semantics = [], scalar_prefetch = 0 : i64, scratch_operands = 0 : i64, tpu.core_type = #tpu.core_type<tc>} {
    %get3A = arith.constant 0 : index
    %get3A_0 = arith.constant 0 : index
    %get3A_1 = arith.constant 0 : index
    %get3A_2 = vector.load %arg0[%get3A, %get3A_0, %get3A_1] : memref<2x20480x64xbf16, #tpu.memory_space<vmem>>, vector<1x10000x64xbf16>
    %get3A_3 = vector.shape_cast %get3A_2 : vector<1x10000x64xbf16> to vector<10000x64xbf16>
    %convert_element_type3A = arith.extf %get3A_3 : vector<10000x64xbf16> to vector<10000x64xf32>
    %get3A_4 = arith.constant 0 : index
    %get3A_5 = arith.constant 10240 : index
    %get3A_6 = arith.constant 0 : index
    %get3A_7 = vector.load %arg0[%get3A_4, %get3A_5, %get3A_6] : memref<2x20480x64xbf16, #tpu.memory_space<vmem>>, vector<1x10000x64xbf16>
    %get3A_8 = vector.shape_cast %get3A_7 : vector<1x10000x64xbf16> to vector<10000x64xbf16>
    %convert_element_type3A_9 = arith.extf %get3A_8 : vector<10000x64xbf16> to vector<10000x64xf32>
    %add3A = arith.addf %convert_element_type3A, %convert_element_type3A_9 : vector<10000x64xf32>
    %get3A_10 = arith.constant 1 : index
    %get3A_11 = arith.constant 0 : index
    %get3A_12 = arith.constant 0 : index
    %get3A_13 = vector.load %arg0[%get3A_10, %get3A_11, %get3A_12] : memref<2x20480x64xbf16, #tpu.memory_space<vmem>>, vector<1x10000x64xbf16>
    %get3A_14 = vector.shape_cast %get3A_13 : vector<1x10000x64xbf16> to vector<10000x64xbf16>
    %convert_element_type3A_15 = arith.extf %get3A_14 : vector<10000x64xbf16> to vector<10000x64xf32>
    %add3A_16 = arith.addf %add3A, %convert_element_type3A_15 : vector<10000x64xf32>
    %get3A_17 = arith.constant 1 : index
    %get3A_18 = arith.constant 10240 : index
    %get3A_19 = arith.constant 0 : index
    %get3A_20 = vector.load %arg0[%get3A_17, %get3A_18, %get3A_19] : memref<2x20480x64xbf16, #tpu.memory_space<vmem>>, vector<1x10000x64xbf16>
    %get3A_21 = vector.shape_cast %get3A_20 : vector<1x10000x64xbf16> to vector<10000x64xbf16>
    %convert_element_type3A_22 = arith.extf %get3A_21 : vector<10000x64xbf16> to vector<10000x64xf32>
    %add3A_23 = arith.addf %add3A_16, %convert_element_type3A_22 : vector<10000x64xf32>
    %get3A_24 = arith.constant 0 : index
    %get3A_25 = arith.constant 0 : index
    %get3A_26 = vector.load %arg1[%get3A_24, %get3A_25] : memref<10000x64xbf16, #tpu.memory_space<vmem>>, vector<10000x64xbf16>
    %convert_element_type3A_27 = arith.extf %get3A_26 : vector<10000x64xbf16> to vector<10000x64xf32>
    %add3A_28 = arith.addf %add3A_23, %convert_element_type3A_27 : vector<10000x64xf32>
    %get3A_29 = arith.constant 0 : index
    %get3A_30 = arith.constant 0 : index
    %get3A_31 = vector.load %arg2[%get3A_29, %get3A_30] : memref<10000x1xf32, #tpu.memory_space<vmem>>, vector<10000x1xf32>
    %mul3A = vector.broadcast %get3A_31 : vector<10000x1xf32> to vector<10000x64xf32>
    %mul3A_32 = arith.mulf %add3A_28, %mul3A : vector<10000x64xf32>
    %get3A_33 = arith.constant 0 : index
    %get3A_34 = arith.constant 0 : index
    %get3A_35 = vector.load %arg3[%get3A_33, %get3A_34] : memref<1x64xf32, #tpu.memory_space<vmem>>, vector<1x64xf32>
    %add3A_36 = vector.broadcast %get3A_35 : vector<1x64xf32> to vector<10000x64xf32>
    %add3A_37 = arith.addf %mul3A_32, %add3A_36 : vector<10000x64xf32>
    %reduce_sum3A = arith.constant dense<0.000000e+00> : vector<64xf32>
    %reduce_sum3A_38 = vector.multi_reduction <add>, %add3A_37, %reduce_sum3A [0] : vector<10000x64xf32> to vector<64xf32>
    %broadcast_in_dim3A = vector.shape_cast %reduce_sum3A_38 : vector<64xf32> to vector<1x64xf32>
    %div3A = arith.constant 1.000000e+04 : f32
    %div3A_39 = vector.broadcast %div3A : f32 to vector<1x64xf32>
    %div3A_40 = arith.divf %broadcast_in_dim3A, %div3A_39 : vector<1x64xf32>
    %sub3A = vector.broadcast %div3A_40 : vector<1x64xf32> to vector<10000x64xf32>
    %sub3A_41 = arith.subf %add3A_37, %sub3A : vector<10000x64xf32>
    %mul3A_42 = arith.mulf %sub3A_41, %sub3A_41 : vector<10000x64xf32>
    %reduce_sum3A_43 = arith.constant dense<0.000000e+00> : vector<64xf32>
    %reduce_sum3A_44 = vector.multi_reduction <add>, %mul3A_42, %reduce_sum3A_43 [0] : vector<10000x64xf32> to vector<64xf32>
    %broadcast_in_dim3A_45 = vector.shape_cast %reduce_sum3A_44 : vector<64xf32> to vector<1x64xf32>
    %div3A_46 = arith.constant 1.000000e+04 : f32
    %div3A_47 = vector.broadcast %div3A_46 : f32 to vector<1x64xf32>
    %div3A_48 = arith.divf %broadcast_in_dim3A_45, %div3A_47 : vector<1x64xf32>
    %get3A_49 = arith.constant 0 : index
    %get3A_50 = arith.constant 0 : index
    %get3A_51 = vector.load %arg4[%get3A_49, %get3A_50] : memref<1x64xf32, #tpu.memory_space<vmem>>, vector<1x64xf32>
    %mul3A_52 = vector.broadcast %get3A_51 : vector<1x64xf32> to vector<10000x64xf32>
    %mul3A_53 = arith.mulf %mul3A_52, %sub3A_41 : vector<10000x64xf32>
    %add3A_54 = arith.constant 9.99999974E-6 : f32
    %add3A_55 = vector.broadcast %add3A_54 : f32 to vector<1x64xf32>
    %add3A_56 = arith.addf %div3A_48, %add3A_55 : vector<1x64xf32>
    %rsqrt3A = math.rsqrt %add3A_56 : vector<1x64xf32>
    %mul3A_57 = vector.broadcast %rsqrt3A : vector<1x64xf32> to vector<10000x64xf32>
    %mul3A_58 = arith.mulf %mul3A_53, %mul3A_57 : vector<10000x64xf32>
    %get3A_59 = arith.constant 0 : index
    %get3A_60 = arith.constant 0 : index
    %get3A_61 = vector.load %arg5[%get3A_59, %get3A_60] : memref<1x64xf32, #tpu.memory_space<vmem>>, vector<1x64xf32>
    %add3A_62 = vector.broadcast %get3A_61 : vector<1x64xf32> to vector<10000x64xf32>
    %add3A_63 = arith.addf %mul3A_58, %add3A_62 : vector<10000x64xf32>
    %max3A = arith.constant 0.000000e+00 : f32
    %max3A_64 = vector.broadcast %max3A : f32 to vector<10000x64xf32>
    %max3A_65 = arith.maximumf %add3A_63, %max3A_64 : vector<10000x64xf32>
    %broadcast_in_dim3A_66 = arith.constant 1.000000e+00 : f32
    %broadcast_in_dim3A_67 = vector.broadcast %broadcast_in_dim3A_66 : f32 to vector<10000x16xf32>
    %concatenate3A = tpu.concatenate %max3A_65, %broadcast_in_dim3A_67 in 1 : vector<10000x64xf32>, vector<10000x16xf32> -> vector<10000x80xf32>
    %swap3A = arith.constant 0 : index
    %swap3A_68 = arith.constant 0 : index
    %swap3A_69 = vector.load %arg6[%swap3A, %swap3A_68] : memref<10000x80xf32, #tpu.memory_space<vmem>>, vector<10000x80xf32>
    tpu.vector_store %arg6[%swap3A, %swap3A_68], %concatenate3A {strides = array<i32>} : memref<10000x80xf32, #tpu.memory_space<vmem>>, vector<10000x80xf32>,
    return
  }
}

module attributes {stable_mosaic.version = 14 : i64} {
  func.func @_head_body(%arg0: memref<10000x80xf32, #tpu.memory_space<vmem>>, %arg1: memref<1x10000xi32, #tpu.memory_space<vmem>>, %arg2: memref<64x160xf32, #tpu.memory_space<vmem>>, %arg3: memref<1x160xf32, #tpu.memory_space<vmem>>, %arg4: memref<5x160xf32, #tpu.memory_space<vmem>>, %arg5: memref<5x1xf32, #tpu.memory_space<vmem>>, %arg6: memref<5x128xf32, #tpu.memory_space<vmem>>) attributes {dimension_semantics = [], scalar_prefetch = 0 : i64, scratch_operands = 0 : i64, tpu.core_type = #tpu.core_type<tc>} {
    %iota3A = tpu.iota {dimensions = array<i32: 0>} : vector<128x10000xi32>
    %get3A = arith.constant 0 : index
    %get3A_0 = arith.constant 0 : index
    %get3A_1 = vector.load %arg1[%get3A, %get3A_0] : memref<1x10000xi32, #tpu.memory_space<vmem>>, vector<1x10000xi32>
    %eq3A = vector.broadcast %get3A_1 : vector<1x10000xi32> to vector<128x10000xi32>
    %eq3A_2 = arith.cmpi eq, %eq3A, %iota3A : vector<128x10000xi32>
    %convert_element_type3A = arith.extui %eq3A_2 : vector<128x10000xi1> to vector<128x10000xi32>
    %convert_element_type3A_3 = arith.sitofp %convert_element_type3A : vector<128x10000xi32> to vector<128x10000xf32>
    %get3A_4 = arith.constant 0 : index
    %get3A_5 = arith.constant 0 : index
    %get3A_6 = vector.load %arg0[%get3A_4, %get3A_5] : memref<10000x80xf32, #tpu.memory_space<vmem>>, vector<10000x80xf32>
    %dot_general3A = arith.constant dense<0.000000e+00> : vector<128x80xf32>
    %dot_general3A_7 = tpu.matmul %convert_element_type3A_3, %get3A_6, %dot_general3A {dimension_numbers = #tpu.dot_dimension_numbers<[1], [0], [0], [1], [0, 0, 1, 1], [], []>, transpose_lhs_hint = false} : vector<128x10000xf32>, vector<10000x80xf32>, vector<128x80xf32> -> vector<128x80xf32>
    %slice3A = vector.extract_strided_slice %dot_general3A_7 {offsets = [0, 0], sizes = [128, 64], strides = [1, 1]} : vector<128x80xf32> to vector<128x64xf32>
    %slice3A_8 = vector.extract_strided_slice %dot_general3A_7 {offsets = [0, 64], sizes = [128, 1], strides = [1, 1]} : vector<128x80xf32> to vector<128x1xf32>
    %max3A = arith.constant 1.000000e+00 : f32
    %max3A_9 = vector.broadcast %max3A : f32 to vector<128x1xf32>
    %max3A_10 = arith.maximumf %slice3A_8, %max3A_9 : vector<128x1xf32>
    %div3A = vector.broadcast %max3A_10 : vector<128x1xf32> to vector<128x64xf32>
    %div3A_11 = arith.divf %slice3A, %div3A : vector<128x64xf32>
    %get3A_12 = arith.constant 0 : index
    %get3A_13 = arith.constant 0 : index
    %get3A_14 = vector.load %arg2[%get3A_12, %get3A_13] : memref<64x160xf32, #tpu.memory_space<vmem>>, vector<64x160xf32>
    %dot_general3A_15 = arith.constant dense<0.000000e+00> : vector<128x160xf32>
    %dot_general3A_16 = tpu.matmul %div3A_11, %get3A_14, %dot_general3A_15 {dimension_numbers = #tpu.dot_dimension_numbers<[1], [0], [0], [1], [0, 0, 1, 1], [], []>, transpose_lhs_hint = false} : vector<128x64xf32>, vector<64x160xf32>, vector<128x160xf32> -> vector<128x160xf32>
    %get3A_17 = arith.constant 0 : index
    %get3A_18 = arith.constant 0 : index
    %get3A_19 = vector.load %arg3[%get3A_17, %get3A_18] : memref<1x160xf32, #tpu.memory_space<vmem>>, vector<1x160xf32>
    %add3A = vector.broadcast %get3A_19 : vector<1x160xf32> to vector<128x160xf32>
    %add3A_20 = arith.addf %dot_general3A_16, %add3A : vector<128x160xf32>
    %max3A_21 = arith.constant 0.000000e+00 : f32
    %max3A_22 = vector.broadcast %max3A_21 : f32 to vector<128x160xf32>
    %max3A_23 = arith.maximumf %add3A_20, %max3A_22 : vector<128x160xf32>
    %get3A_24 = arith.constant 0 : index
    %get3A_25 = arith.constant 0 : index
    %get3A_26 = vector.load %arg4[%get3A_24, %get3A_25] : memref<5x160xf32, #tpu.memory_space<vmem>>, vector<5x160xf32>
    %dot_general3A_27 = arith.constant dense<0.000000e+00> : vector<5x128xf32>
    %dot_general3A_28 = tpu.matmul %get3A_26, %max3A_23, %dot_general3A_27 {dimension_numbers = #tpu.dot_dimension_numbers<[1], [1], [0], [0], [0, 0, 1, 0], [], []>, transpose_lhs_hint = false} : vector<5x160xf32>, vector<128x160xf32>, vector<5x128xf32> -> vector<5x128xf32>
    %get3A_29 = arith.constant 0 : index
    %get3A_30 = arith.constant 0 : index
    %get3A_31 = vector.load %arg5[%get3A_29, %get3A_30] : memref<5x1xf32, #tpu.memory_space<vmem>>, vector<5x1xf32>
    %add3A_32 = vector.broadcast %get3A_31 : vector<5x1xf32> to vector<5x128xf32>
    %add3A_33 = arith.addf %dot_general3A_28, %add3A_32 : vector<5x128xf32>
    %swap3A = arith.constant 0 : index
    %swap3A_34 = arith.constant 0 : index
    %swap3A_35 = vector.load %arg6[%swap3A, %swap3A_34] : memref<5x128xf32, #tpu.memory_space<vmem>>, vector<5x128xf32>
    tpu.vector_store %arg6[%swap3A, %swap3A_34], %add3A_33 {strides = array<i32>} : memref<5x128xf32, #tpu.memory_space<vmem>>, vector<5x128xf32>,
    return
  }
}

</mosaic_0001>

<sc_bundles>
// kernel: kernel.11.cloned.1.call-start
scs
__scs_entry_jumppad:
0x0: {  	(pc) =	sbr.rel $0x88, $3  }
0x1: {  	(tag) =	ssettag $0x0;
	lr =	simm.s32 $0x1  }
0x2: {  	[smem:$0x3F8E] =	sst lr;
	_ =	strace $0xD0000000  }
0x3: {  	_ = 	snop  }
0x4: {  	_ = 	snop  }
0x5: {  	_ = 	snop  }
0x6: {  	_ = 	snop  }
0x7: {  	_ = 	snop  }
__scs_overlays_trampoline_lowered:
0x8: {  	[smem:$0x3F9D] =	sst s0  }
0x9: {  	[smem:$0x3F9E] =	sst s1  }
0xa: {  	[smem:$0x3F9F] =	sst s2  }
0xb: {  	[smem:$0x3FA0] =	sst s3  }
0xc: {  	[smem:$0x3FA1] =	sst s4  }
0xd: {  	[smem:$0x3FA2] =	sst s5  }
0xe: {  	[smem:$0x3FA3] =	sst s6  }
0xf: {  	[smem:$0x3FA4] =	sst s7  }
0x10: {  	[smem:$0x3FA5] =	sst s8  }
0x11: {  	[smem:$0x3FA6] =	sst s9;
	s0 =	simm.s32 @!p0 $0x0  }
0x12: {  	s1 =	sld [smem:$0x3F8C];
	s0 =	simm.s32 @p0 $0x1  }
0x13: {  	[smem:$0x3FA7] =	sst s0;
	s0 =	simm.s32 @!p1 $0x0  }
0x14: {  	s2 =	sld [smem:$0x3F8B];
	s0 =	simm.s32 @p1 $0x1  }
0x15: {  	[smem:$0x3FA8] =	sst s0;
	s0 =	simm.s32 @!p2 $0x0  }
0x16: {  	s3 =	sld [smem:$0x3FDB];
	s0 =	simm.s32 @p2 $0x1  }
0x17: {  	s4 =	simm.s32 $0x1BF5;
	[smem:$0x3FAA] =	sst s0  }
0x18: {  	s0 =	sld [smem:$0x3F8D];
	_ =	swait.ge [sflag:s4], $0x0  }
0x19: {  	s7 =	sld [smem:$0x3F8E]  }
0x1a: {  	s8 =	sadd.s32 $0xFFFFE003, lr  }
0x1b: {  	s9 =	sadd.s32 $0xFFFFFEF7, lr;
	s5 =	simm.s32 $0xFFFFFFFF;
	p2 =	slt.u32 s8, $0xFFFFF086  }
0x1c: {  	p1 =	slt.u32 s9, $0xF7A;
	s5 =	simm.s32 @!p2 $0x0  }
0x1d: {  	s5 =	simm.s32 @p1 $0x1;
	p0 =	seq.s32 s7, s2  }
0x1e: {  	s7 =	smul.u32 @!p0 $0xF7A, s2;
	p2 =	seq.s32 @!p0 s5, $0x0  }
0x1f: {  	s9 =	smul.u32 $0xF7A, s1;
	s8 =	simm.s32 @!p0 $0x1BF5;
	p2 =	por !p2, p0  }
0x20: {  	[sflag:s8] =	ssyncset.s32 @!p0 $0xFFFFF086;
	s6 =	sadd.s32 @!p0 s3, s7;
	s7 =	simm.s32 @!p0 $0x108  }
0x21: {  	s3 =	sadd.s32 s3, s9;
	s6 =	sadd.s32 @!p0 $0x88, s6;
	s7 =	simm.s32 @p2 $0x1082  }
0x22: {  	[simem:s7], [sflag:s8] =	dma.local @!p0 [hbm:s6], $0xF7A  }
0x23: {  	s9 =	sor.u32 $0xD0000000, s2;
	s6 =	simm.s32 $0x108;
	_ =	swait.ge @!p0 [sflag:s8], $0x0  }
0x24: {  	s3 =	sadd.s32 $0x88, s3;
	s6 =	simm.s32 @!p1 $0x1082;
	[sflag:s4] =	ssyncset.s32 $0xFFFFF086  }
0x25: {  	[simem:s6], [sflag:s4] =	dma.local [hbm:s3], $0xF7A  }
0x26: {  	[smem:$0x3F8E] =	sst s1;
	(tag) =	ssettag s2;
	_ =	strace s9  }
0x27: {  	s1 =	sld [smem:$0x3F9E]  }
0x28: {  	s2 =	sld [smem:$0x3F9F]  }
0x29: {  	s4 =	sld [smem:$0x3FA1]  }
0x2a: {  	p0 =	seq.s32 s5, $0x0;
	s5 =	sld [smem:$0x3FA2]  }
0x2b: {  	s6 =	sld [smem:$0x3FA3]  }
0x2c: {  	s7 =	sld [smem:$0x3FA4]  }
0x2d: {  	s3 =	simm.s32 $0x108;
	s8 =	sld [smem:$0x3FA5]  }
0x2e: {  	s3 =	simm.s32 @!p0 $0x1082;
	s9 =	sld [smem:$0x3FA6]  }
0x2f: {  	lr =	sadd.s32 s0, s3;
	s0 =	sld [smem:$0x3F9D]  }
0x30: {  	s3 =	sld [smem:$0x3FA0]  }
0x31: {  	[smem:$0x3FA9] =	sst s10  }
0x32: {  	s10 =	sld [smem:$0x3FA7];
	_ =	sdelay $0x3  }
0x33: {  	p0 =	seq.s32 s10, $0x1;
	s10 =	sld [smem:$0x3FA9];
	_ =	sdelay $0x3  }
0x34: {  	[smem:$0x3FA9] =	sst s10  }
0x35: {  	s10 =	sld [smem:$0x3FA8];
	_ =	sdelay $0x3  }
0x36: {  	p1 =	seq.s32 s10, $0x1;
	s10 =	sld [smem:$0x3FA9];
	_ =	sdelay $0x3  }
0x37: {  	[smem:$0x3FA9] =	sst s10  }
0x38: {  	s10 =	sld [smem:$0x3FAA]  }
0x39: {  	_ = 	snop;
	(pc) =	sbr.ind lr, $3  }
0x3a: {  	_ = 	snop  }
0x3b: {  	_ = 	snop  }
0x3c: {  	p2 =	seq.s32 s10, $0x1;
	s10 =	sld [smem:$0x3FA9]  }
0x3d: {  	_ =	shalt  }
0x3e: {  	_ =	shalt  }
0x3f: {  	_ =	shalt  }
0x40: {  	_ =	shalt  }
0x41: {  	_ =	shalt  }
0x42: {  	_ =	shalt  }
0x43: {  	_ =	shalt  }
0x44: {  	_ =	shalt  }
0x45: {  	_ =	shalt  }
0x46: {  	_ =	shalt  }
0x47: {  	_ =	shalt  }
0x48: {  	_ =	shalt  }
0x49: {  	_ =	shalt  }
0x4a: {  	_ =	shalt  }
0x4b: {  	_ =	shalt  }
0x4c: {  	_ =	shalt  }
0x4d: {  	_ =	shalt  }
0x4e: {  	_ =	shalt  }
0x4f: {  	_ =	shalt  }
0x50: {  	_ =	shalt  }
0x51: {  	_ =	shalt  }
0x52: {  	_ =	shalt  }
0x53: {  	_ =	shalt  }
0x54: {  	_ =	shalt  }
0x55: {  	_ =	shalt  }
0x56: {  	_ =	shalt  }
0x57: {  	_ =	shalt  }
0x58: {  	_ =	shalt  }
0x59: {  	_ =	shalt  }
0x5a: {  	_ =	shalt  }
0x5b: {  	_ =	shalt  }
0x5c: {  	_ =	shalt  }
0x5d: {  	_ =	shalt  }
0x5e: {  	_ =	shalt  }
0x5f: {  	_ =	shalt  }
0x60: {  	_ =	shalt  }
0x61: {  	_ =	shalt  }
0x62: {  	_ =	shalt  }
0x63: {  	_ =	shalt  }
0x64: {  	_ =	shalt  }
0x65: {  	_ =	shalt  }
0x66: {  	_ =	shalt  }
0x67: {  	_ =	shalt  }
0x68: {  	_ =	shalt  }
0x69: {  	_ =	shalt  }
0x6a: {  	_ =	shalt  }
0x6b: {  	_ =	shalt  }
0x6c: {  	_ =	shalt  }
0x6d: {  	_ =	shalt  }
0x6e: {  	_ =	shalt  }
0x6f: {  	_ =	shalt  }
0x70: {  	_ =	shalt  }
0x71: {  	_ =	shalt  }
0x72: {  	_ =	shalt  }
0x73: {  	_ =	shalt  }
0x74: {  	_ =	shalt  }
0x75: {  	_ =	shalt  }
0x76: {  	_ =	shalt  }
0x77: {  	_ =	shalt  }
0x78: {  	_ =	shalt  }
0x79: {  	_ =	shalt  }
0x7a: {  	_ =	shalt  }
0x7b: {  	_ =	shalt  }
0x7c: {  	_ =	shalt  }
0x7d: {  	_ =	shalt  }
0x7e: {  	_ =	shalt  }
0x7f: {  	_ =	shalt  }
0x80: {  	_ =	shalt  }
0x81: {  	_ =	shalt  }
0x82: {  	_ =	shalt  }
0x83: {  	_ =	shalt  }
0x84: {  	_ =	shalt  }
0x85: {  	_ =	shalt  }
0x86: {  	_ =	shalt  }
0x87: {  	_ =	shalt  }
.Lfunc_end0:
.L_simem_size_0:
called_computation_lowered:
.L_overlay_start_0:
0x88: {  	s2 =	sld [smem:$0x3FD9]  }
0x89: {  	s3 =	sld [smem:$0x3FFE];
	_ =	sdelay $0x1  }
0x8a: {  	s1 =	srdreg.scid  }
0x8b: {  	s0 =	sand.u32 $0x1, s1  }
0x8c: {  	s16 =	sshll.u32 s0, $0xA;
	s2 =	sadd.s32 s3, s2  }
0x8d: {  	s2 =	sadd.s32 s2, s16  }
0x8e: {  	[smem:$0x3FB5] =	sst s2  }
0x8f: {  	_ = 	snop  }
0x90: {  	(tm) =	ssettm $0x1  }
0x91: {  	s17 =	sld [smem:$0x3FFB];
	_ =	sdelay $0x3  }
0x92: {  	_ =	strace s17  }
0x93: {  	s2 =	sld [smem:$0x3FFC];
	_ =	sdelay $0x3  }
0x94: {  	_ =	strace s2  }
0x95: {  	s2 =	sld [smem:$0x3FFD];
	_ =	sdelay $0x3  }
0x96: {  	_ =	strace s2  }
0x97: {  	_ =	strace $0x8FFFFFFF  }
0x98: {  	s18 =	sld [smem:$0x3FDB];
	_ =	sdelay $0x1  }
0x99: {  	s19 =	simm.s32 $_scs_section_size  }
0x9a: {  	s4 =	simm.s32 $_size__tile_overlayer_lowered;
	s5 =	simm.s32 $_tile_overlayer_lowered  }
0x9b: {  	s22 =	simm.s32 $0x1BFF;
	s21 =	sshll.u32 s5, $0x1;
	s2 =	sadd.s32 s19, s18  }
0x9c: {  	s6 =	simm.s32 $0x0;
	s20 =	sshll.u32 s4, $0x1;
	s4 =	sadd.s32 s21, s2  }
0x9d: {  	[timem:s6], [sflag:s22] =	dma.local [hbm:s4], s20  }
0x9e: {  	_ =	swait.ge [sflag:s22], s20  }
0x9f: {  	s3 =	ssub.s32 $0x0, s20;
	[sflag:s22] =	ssyncset.done $0x0  }
0xa0: {  	[sflag:s22] =	ssyncadd.s32 s3;
	_ =	sdelay $0x1  }
0xa1: {  	s23 =	simm.s32 $0x1B8B  }
0xa2: {  	_ =	swait.ge [sflag:s23], $0x1  }
0xa3: {  	[sflag:s23] =	ssyncset.done $0x0  }
0xa4: {  	s25 =	simm.s32 $0x1B8E;
	s24 =	sld [smem:$0x3FFE];
	[sflag:s23] =	ssyncadd.s32 $0xFFFFFFFF  }
0xa5: {  	s26 =	simm.s32 $execute0_lowered;
	[smem:$0x3FD2] =	sst s25  }
0xa6: {  	s4 =	sshll.u32 s26, $0x1;
	_ =	strace $0x80000046;
	[dreg:$0x1] =	wrdreg $0xFFFFFFFF  }
0xa7: {  	s28 =	simm.s32 $_size_execute0_lowered;
	s2 =	sadd.s32 s2, s4;
	[dreg:$0x0] =	wrdreg $0x0  }
0xa8: {  	s4 =	sshll.u32 s28, $0x1;
	[dreg:$0x2] =	wrdreg s2  }
0xa9: {  	[dreg:$0x3] =	wrdreg s4  }
0xaa: {  	[dreg:$0x4] =	wrdreg $0xC0  }
0xab: {  	_ =	task [dreg:s6], $0x5FFFF  }
0xac: {  	[dreg:$0x1] =	wrdreg $0xFFFFFFFF  }
0xad: {  	[dreg:$0x0] =	wrdreg $0x60  }
0xae: {  	[dreg:$0x2] =	wrdreg s24  }
0xaf: {  	[dreg:$0x3] =	wrdreg $0x38000  }
0xb0: {  	[dreg:$0x4] =	wrdreg $0x9  }
0xb1: {  	_ =	task.clear_ibuf [dreg:s6], $0x5FFFF;
	_ =	strace $0x90000046  }
0xb2: {  	s29 =	simm.s32 $0x9;
	_ =	strace $0x80000048  }
0xb3: {  	_ =	swait.ge [sflag:s29], $0x1  }
0xb4: {  	[sflag:s29] =	ssyncadd.s32 $0xFFFFFFFF  }
0xb5: {  	_ =	strace $0x90000048  }
0xb6: {  	_ =	sfence  }
0xb7: {  	s30 =	sld [smem:$0x0];
	_ =	sdelay $0x2  }
0xb8: {  	s31 =	sshll.u32 s1, $0xD;
	s1 =	sshrl.u32 s1, $0x2  }
0xb9: {  	s3 =	sand.u32 $0x4000, s31;
	s1 =	sadd.s32 s1, s30  }
0xba: {  	s0 =	sor.u32 s3, s0;
	s1 =	sshll.u32 s1, $0x11  }
0xbb: {  	s0 =	sor.u32 s1, s0  }
0xbc: {  	s0 =	sadd.s32 $0x8F2B, s0  }
0xbd: {  	[sflag:s0] =	ssyncadd.remote.s32 $0x1  }
0xbe: {  	_ =	sfence.sel $0xFFFF  }
0xbf: {  	[dreg:$0x0] =	wrdreg $0xFFFFFFFF;
	(pc) =	sbr.abs _section_cstart, $3  }
0xc0: {  	[dreg:$0x1] =	wrdreg $0xFFFFFFFF  }
0xc1: {  	_ =	task.clear_ibuf [dreg:s6], $0x2FFFF;
	_ =	strace $0x9FFFFFFF  }
0xc2: {  	(tm) =	ssettm $0x7FFFFFFF  }
0xc3: {  	_ =	shalt  }
tec
execute0_lowered:
.L_overlay_start_1:
0x0: {  	(tag) =	ssettag $0x1  }
0x1: {  	s5 =	rddreg [dreg:$0x0]  }
0x2: {  	s0 =	srdreg.scid;
	s2 =	rddreg [dreg:$0x1]  }
0x3: {  	s3 =	simm.s32 $0x0;
	s12 =	simm.s32 $0x3000;
	s4 =	sand.u32 $0x1, s0  }
0x4: {  	s13 =	simm.s32 $0x1;
	s0 =	stileid.u32;
	s7 =	smul.u32 $0x28000, s4  }
0x5: {  	s14 =	simm.s32 $0x80;
	s15 =	simm.s32 $0x2800;
	s8 =	smul.u32 $0x2800, s0  }
0x6: {  	[smem:$0x7FF] =	sst s3;
	s1 =	sshll.u32 s4, $0x4;
	s9 =	smul.u32 $0xA000, s0  }
0x7: {  	s4 =	ssub.s32 $0x2, s4;
	s16 =	sshll.u32 s0, $0x6;
	s1 =	sor.u32 s0, s1  }
0x8: {  	s10 =	sshrl.u32 s4, $0x1;
	s16 =	sor.u32 $0x1C01, s16;
	s6 =	smul.u32 $0x500, s1  }
0x9: {  	s1 =	rddreg [dreg:$0x2];
	_ =	strace $0x80000047;
	s7 =	sadd.s32 s8, s7  }
0xa: {  	s9 =	sshrl.u32 s9, $0x2;
	s10 =	ssub.s32 s4, s10;
	s17 =	sadd.s32 s8, s2  }
0xb: {  	s7 =	sshrl.u32 s7, $0x3;
	s4 =	sadd.s32 s9, s2;
	s17 =	sshrl.u32 s17, $0x3  }
0xc: {  	s6 =	sadd.s32 s6, s5;
	s7 =	sadd.s32 s7, s5;
	s8 =	sadd.s32 $0x800, s4  }
0xd: {  	s9 =	sadd.s32 $0x1000, s4;
	s11 =	sadd.s32 $0x2000, s4;
	s5 =	sadd.s32 $0x3600, s6  }
0xe: {  	v0 =	vimm.f32 $1.000000000e+00;
	v1 =	vimm.f32 $0.0e+00;
	s6 =	sadd.s32 $0xD600, s7;
	s7 =	smax.u32 s10, $0x1;
	s10 =	sadd.s32 $0x1800, s4  }
.LBB2_1:
0xf: {  	s18 =	simm.s32 $0x0  }
.LBB2_2:
0x10: {  	p0 =	sne.s32 s18, $0x1FC0  }
.Ltmp0:
0x11: {  	_ = 	snop;
	(pc) =	sbr.rel @p0 .LBB2_2-.Ltmp0, $3  }
0x12: {  	_ =	sdelay $0x1  }
0x13: {  	s19 =	sshra.s32 s18, $0x2  }
0x14: {  	s18 =	sadd.s32 $0x40, s18;
	[tilespmem:s19+$0x2800] =	vst v0  }
0x15: {  	s18 =	simm.s32 $0x40;
	s19 =	simm.s32 $0x0  }
.LBB2_4:
0x16: {  	p0 =	sne.s32 s18, $0x1FC0;
	[tilespmem:s19+$0x3000] =	vst v1;
	s19 =	smov.u32 s18;
	s18 =	sadd.s32 $0x40, s18  }
.Ltmp1:
0x17: {  	(pc) =	sbr.rel @p0 .LBB2_4-.Ltmp1, $2  }
0x18: {  	_ =	sdelay $0x2  }
0x19: {  	s19 =	sshra.s32 s19, $0x2  }
0x1a: {  	[tilespmem:s19+$0x3000] =	vst v1  }
0x1b: {  	[spmem:s4] =	stream.linear.scatter [tilespmem:s12], [sflag:$0x1], $0x800, $0x38;
	[tilespmem:$0x6000] =	vst v63  }
0x1c: {  	_ =	swait.ge [sflag:s13], $0x800  }
0x1d: {  	[sflag:s13] =	ssyncset.done $0x0  }
0x1e: {  	[sflag:s13] =	ssyncadd.s32 $0xFFFFF800  }
0x1f: {  	[spmem:s8] =	stream.linear.scatter [tilespmem:s12], [sflag:$0x1], $0x800, $0x38;
	[tilespmem:$0x6000] =	vst v63  }
0x20: {  	_ =	swait.ge [sflag:s13], $0x800  }
0x21: {  	[sflag:s13] =	ssyncset.done $0x0  }
0x22: {  	[sflag:s13] =	ssyncadd.s32 $0xFFFFF800  }
0x23: {  	[spmem:s9] =	stream.linear.scatter [tilespmem:s12], [sflag:$0x1], $0x800, $0x38;
	[tilespmem:$0x6000] =	vst v63  }
0x24: {  	_ =	swait.ge [sflag:s13], $0x800  }
0x25: {  	[sflag:s13] =	ssyncset.done $0x0  }
0x26: {  	[sflag:s13] =	ssyncadd.s32 $0xFFFFF800  }
0x27: {  	[spmem:s10] =	stream.linear.scatter [tilespmem:s12], [sflag:$0x1], $0x800, $0x38;
	[tilespmem:$0x6000] =	vst v63  }
0x28: {  	_ =	swait.ge [sflag:s13], $0x800  }
0x29: {  	[sflag:s13] =	ssyncset.done $0x0  }
0x2a: {  	[sflag:s13] =	ssyncadd.s32 $0xFFFFF800  }
0x2b: {  	[spmem:s11] =	stream.linear.scatter [tilespmem:s12], [sflag:$0x1], $0x800, $0x38;
	[tilespmem:$0x6000] =	vst v63  }
0x2c: {  	_ =	swait.ge [sflag:s13], $0x800  }
0x2d: {  	[sflag:s13] =	ssyncset.done $0x0  }
0x2e: {  	[sflag:s13] =	ssyncadd.s32 $0xFFFFF800  }
0x2f: {  	s18 =	simm.s32 $0x0;
	[bflag:$0x0] =	sbarrier.arrive $0xFFFF  }
0x30: {  	[tilespmem:s18], [sflag:$0x1] =	stream.linear.gather [hbm4b:s5+s18], $0x2800, $0x38;
	[tilespmem:$0x6000] =	vst v63  }
0x31: {  	_ =	swait.ge [sflag:s13], $0x2800  }
0x32: {  	[sflag:s13] =	ssyncset.done $0x0  }
0x33: {  	s31 =	simm.s32 $0x0;
	[sflag:s13] =	ssyncadd.s32 $0xFFFFD800  }
0x34: {  	[spmem:s2] =	stream.indirect.scatter.add.f32 [tilespmem:s15], [sflag:$0x1], $0x10, s31, s14, $0xb8;
	[tilespmem:$0x6000] =	vst v63  }
0x35: {  	_ =	swait.ge [sflag:s13], $0x800  }
0x36: {  	s18 =	simm.s32 $0x200;
	[sflag:s13] =	ssyncset.done $0x0  }
.LBB2_6:
0x37: {  	s19 =	sshra.s32 s18, $0x2;
	[sflag:s13] =	ssyncadd.s32 $0xFFFFF800;
	p0 =	sne.s32 s18, $0x9E00  }
0x38: {  	[spmem:s2] =	stream.indirect.scatter.add.f32 [tilespmem:s15], [sflag:$0x1], $0x10, s19, s14, $0xb8;
	[tilespmem:$0x6000] =	vst v63  }
.Ltmp2:
0x39: {  	_ = 	snop;
	(pc) =	sbr.rel @p0 .LBB2_6-.Ltmp2, $4  }
0x3a: {  	_ = 	snop  }
0x3b: {  	s18 =	sadd.s32 $0x200, s18  }
0x3c: {  	_ =	swait.ge [sflag:s13], $0x800  }
0x3d: {  	[sflag:s13] =	ssyncset.done $0x0  }
0x3e: {  	s3 =	sadd.s32 $0x1, s3  }
0x3f: {  	[sflag:s13] =	ssyncadd.s32 $0xFFFFF800;
	p0 =	sne.s32 s3, s7  }
.Ltmp3:
0x40: {  	[bflag:$0x0] =	sbarrier.arrive $0xFFFF;
	(pc) =	sbr.rel @p0 .LBB2_1-.Ltmp3, $4  }
0x41: {  	[hbm:s6], [sflag:s16] =	dma.local [spmem:s17], $0x500  }
0x42: {  	_ =	swait.ge [sflag:s13], $0x500  }
0x43: {  	[sflag:s13] =	ssyncset.done $0x0  }
0x44: {  	[sflag:s13] =	ssyncadd.s32 $0xFFFFFB00  }
0x45: {  	_ =	sfence.sel $0x180000  }
0x46: {  	[bflag:$0x0] =	sbarrier.arrive $0xFFFF  }
0x47: {  	p0 =	sne.s32 s0, $0x0;
	_ =	strace $0x90000047  }
0x48: {  	s0 =	sadd.s32 @!p0 $0x100000, s1;
	[bflag:$0x2] =	sbarrier.arrive $0xFFFF  }
0x49: {  	[sflag:s0] =	ssyncadd.tile.s32 @!p0 $0x1;
	_ =	shalt  }
.Lfunc_end2:
_tile_overlayer_lowered:
.L_overlay_start_2:
0x4a: {  	(tag) =	ssettag $0x2  }
0x4b: {  	s0 =	rddreg [dreg:$0x0];
	s2 =	stileid.u32  }
0x4c: {  	s1 =	rddreg [dreg:$0x1];
	p0 =	sne.s32 s2, $0x0  }
0x4d: {  	s3 =	rddreg [dreg:$0x2];
	[bflag:$0x3] =	sbarrier.arrive $0xFFFF;
	s2 =	simm.s32 @!p0 $0x1C01  }
0x4e: {  	[timem:s3], [sflag:s2] =	dma.local @!p0 [hbm:s0], s1  }
0x4f: {  	s0 =	simm.s32 @!p0 $0x1  }
0x50: {  	_ =	swait.ge @!p0 [sflag:s0], s1  }
0x51: {  	s1 =	ssub.s32 @!p0 $0x0, s1;
	[sflag:s0] =	ssyncset.done @!p0 $0x0  }
0x52: {  	[sflag:s0] =	ssyncadd.s32 @!p0 s1  }
0x53: {  	[bflag:$0x3] =	sbarrier.arrive $0xFFFF  }
0x54: {  	_ =	shalt  }

// kernel: kernel.14.cloned.1.call-start
scs
__scs_entry_jumppad:
0x0: {  	(pc) =	sbr.rel $0x88, $3  }
0x1: {  	(tag) =	ssettag $0x0;
	lr =	simm.s32 $0x1  }
0x2: {  	[smem:$0x3F8E] =	sst lr;
	_ =	strace $0xD0000000  }
0x3: {  	_ = 	snop  }
0x4: {  	_ = 	snop  }
0x5: {  	_ = 	snop  }
0x6: {  	_ = 	snop  }
0x7: {  	_ = 	snop  }
__scs_overlays_trampoline_lowered:
0x8: {  	[smem:$0x3F9D] =	sst s0  }
0x9: {  	[smem:$0x3F9E] =	sst s1  }
0xa: {  	[smem:$0x3F9F] =	sst s2  }
0xb: {  	[smem:$0x3FA0] =	sst s3  }
0xc: {  	[smem:$0x3FA1] =	sst s4  }
0xd: {  	[smem:$0x3FA2] =	sst s5  }
0xe: {  	[smem:$0x3FA3] =	sst s6  }
0xf: {  	[smem:$0x3FA4] =	sst s7  }
0x10: {  	[smem:$0x3FA5] =	sst s8  }
0x11: {  	[smem:$0x3FA6] =	sst s9;
	s0 =	simm.s32 @!p0 $0x0  }
0x12: {  	s1 =	sld [smem:$0x3F8C];
	s0 =	simm.s32 @p0 $0x1  }
0x13: {  	[smem:$0x3FA7] =	sst s0;
	s0 =	simm.s32 @!p1 $0x0  }
0x14: {  	s2 =	sld [smem:$0x3F8B];
	s0 =	simm.s32 @p1 $0x1  }
0x15: {  	[smem:$0x3FA8] =	sst s0;
	s0 =	simm.s32 @!p2 $0x0  }
0x16: {  	s3 =	sld [smem:$0x3FDB];
	s0 =	simm.s32 @p2 $0x1  }
0x17: {  	s4 =	simm.s32 $0x1BF5;
	[smem:$0x3FAA] =	sst s0  }
0x18: {  	s0 =	sld [smem:$0x3F8D];
	_ =	swait.ge [sflag:s4], $0x0  }
0x19: {  	s7 =	sld [smem:$0x3F8E]  }
0x1a: {  	s8 =	sadd.s32 $0xFFFFE003, lr  }
0x1b: {  	s9 =	sadd.s32 $0xFFFFFEF7, lr;
	s5 =	simm.s32 $0xFFFFFFFF;
	p2 =	slt.u32 s8, $0xFFFFF086  }
0x1c: {  	p1 =	slt.u32 s9, $0xF7A;
	s5 =	simm.s32 @!p2 $0x0  }
0x1d: {  	s5 =	simm.s32 @p1 $0x1;
	p0 =	seq.s32 s7, s2  }
0x1e: {  	s7 =	smul.u32 @!p0 $0xF7A, s2;
	p2 =	seq.s32 @!p0 s5, $0x0  }
0x1f: {  	s9 =	smul.u32 $0xF7A, s1;
	s8 =	simm.s32 @!p0 $0x1BF5;
	p2 =	por !p2, p0  }
0x20: {  	[sflag:s8] =	ssyncset.s32 @!p0 $0xFFFFF086;
	s6 =	sadd.s32 @!p0 s3, s7;
	s7 =	simm.s32 @!p0 $0x108  }
0x21: {  	s3 =	sadd.s32 s3, s9;
	s6 =	sadd.s32 @!p0 $0x88, s6;
	s7 =	simm.s32 @p2 $0x1082  }
0x22: {  	[simem:s7], [sflag:s8] =	dma.local @!p0 [hbm:s6], $0xF7A  }
0x23: {  	s9 =	sor.u32 $0xD0000000, s2;
	s6 =	simm.s32 $0x108;
	_ =	swait.ge @!p0 [sflag:s8], $0x0  }
0x24: {  	s3 =	sadd.s32 $0x88, s3;
	s6 =	simm.s32 @!p1 $0x1082;
	[sflag:s4] =	ssyncset.s32 $0xFFFFF086  }
0x25: {  	[simem:s6], [sflag:s4] =	dma.local [hbm:s3], $0xF7A  }
0x26: {  	[smem:$0x3F8E] =	sst s1;
	(tag) =	ssettag s2;
	_ =	strace s9  }
0x27: {  	s1 =	sld [smem:$0x3F9E]  }
0x28: {  	s2 =	sld [smem:$0x3F9F]  }
0x29: {  	s4 =	sld [smem:$0x3FA1]  }
0x2a: {  	p0 =	seq.s32 s5, $0x0;
	s5 =	sld [smem:$0x3FA2]  }
0x2b: {  	s6 =	sld [smem:$0x3FA3]  }
0x2c: {  	s7 =	sld [smem:$0x3FA4]  }
0x2d: {  	s3 =	simm.s32 $0x108;
	s8 =	sld [smem:$0x3FA5]  }
0x2e: {  	s3 =	simm.s32 @!p0 $0x1082;
	s9 =	sld [smem:$0x3FA6]  }
0x2f: {  	lr =	sadd.s32 s0, s3;
	s0 =	sld [smem:$0x3F9D]  }
0x30: {  	s3 =	sld [smem:$0x3FA0]  }
0x31: {  	[smem:$0x3FA9] =	sst s10  }
0x32: {  	s10 =	sld [smem:$0x3FA7];
	_ =	sdelay $0x3  }
0x33: {  	p0 =	seq.s32 s10, $0x1;
	s10 =	sld [smem:$0x3FA9];
	_ =	sdelay $0x3  }
0x34: {  	[smem:$0x3FA9] =	sst s10  }
0x35: {  	s10 =	sld [smem:$0x3FA8];
	_ =	sdelay $0x3  }
0x36: {  	p1 =	seq.s32 s10, $0x1;
	s10 =	sld [smem:$0x3FA9];
	_ =	sdelay $0x3  }
0x37: {  	[smem:$0x3FA9] =	sst s10  }
0x38: {  	s10 =	sld [smem:$0x3FAA]  }
0x39: {  	_ = 	snop;
	(pc) =	sbr.ind lr, $3  }
0x3a: {  	_ = 	snop  }
0x3b: {  	_ = 	snop  }
0x3c: {  	p2 =	seq.s32 s10, $0x1;
	s10 =	sld [smem:$0x3FA9]  }
0x3d: {  	_ =	shalt  }
0x3e: {  	_ =	shalt  }
0x3f: {  	_ =	shalt  }
0x40: {  	_ =	shalt  }
0x41: {  	_ =	shalt  }
0x42: {  	_ =	shalt  }
0x43: {  	_ =	shalt  }
0x44: {  	_ =	shalt  }
0x45: {  	_ =	shalt  }
0x46: {  	_ =	shalt  }
0x47: {  	_ =	shalt  }
0x48: {  	_ =	shalt  }
0x49: {  	_ =	shalt  }
0x4a: {  	_ =	shalt  }
0x4b: {  	_ =	shalt  }
0x4c: {  	_ =	shalt  }
0x4d: {  	_ =	shalt  }
0x4e: {  	_ =	shalt  }
0x4f: {  	_ =	shalt  }
0x50: {  	_ =	shalt  }
0x51: {  	_ =	shalt  }
0x52: {  	_ =	shalt  }
0x53: {  	_ =	shalt  }
0x54: {  	_ =	shalt  }
0x55: {  	_ =	shalt  }
0x56: {  	_ =	shalt  }
0x57: {  	_ =	shalt  }
0x58: {  	_ =	shalt  }
0x59: {  	_ =	shalt  }
0x5a: {  	_ =	shalt  }
0x5b: {  	_ =	shalt  }
0x5c: {  	_ =	shalt  }
0x5d: {  	_ =	shalt  }
0x5e: {  	_ =	shalt  }
0x5f: {  	_ =	shalt  }
0x60: {  	_ =	shalt  }
0x61: {  	_ =	shalt  }
0x62: {  	_ =	shalt  }
0x63: {  	_ =	shalt  }
0x64: {  	_ =	shalt  }
0x65: {  	_ =	shalt  }
0x66: {  	_ =	shalt  }
0x67: {  	_ =	shalt  }
0x68: {  	_ =	shalt  }
0x69: {  	_ =	shalt  }
0x6a: {  	_ =	shalt  }
0x6b: {  	_ =	shalt  }
0x6c: {  	_ =	shalt  }
0x6d: {  	_ =	shalt  }
0x6e: {  	_ =	shalt  }
0x6f: {  	_ =	shalt  }
0x70: {  	_ =	shalt  }
0x71: {  	_ =	shalt  }
0x72: {  	_ =	shalt  }
0x73: {  	_ =	shalt  }
0x74: {  	_ =	shalt  }
0x75: {  	_ =	shalt  }
0x76: {  	_ =	shalt  }
0x77: {  	_ =	shalt  }
0x78: {  	_ =	shalt  }
0x79: {  	_ =	shalt  }
0x7a: {  	_ =	shalt  }
0x7b: {  	_ =	shalt  }
0x7c: {  	_ =	shalt  }
0x7d: {  	_ =	shalt  }
0x7e: {  	_ =	shalt  }
0x7f: {  	_ =	shalt  }
0x80: {  	_ =	shalt  }
0x81: {  	_ =	shalt  }
0x82: {  	_ =	shalt  }
0x83: {  	_ =	shalt  }
0x84: {  	_ =	shalt  }
0x85: {  	_ =	shalt  }
0x86: {  	_ =	shalt  }
0x87: {  	_ =	shalt  }
.Lfunc_end0:
.L_simem_size_0:
called_computation.1_lowered:
.L_overlay_start_0:
0x88: {  	s2 =	sld [smem:$0x3FD9]  }
0x89: {  	s3 =	sld [smem:$0x3FFE];
	_ =	sdelay $0x1  }
0x8a: {  	s1 =	srdreg.scid  }
0x8b: {  	s0 =	sand.u32 $0x1, s1  }
0x8c: {  	s16 =	sshll.u32 s0, $0xA;
	s2 =	sadd.s32 s3, s2  }
0x8d: {  	s2 =	sadd.s32 s2, s16  }
0x8e: {  	[smem:$0x3FB5] =	sst s2  }
0x8f: {  	_ = 	snop  }
0x90: {  	(tm) =	ssettm $0x1  }
0x91: {  	s17 =	sld [smem:$0x3FFB];
	_ =	sdelay $0x3  }
0x92: {  	_ =	strace s17  }
0x93: {  	s2 =	sld [smem:$0x3FFC];
	_ =	sdelay $0x3  }
0x94: {  	_ =	strace s2  }
0x95: {  	s2 =	sld [smem:$0x3FFD];
	_ =	sdelay $0x3  }
0x96: {  	_ =	strace s2  }
0x97: {  	_ =	strace $0x8FFFFFFF  }
0x98: {  	s18 =	sld [smem:$0x3FDB];
	_ =	sdelay $0x1  }
0x99: {  	s19 =	simm.s32 $_scs_section_size  }
0x9a: {  	s4 =	simm.s32 $_size__tile_overlayer_lowered;
	s5 =	simm.s32 $_tile_overlayer_lowered  }
0x9b: {  	s22 =	simm.s32 $0x1BFF;
	s21 =	sshll.u32 s5, $0x1;
	s2 =	sadd.s32 s19, s18  }
0x9c: {  	s6 =	simm.s32 $0x0;
	s20 =	sshll.u32 s4, $0x1;
	s4 =	sadd.s32 s21, s2  }
0x9d: {  	[timem:s6], [sflag:s22] =	dma.local [hbm:s4], s20  }
0x9e: {  	_ =	swait.ge [sflag:s22], s20  }
0x9f: {  	s3 =	ssub.s32 $0x0, s20;
	[sflag:s22] =	ssyncset.done $0x0  }
0xa0: {  	[sflag:s22] =	ssyncadd.s32 s3;
	_ =	sdelay $0x1  }
0xa1: {  	s23 =	simm.s32 $0x1B8B  }
0xa2: {  	_ =	swait.ge [sflag:s23], $0x1  }
0xa3: {  	[sflag:s23] =	ssyncset.done $0x0  }
0xa4: {  	s25 =	simm.s32 $0x1B8E;
	s24 =	sld [smem:$0x3FFE];
	[sflag:s23] =	ssyncadd.s32 $0xFFFFFFFF  }
0xa5: {  	s26 =	simm.s32 $execute0_lowered;
	[smem:$0x3FD2] =	sst s25  }
0xa6: {  	s4 =	sshll.u32 s26, $0x1;
	_ =	strace $0x80000049;
	[dreg:$0x1] =	wrdreg $0xFFFFFFFF  }
0xa7: {  	s28 =	simm.s32 $_size_execute0_lowered;
	s2 =	sadd.s32 s2, s4;
	[dreg:$0x0] =	wrdreg $0x0  }
0xa8: {  	s4 =	sshll.u32 s28, $0x1;
	[dreg:$0x2] =	wrdreg s2  }
0xa9: {  	[dreg:$0x3] =	wrdreg s4  }
0xaa: {  	[dreg:$0x4] =	wrdreg $0xC0  }
0xab: {  	_ =	task [dreg:s6], $0x5FFFF  }
0xac: {  	[dreg:$0x1] =	wrdreg $0xFFFFFFFF  }
0xad: {  	[dreg:$0x0] =	wrdreg $0x60  }
0xae: {  	[dreg:$0x2] =	wrdreg s24  }
0xaf: {  	[dreg:$0x3] =	wrdreg $0x80000  }
0xb0: {  	[dreg:$0x4] =	wrdreg $0x120000  }
0xb1: {  	[dreg:$0x5] =	wrdreg $0x9  }
0xb2: {  	_ =	task.clear_ibuf [dreg:s6], $0x6FFFF;
	_ =	strace $0x90000049  }
0xb3: {  	s29 =	simm.s32 $0x9;
	_ =	strace $0x8000004B  }
0xb4: {  	_ =	swait.ge [sflag:s29], $0x1  }
0xb5: {  	[sflag:s29] =	ssyncadd.s32 $0xFFFFFFFF  }
0xb6: {  	_ =	strace $0x9000004B  }
0xb7: {  	_ =	sfence  }
0xb8: {  	s30 =	sld [smem:$0x0];
	_ =	sdelay $0x2  }
0xb9: {  	s31 =	sshll.u32 s1, $0xD;
	s1 =	sshrl.u32 s1, $0x2  }
0xba: {  	s3 =	sand.u32 $0x4000, s31;
	s1 =	sadd.s32 s1, s30  }
0xbb: {  	s0 =	sor.u32 s3, s0;
	s1 =	sshll.u32 s1, $0x11  }
0xbc: {  	s0 =	sor.u32 s1, s0  }
0xbd: {  	s0 =	sadd.s32 $0x8F2B, s0  }
0xbe: {  	[sflag:s0] =	ssyncadd.remote.s32 $0x1  }
0xbf: {  	_ =	sfence.sel $0xFFFF  }
0xc0: {  	[dreg:$0x0] =	wrdreg $0xFFFFFFFF;
	(pc) =	sbr.abs _section_cstart, $3  }
0xc1: {  	[dreg:$0x1] =	wrdreg $0xFFFFFFFF  }
0xc2: {  	_ =	task.clear_ibuf [dreg:s6], $0x2FFFF;
	_ =	strace $0x9FFFFFFF  }
0xc3: {  	(tm) =	ssettm $0x7FFFFFFF  }
tec
execute0_lowered:
.L_overlay_start_1:
0x0: {  	(tag) =	ssettag $0x1  }
0x1: {  	s0 =	rddreg [dreg:$0x0]  }
0x2: {  	s2 =	rddreg [dreg:$0x1];
	s10 =	stileid.u32  }
0x3: {  	s1 =	srdreg.scid;
	s3 =	rddreg [dreg:$0x2];
	s4 =	simm.s32 $0x0  }
0x4: {  	s20 =	simm.s32 $0x7000;
	s21 =	simm.s32 $0x2;
	s5 =	smul.u32 $0x9C40, s10  }
0x5: {  	s28 =	simm.s32 $0x1;
	s1 =	sand.u32 $0x1, s1;
	s9 =	smul.u32 $0x14000, s10  }
0x6: {  	s29 =	simm.s32 $0x6000;
	[smem:$0x7FF] =	sst s4;
	s6 =	smul.u32 $0x140000, s1  }
0x7: {  	s7 =	sshll.u32 s1, $0x4;
	_ =	strace $0x8000004A;
	s1 =	ssub.s32 $0x2, s1  }
0x8: {  	s8 =	sshrl.u32 s5, $0x4;
	s7 =	sor.u32 s10, s7;
	s10 =	smul.u32 $0x28000, s10  }
0x9: {  	s24 =	sshrl.u32 s1, $0x1;
	s26 =	sshrl.u32 s5, $0x1;
	s30 =	sshrl.u32 s9, $0x1  }
0xa: {  	s8 =	sadd.s32 s8, s0;
	s7 =	smul.u32 $0x500, s7;
	s6 =	sadd.s32 s9, s6  }
0xb: {  	s1 =	ssub.s32 s1, s24;
	s22 =	sadd.s32 s26, s3;
	s31 =	sadd.s32 s30, s2  }
0xc: {  	s24 =	simm.s32 $0x80;
	s26 =	simm.s32 $0x5000;
	s6 =	sshrl.u32 s6, $0x4  }
0xd: {  	s25 =	sshrl.u32 s10, $0x2;
	s10 =	smax.u32 s1, $0x1;
	s22 =	sshrl.u32 s22, $0x3  }
0xe: {  	s1 =	simm.s32 $0x4F80;
	s11 =	sadd.s32 s7, s0;
	s0 =	sadd.s32 s6, s0  }
0xf: {  	s5 =	sadd.s32 s25, s2;
	s6 =	sadd.s32 $0x3600, s8;
	s25 =	sshrl.u32 s31, $0x3  }
0x10: {  	s7 =	sadd.s32 $0x17600, s11;
	s8 =	sadd.s32 $0x21600, s11;
	s9 =	sadd.s32 $0x2B600, s0  }
0x11: {  	s11 =	sadd.s32 $0x1000, s5;
	s12 =	sadd.s32 $0x2000, s5;
	s13 =	sadd.s32 $0x3000, s5  }
0x12: {  	s14 =	sadd.s32 $0x4000, s5;
	s15 =	sadd.s32 $0x5000, s5;
	s16 =	sadd.s32 $0x6000, s5  }
0x13: {  	v0 =	vimm.bf16 $0.0e+00;
	s17 =	sadd.s32 $0x7000, s5;
	s18 =	sadd.s32 $0x8000, s5;
	s19 =	sadd.s32 $0x9000, s5  }
.LBB2_1:
0x14: {  	s0 =	simm.s32 $0x80;
	s23 =	simm.s32 $0x0  }
.LBB2_2:
0x15: {  	p0 =	sne.s32 s0, $0x3F80;
	[tilespmem:s23+$0x7000] =	vst v0;
	s30 =	smov.u32 s0;
	s0 =	sadd.s32 $0x80, s0  }
.Ltmp0:
0x16: {  	[tilespmem:s23+$0x7010] =	vst v0;
	(pc) =	sbr.rel @p0 .LBB2_2-.Ltmp0, $2  }
0x17: {  	_ =	sdelay $0x2  }
0x18: {  	s23 =	sshra.s32 s30, $0x2  }
0x19: {  	[tilespmem:s23+$0x7000] =	vst v0  }
0x1a: {  	[tilespmem:s23+$0x7010] =	vst v0  }
0x1b: {  	[spmem:s5] =	stream.linear.scatter [tilespmem:s20], [sflag:$0x2], $0x1000, $0x38;
	[tilespmem:$0x16E20] =	vst v63  }
0x1c: {  	_ =	swait.ge [sflag:s21], $0x1000  }
0x1d: {  	[sflag:s21] =	ssyncset.done $0x0  }
0x1e: {  	[sflag:s21] =	ssyncadd.s32 $0xFFFFF000  }
0x1f: {  	[spmem:s11] =	stream.linear.scatter [tilespmem:s20], [sflag:$0x2], $0x1000, $0x38;
	[tilespmem:$0x16E20] =	vst v63  }
0x20: {  	_ =	swait.ge [sflag:s21], $0x1000  }
0x21: {  	[sflag:s21] =	ssyncset.done $0x0  }
0x22: {  	[sflag:s21] =	ssyncadd.s32 $0xFFFFF000  }
0x23: {  	[spmem:s12] =	stream.linear.scatter [tilespmem:s20], [sflag:$0x2], $0x1000, $0x38;
	[tilespmem:$0x16E20] =	vst v63  }
0x24: {  	_ =	swait.ge [sflag:s21], $0x1000  }
0x25: {  	[sflag:s21] =	ssyncset.done $0x0  }
0x26: {  	[sflag:s21] =	ssyncadd.s32 $0xFFFFF000  }
0x27: {  	[spmem:s13] =	stream.linear.scatter [tilespmem:s20], [sflag:$0x2], $0x1000, $0x38;
	[tilespmem:$0x16E20] =	vst v63  }
0x28: {  	_ =	swait.ge [sflag:s21], $0x1000  }
0x29: {  	[sflag:s21] =	ssyncset.done $0x0  }
0x2a: {  	[sflag:s21] =	ssyncadd.s32 $0xFFFFF000  }
0x2b: {  	[spmem:s14] =	stream.linear.scatter [tilespmem:s20], [sflag:$0x2], $0x1000, $0x38;
	[tilespmem:$0x16E20] =	vst v63  }
0x2c: {  	_ =	swait.ge [sflag:s21], $0x1000  }
0x2d: {  	[sflag:s21] =	ssyncset.done $0x0  }
0x2e: {  	[sflag:s21] =	ssyncadd.s32 $0xFFFFF000  }
0x2f: {  	[spmem:s15] =	stream.linear.scatter [tilespmem:s20], [sflag:$0x2], $0x1000, $0x38;
	[tilespmem:$0x16E20] =	vst v63  }
0x30: {  	_ =	swait.ge [sflag:s21], $0x1000  }
0x31: {  	[sflag:s21] =	ssyncset.done $0x0  }
0x32: {  	[sflag:s21] =	ssyncadd.s32 $0xFFFFF000  }
0x33: {  	[spmem:s16] =	stream.linear.scatter [tilespmem:s20], [sflag:$0x2], $0x1000, $0x38;
	[tilespmem:$0x16E20] =	vst v63  }
0x34: {  	_ =	swait.ge [sflag:s21], $0x1000  }
0x35: {  	[sflag:s21] =	ssyncset.done $0x0  }
0x36: {  	[sflag:s21] =	ssyncadd.s32 $0xFFFFF000  }
0x37: {  	[spmem:s17] =	stream.linear.scatter [tilespmem:s20], [sflag:$0x2], $0x1000, $0x38;
	[tilespmem:$0x16E20] =	vst v63  }
0x38: {  	_ =	swait.ge [sflag:s21], $0x1000  }
0x39: {  	[sflag:s21] =	ssyncset.done $0x0  }
0x3a: {  	[sflag:s21] =	ssyncadd.s32 $0xFFFFF000  }
0x3b: {  	[spmem:s18] =	stream.linear.scatter [tilespmem:s20], [sflag:$0x2], $0x1000, $0x38;
	[tilespmem:$0x16E20] =	vst v63  }
0x3c: {  	_ =	swait.ge [sflag:s21], $0x1000  }
0x3d: {  	[sflag:s21] =	ssyncset.done $0x0  }
0x3e: {  	[sflag:s21] =	ssyncadd.s32 $0xFFFFF000  }
0x3f: {  	[spmem:s19] =	stream.linear.scatter [tilespmem:s20], [sflag:$0x2], $0x1000, $0x38;
	[tilespmem:$0x16E20] =	vst v63  }
0x40: {  	s0 =	stileid.u32;
	_ =	swait.ge [sflag:s21], $0x1000  }
0x41: {  	s0 =	sshll.u32 s0, $0x6;
	[sflag:s21] =	ssyncset.done $0x0  }
0x42: {  	s0 =	sor.u32 $0x1C02, s0;
	[sflag:s21] =	ssyncadd.s32 $0xFFFFF000  }
0x43: {  	[spmem:s22], [sflag:s0] =	dma.local [hbm:s6], $0x9C4  }
0x44: {  	_ =	swait.ge [sflag:s21], $0x9C4  }
0x45: {  	[sflag:s21] =	ssyncset.done $0x0  }
0x46: {  	[sflag:s21] =	ssyncadd.s32 $0xFFFFF63C  }
0x47: {  	s31 =	simm.s32 $0x0;
	[bflag:$0x0] =	sbarrier.arrive $0xFFFF  }
0x48: {  	[tilespmem:s31], [sflag:$0x2] =	stream.linear.gather [hbm4b:s7+s31], $0x2800, $0x38;
	[tilespmem:$0x16E20] =	vst v63  }
0x49: {  	_ =	swait.ge [sflag:s21], $0x2800  }
0x4a: {  	[sflag:s21] =	ssyncset.done $0x0  }
0x4b: {  	s30 =	simm.s32 $0x2800;
	[sflag:s21] =	ssyncadd.s32 $0xFFFFD800  }
0x4c: {  	[tilespmem:s30], [sflag:$0x2] =	stream.linear.gather [hbm4b:s8+s31], $0x2800, $0x38;
	[tilespmem:$0x16E20] =	vst v63  }
0x4d: {  	_ =	swait.ge [sflag:s21], $0x2800  }
0x4e: {  	[sflag:s21] =	ssyncset.done $0x0  }
0x4f: {  	[sflag:s21] =	ssyncadd.s32 $0xFFFFD800  }
0x50: {  	[tilespmem:s26], [sflag:$0x1] =	stream.indirect.gather [spmem:s3], $0x20, s31, s24, $0xb8;
	[tilespmem:$0x16E20] =	vst v63  }
0x51: {  	_ =	swait.ge [sflag:s28], $0x1000  }
0x52: {  	[sflag:s28] =	ssyncset.done $0x0  }
0x53: {  	s30 =	simm.s32 $0x80;
	[sflag:s28] =	ssyncadd.s32 $0xFFFFF000  }
0x54: {  	[tilespmem:s29], [sflag:$0x1] =	stream.indirect.gather [spmem:s3], $0x20, s30, s24, $0xb8;
	[tilespmem:$0x16E20] =	vst v63  }
0x55: {  	s31 =	simm.s32 $0x2800  }
0x56: {  	[spmem:s2] =	stream.indirect.scatter.add.bf16 [tilespmem:s26], [sflag:$0x2], $0x20, s31, s24, $0xb8;
	[tilespmem:$0x16E20] =	vst v63  }
0x57: {  	_ =	swait.ge [sflag:s21], $0x1000  }
0x58: {  	[sflag:s21] =	ssyncset.done $0x0  }
0x59: {  	[sflag:s21] =	ssyncadd.s32 $0xFFFFF000  }
0x5a: {  	_ =	swait.ge [sflag:s28], $0x1000  }
0x5b: {  	[sflag:s28] =	ssyncset.done $0x0  }
0x5c: {  	s30 =	simm.s32 $0x100;
	[sflag:s28] =	ssyncadd.s32 $0xFFFFF000  }
0x5d: {  	[tilespmem:s26], [sflag:$0x1] =	stream.indirect.gather [spmem:s3], $0x20, s30, s24, $0xb8;
	[tilespmem:$0x16E20] =	vst v63  }
0x5e: {  	s31 =	simm.s32 $0x2880  }
0x5f: {  	[spmem:s2] =	stream.indirect.scatter.add.bf16 [tilespmem:s29], [sflag:$0x2], $0x20, s31, s24, $0xb8;
	[tilespmem:$0x16E20] =	vst v63  }
0x60: {  	_ =	swait.ge [sflag:s21], $0x1000  }
0x61: {  	s23 =	simm.s32 $0x400;
	[sflag:s21] =	ssyncset.done $0x0  }
.LBB2_4:
0x62: {  	p0 =	sne.s32 s23, $0x9800  }
0x63: {  	[sflag:s21] =	ssyncadd.s32 $0xFFFFF000;
	s30 =	smov.u32 s23;
	s23 =	sadd.s32 $0x400, s23  }
0x64: {  	_ = 	snop  }
0x65: {  	_ =	swait.ge [sflag:s28], $0x1000  }
0x66: {  	s30 =	sshra.s32 s30, $0x2;
	[sflag:s28] =	ssyncset.done $0x0  }
0x67: {  	s31 =	sadd.s32 $0x80, s30;
	[sflag:s28] =	ssyncadd.s32 $0xFFFFF000  }
0x68: {  	[tilespmem:s29], [sflag:$0x1] =	stream.indirect.gather [spmem:s3], $0x20, s31, s24, $0xb8;
	[tilespmem:$0x16E20] =	vst v63  }
0x69: {  	s31 =	sadd.s32 $0x2800, s30  }
0x6a: {  	[spmem:s2] =	stream.indirect.scatter.add.bf16 [tilespmem:s26], [sflag:$0x2], $0x20, s31, s24, $0xb8;
	[tilespmem:$0x16E20] =	vst v63  }
0x6b: {  	_ =	swait.ge [sflag:s21], $0x1000  }
0x6c: {  	[sflag:s21] =	ssyncset.done $0x0  }
0x6d: {  	[sflag:s21] =	ssyncadd.s32 $0xFFFFF000  }
0x6e: {  	_ =	swait.ge [sflag:s28], $0x1000  }
0x6f: {  	[sflag:s28] =	ssyncset.done $0x0  }
0x70: {  	s31 =	sadd.s32 $0x100, s30;
	[sflag:s28] =	ssyncadd.s32 $0xFFFFF000  }
0x71: {  	[tilespmem:s26], [sflag:$0x1] =	stream.indirect.gather [spmem:s3], $0x20, s31, s24, $0xb8;
	[tilespmem:$0x16E20] =	vst v63  }
.Ltmp1:
0x72: {  	_ = 	snop;
	(pc) =	sbr.rel @p0 .LBB2_4-.Ltmp1, $4  }
0x73: {  	s30 =	sadd.s32 $0x2880, s30  }
0x74: {  	[spmem:s2] =	stream.indirect.scatter.add.bf16 [tilespmem:s29], [sflag:$0x2], $0x20, s30, s24, $0xb8;
	[tilespmem:$0x16E20] =	vst v63  }
0x75: {  	_ =	swait.ge [sflag:s21], $0x1000  }
0x76: {  	[sflag:s21] =	ssyncset.done $0x0  }
0x77: {  	[sflag:s21] =	ssyncadd.s32 $0xFFFFF000  }
0x78: {  	_ =	swait.ge [sflag:s28], $0x1000  }
0x79: {  	[sflag:s28] =	ssyncset.done $0x0  }
0x7a: {  	s23 =	simm.s32 $0x2780;
	[sflag:s28] =	ssyncadd.s32 $0xFFFFF000  }
0x7b: {  	[tilespmem:s29], [sflag:$0x1] =	stream.indirect.gather [spmem:s3], $0x20, s23, s24, $0xb8;
	[tilespmem:$0x16E20] =	vst v63  }
0x7c: {  	s31 =	simm.s32 $0x4F00  }
0x7d: {  	[spmem:s2] =	stream.indirect.scatter.add.bf16 [tilespmem:s26], [sflag:$0x2], $0x20, s31, s24, $0xb8;
	[tilespmem:$0x16E20] =	vst v63  }
0x7e: {  	_ =	swait.ge [sflag:s21], $0x1000  }
0x7f: {  	[sflag:s21] =	ssyncset.done $0x0  }
0x80: {  	[sflag:s21] =	ssyncadd.s32 $0xFFFFF000  }
0x81: {  	_ =	swait.ge [sflag:s28], $0x1000  }
0x82: {  	[sflag:s28] =	ssyncset.done $0x0  }
0x83: {  	[sflag:s28] =	ssyncadd.s32 $0xFFFFF000  }
0x84: {  	[spmem:s2] =	stream.indirect.scatter.add.bf16 [tilespmem:s29], [sflag:$0x2], $0x20, s1, s24, $0xb8;
	[tilespmem:$0x16E20] =	vst v63  }
0x85: {  	_ =	swait.ge [sflag:s21], $0x1000  }
0x86: {  	s4 =	sadd.s32 $0x1, s4;
	[sflag:s21] =	ssyncset.done $0x0  }
0x87: {  	p0 =	sne.s32 s4, s10;
	[sflag:s21] =	ssyncadd.s32 $0xFFFFF000  }
.Ltmp2:
0x88: {  	[bflag:$0x0] =	sbarrier.arrive $0xFFFF;
	(pc) =	sbr.rel @p0 .LBB2_1-.Ltmp2, $4  }
0x89: {  	[hbm:s9], [sflag:s0] =	dma.local [spmem:s25], $0x1400  }
0x8a: {  	_ =	swait.ge [sflag:s21], $0x1400  }
0x8b: {  	[sflag:s21] =	ssyncset.done $0x0  }
0x8c: {  	[sflag:s21] =	ssyncadd.s32 $0xFFFFEC00  }
0x8d: {  	_ =	sfence.sel $0x180000  }
0x8e: {  	[bflag:$0x0] =	sbarrier.arrive $0xFFFF  }
0x8f: {  	_ =	strace $0x9000004A  }
0x90: {  	s0 =	stileid.u32;
	[bflag:$0x2] =	sbarrier.arrive $0xFFFF  }
0x91: {  	p0 =	sne.s32 s0, $0x0;
	s0 =	rddreg [dreg:$0x3]  }
0x92: {  	s0 =	sadd.s32 @!p0 $0x100000, s0  }
0x93: {  	[sflag:s0] =	ssyncadd.tile.s32 @!p0 $0x1;
	_ =	shalt  }
.Lfunc_end2:
_tile_overlayer_lowered:
.L_overlay_start_2:
0x94: {  	(tag) =	ssettag $0x2  }
0x95: {  	s0 =	rddreg [dreg:$0x0];
	s2 =	stileid.u32  }
0x96: {  	s1 =	rddreg [dreg:$0x1];
	p0 =	sne.s32 s2, $0x0  }
0x97: {  	s3 =	rddreg [dreg:$0x2];
	[bflag:$0x3] =	sbarrier.arrive $0xFFFF;
	s2 =	simm.s32 @!p0 $0x1C02  }
0x98: {  	[timem:s3], [sflag:s2] =	dma.local @!p0 [hbm:s0], s1  }
0x99: {  	s0 =	simm.s32 @!p0 $0x2  }
0x9a: {  	_ =	swait.ge @!p0 [sflag:s0], s1  }
0x9b: {  	s1 =	ssub.s32 @!p0 $0x0, s1;
	[sflag:s0] =	ssyncset.done @!p0 $0x0  }
0x9c: {  	[sflag:s0] =	ssyncadd.s32 @!p0 s1  }
0x9d: {  	[bflag:$0x3] =	sbarrier.arrive $0xFFFF  }
0x9e: {  	_ =	shalt  }

// kernel: kernel.17.cloned.1.call-start
scs
__scs_entry_jumppad:
0x0: {  	(pc) =	sbr.rel $0x88, $3  }
0x1: {  	(tag) =	ssettag $0x0;
	lr =	simm.s32 $0x1  }
0x2: {  	[smem:$0x3F8E] =	sst lr;
	_ =	strace $0xD0000000  }
0x3: {  	_ = 	snop  }
0x4: {  	_ = 	snop  }
0x5: {  	_ = 	snop  }
0x6: {  	_ = 	snop  }
0x7: {  	_ = 	snop  }
__scs_overlays_trampoline_lowered:
0x8: {  	[smem:$0x3F9D] =	sst s0  }
0x9: {  	[smem:$0x3F9E] =	sst s1  }
0xa: {  	[smem:$0x3F9F] =	sst s2  }
0xb: {  	[smem:$0x3FA0] =	sst s3  }
0xc: {  	[smem:$0x3FA1] =	sst s4  }
0xd: {  	[smem:$0x3FA2] =	sst s5  }
0xe: {  	[smem:$0x3FA3] =	sst s6  }
0xf: {  	[smem:$0x3FA4] =	sst s7  }
0x10: {  	[smem:$0x3FA5] =	sst s8  }
0x11: {  	[smem:$0x3FA6] =	sst s9;
	s0 =	simm.s32 @!p0 $0x0  }
0x12: {  	s1 =	sld [smem:$0x3F8C];
	s0 =	simm.s32 @p0 $0x1  }
0x13: {  	[smem:$0x3FA7] =	sst s0;
	s0 =	simm.s32 @!p1 $0x0  }
0x14: {  	s2 =	sld [smem:$0x3F8B];
	s0 =	simm.s32 @p1 $0x1  }
0x15: {  	[smem:$0x3FA8] =	sst s0;
	s0 =	simm.s32 @!p2 $0x0  }
0x16: {  	s3 =	sld [smem:$0x3FDB];
	s0 =	simm.s32 @p2 $0x1  }
0x17: {  	s4 =	simm.s32 $0x1BF5;
	[smem:$0x3FAA] =	sst s0  }
0x18: {  	s0 =	sld [smem:$0x3F8D];
	_ =	swait.ge [sflag:s4], $0x0  }
0x19: {  	s7 =	sld [smem:$0x3F8E]  }
0x1a: {  	s8 =	sadd.s32 $0xFFFFE003, lr  }
0x1b: {  	s9 =	sadd.s32 $0xFFFFFEF7, lr;
	s5 =	simm.s32 $0xFFFFFFFF;
	p2 =	slt.u32 s8, $0xFFFFF086  }
0x1c: {  	p1 =	slt.u32 s9, $0xF7A;
	s5 =	simm.s32 @!p2 $0x0  }
0x1d: {  	s5 =	simm.s32 @p1 $0x1;
	p0 =	seq.s32 s7, s2  }
0x1e: {  	s7 =	smul.u32 @!p0 $0xF7A, s2;
	p2 =	seq.s32 @!p0 s5, $0x0  }
0x1f: {  	s9 =	smul.u32 $0xF7A, s1;
	s8 =	simm.s32 @!p0 $0x1BF5;
	p2 =	por !p2, p0  }
0x20: {  	[sflag:s8] =	ssyncset.s32 @!p0 $0xFFFFF086;
	s6 =	sadd.s32 @!p0 s3, s7;
	s7 =	simm.s32 @!p0 $0x108  }
0x21: {  	s3 =	sadd.s32 s3, s9;
	s6 =	sadd.s32 @!p0 $0x88, s6;
	s7 =	simm.s32 @p2 $0x1082  }
0x22: {  	[simem:s7], [sflag:s8] =	dma.local @!p0 [hbm:s6], $0xF7A  }
0x23: {  	s9 =	sor.u32 $0xD0000000, s2;
	s6 =	simm.s32 $0x108;
	_ =	swait.ge @!p0 [sflag:s8], $0x0  }
0x24: {  	s3 =	sadd.s32 $0x88, s3;
	s6 =	simm.s32 @!p1 $0x1082;
	[sflag:s4] =	ssyncset.s32 $0xFFFFF086  }
0x25: {  	[simem:s6], [sflag:s4] =	dma.local [hbm:s3], $0xF7A  }
0x26: {  	[smem:$0x3F8E] =	sst s1;
	(tag) =	ssettag s2;
	_ =	strace s9  }
0x27: {  	s1 =	sld [smem:$0x3F9E]  }
0x28: {  	s2 =	sld [smem:$0x3F9F]  }
0x29: {  	s4 =	sld [smem:$0x3FA1]  }
0x2a: {  	p0 =	seq.s32 s5, $0x0;
	s5 =	sld [smem:$0x3FA2]  }
0x2b: {  	s6 =	sld [smem:$0x3FA3]  }
0x2c: {  	s7 =	sld [smem:$0x3FA4]  }
0x2d: {  	s3 =	simm.s32 $0x108;
	s8 =	sld [smem:$0x3FA5]  }
0x2e: {  	s3 =	simm.s32 @!p0 $0x1082;
	s9 =	sld [smem:$0x3FA6]  }
0x2f: {  	lr =	sadd.s32 s0, s3;
	s0 =	sld [smem:$0x3F9D]  }
0x30: {  	s3 =	sld [smem:$0x3FA0]  }
0x31: {  	[smem:$0x3FA9] =	sst s10  }
0x32: {  	s10 =	sld [smem:$0x3FA7];
	_ =	sdelay $0x3  }
0x33: {  	p0 =	seq.s32 s10, $0x1;
	s10 =	sld [smem:$0x3FA9];
	_ =	sdelay $0x3  }
0x34: {  	[smem:$0x3FA9] =	sst s10  }
0x35: {  	s10 =	sld [smem:$0x3FA8];
	_ =	sdelay $0x3  }
0x36: {  	p1 =	seq.s32 s10, $0x1;
	s10 =	sld [smem:$0x3FA9];
	_ =	sdelay $0x3  }
0x37: {  	[smem:$0x3FA9] =	sst s10  }
0x38: {  	s10 =	sld [smem:$0x3FAA]  }
0x39: {  	_ = 	snop;
	(pc) =	sbr.ind lr, $3  }
0x3a: {  	_ = 	snop  }
0x3b: {  	_ = 	snop  }
0x3c: {  	p2 =	seq.s32 s10, $0x1;
	s10 =	sld [smem:$0x3FA9]  }
0x3d: {  	_ =	shalt  }
0x3e: {  	_ =	shalt  }
0x3f: {  	_ =	shalt  }
0x40: {  	_ =	shalt  }
0x41: {  	_ =	shalt  }
0x42: {  	_ =	shalt  }
0x43: {  	_ =	shalt  }
0x44: {  	_ =	shalt  }
0x45: {  	_ =	shalt  }
0x46: {  	_ =	shalt  }
0x47: {  	_ =	shalt  }
0x48: {  	_ =	shalt  }
0x49: {  	_ =	shalt  }
0x4a: {  	_ =	shalt  }
0x4b: {  	_ =	shalt  }
0x4c: {  	_ =	shalt  }
0x4d: {  	_ =	shalt  }
0x4e: {  	_ =	shalt  }
0x4f: {  	_ =	shalt  }
0x50: {  	_ =	shalt  }
0x51: {  	_ =	shalt  }
0x52: {  	_ =	shalt  }
0x53: {  	_ =	shalt  }
0x54: {  	_ =	shalt  }
0x55: {  	_ =	shalt  }
0x56: {  	_ =	shalt  }
0x57: {  	_ =	shalt  }
0x58: {  	_ =	shalt  }
0x59: {  	_ =	shalt  }
0x5a: {  	_ =	shalt  }
0x5b: {  	_ =	shalt  }
0x5c: {  	_ =	shalt  }
0x5d: {  	_ =	shalt  }
0x5e: {  	_ =	shalt  }
0x5f: {  	_ =	shalt  }
0x60: {  	_ =	shalt  }
0x61: {  	_ =	shalt  }
0x62: {  	_ =	shalt  }
0x63: {  	_ =	shalt  }
0x64: {  	_ =	shalt  }
0x65: {  	_ =	shalt  }
0x66: {  	_ =	shalt  }
0x67: {  	_ =	shalt  }
0x68: {  	_ =	shalt  }
0x69: {  	_ =	shalt  }
0x6a: {  	_ =	shalt  }
0x6b: {  	_ =	shalt  }
0x6c: {  	_ =	shalt  }
0x6d: {  	_ =	shalt  }
0x6e: {  	_ =	shalt  }
0x6f: {  	_ =	shalt  }
0x70: {  	_ =	shalt  }
0x71: {  	_ =	shalt  }
0x72: {  	_ =	shalt  }
0x73: {  	_ =	shalt  }
0x74: {  	_ =	shalt  }
0x75: {  	_ =	shalt  }
0x76: {  	_ =	shalt  }
0x77: {  	_ =	shalt  }
0x78: {  	_ =	shalt  }
0x79: {  	_ =	shalt  }
0x7a: {  	_ =	shalt  }
0x7b: {  	_ =	shalt  }
0x7c: {  	_ =	shalt  }
0x7d: {  	_ =	shalt  }
0x7e: {  	_ =	shalt  }
0x7f: {  	_ =	shalt  }
0x80: {  	_ =	shalt  }
0x81: {  	_ =	shalt  }
0x82: {  	_ =	shalt  }
0x83: {  	_ =	shalt  }
0x84: {  	_ =	shalt  }
0x85: {  	_ =	shalt  }
0x86: {  	_ =	shalt  }
0x87: {  	_ =	shalt  }
.Lfunc_end0:
.L_simem_size_0:
called_computation.2_lowered:
.L_overlay_start_0:
0x88: {  	s2 =	sld [smem:$0x3FD9]  }
0x89: {  	s3 =	sld [smem:$0x3FFE];
	_ =	sdelay $0x1  }
0x8a: {  	s1 =	srdreg.scid  }
0x8b: {  	s0 =	sand.u32 $0x1, s1  }
0x8c: {  	s16 =	sshll.u32 s0, $0xA;
	s2 =	sadd.s32 s3, s2  }
0x8d: {  	s2 =	sadd.s32 s2, s16  }
0x8e: {  	[smem:$0x3FB5] =	sst s2  }
0x8f: {  	_ = 	snop  }
0x90: {  	(tm) =	ssettm $0x1  }
0x91: {  	s17 =	sld [smem:$0x3FFB];
	_ =	sdelay $0x3  }
0x92: {  	_ =	strace s17  }
0x93: {  	s2 =	sld [smem:$0x3FFC];
	_ =	sdelay $0x3  }
0x94: {  	_ =	strace s2  }
0x95: {  	s2 =	sld [smem:$0x3FFD];
	_ =	sdelay $0x3  }
0x96: {  	_ =	strace s2  }
0x97: {  	_ =	strace $0x8FFFFFFF  }
0x98: {  	s18 =	sld [smem:$0x3FDB];
	_ =	sdelay $0x1  }
0x99: {  	s19 =	simm.s32 $_scs_section_size  }
0x9a: {  	s4 =	simm.s32 $_size__tile_overlayer_lowered;
	s5 =	simm.s32 $_tile_overlayer_lowered  }
0x9b: {  	s22 =	simm.s32 $0x1BFF;
	s21 =	sshll.u32 s5, $0x1;
	s2 =	sadd.s32 s19, s18  }
0x9c: {  	s6 =	simm.s32 $0x0;
	s20 =	sshll.u32 s4, $0x1;
	s4 =	sadd.s32 s21, s2  }
0x9d: {  	[timem:s6], [sflag:s22] =	dma.local [hbm:s4], s20  }
0x9e: {  	_ =	swait.ge [sflag:s22], s20  }
0x9f: {  	s3 =	ssub.s32 $0x0, s20;
	[sflag:s22] =	ssyncset.done $0x0  }
0xa0: {  	[sflag:s22] =	ssyncadd.s32 s3;
	_ =	sdelay $0x1  }
0xa1: {  	s23 =	simm.s32 $0x1B8B  }
0xa2: {  	_ =	swait.ge [sflag:s23], $0x1  }
0xa3: {  	[sflag:s23] =	ssyncset.done $0x0  }
0xa4: {  	s25 =	simm.s32 $0x1B8E;
	s24 =	sld [smem:$0x3FFE];
	[sflag:s23] =	ssyncadd.s32 $0xFFFFFFFF  }
0xa5: {  	s26 =	simm.s32 $execute0_lowered;
	[smem:$0x3FD2] =	sst s25  }
0xa6: {  	s4 =	sshll.u32 s26, $0x1;
	_ =	strace $0x8000004C;
	[dreg:$0x1] =	wrdreg $0xFFFFFFFF  }
0xa7: {  	s28 =	simm.s32 $_size_execute0_lowered;
	s2 =	sadd.s32 s2, s4;
	[dreg:$0x0] =	wrdreg $0x0  }
0xa8: {  	s4 =	sshll.u32 s28, $0x1;
	[dreg:$0x2] =	wrdreg s2  }
0xa9: {  	[dreg:$0x3] =	wrdreg s4  }
0xaa: {  	[dreg:$0x4] =	wrdreg $0xC0  }
0xab: {  	_ =	task [dreg:s6], $0x5FFFF  }
0xac: {  	[dreg:$0x1] =	wrdreg $0xFFFFFFFF  }
0xad: {  	[dreg:$0x0] =	wrdreg $0x60  }
0xae: {  	[dreg:$0x2] =	wrdreg s24  }
0xaf: {  	[dreg:$0x3] =	wrdreg $0x80000  }
0xb0: {  	[dreg:$0x4] =	wrdreg $0x120000  }
0xb1: {  	[dreg:$0x5] =	wrdreg $0x9  }
0xb2: {  	_ =	task.clear_ibuf [dreg:s6], $0x6FFFF;
	_ =	strace $0x9000004C  }
0xb3: {  	s29 =	simm.s32 $0x9;
	_ =	strace $0x8000004E  }
0xb4: {  	_ =	swait.ge [sflag:s29], $0x1  }
0xb5: {  	[sflag:s29] =	ssyncadd.s32 $0xFFFFFFFF  }
0xb6: {  	_ =	strace $0x9000004E  }
0xb7: {  	_ =	sfence  }
0xb8: {  	s30 =	sld [smem:$0x0];
	_ =	sdelay $0x2  }
0xb9: {  	s31 =	sshll.u32 s1, $0xD;
	s1 =	sshrl.u32 s1, $0x2  }
0xba: {  	s3 =	sand.u32 $0x4000, s31;
	s1 =	sadd.s32 s1, s30  }
0xbb: {  	s0 =	sor.u32 s3, s0;
	s1 =	sshll.u32 s1, $0x11  }
0xbc: {  	s0 =	sor.u32 s1, s0  }
0xbd: {  	s0 =	sadd.s32 $0x8F2B, s0  }
0xbe: {  	[sflag:s0] =	ssyncadd.remote.s32 $0x1  }
0xbf: {  	_ =	sfence.sel $0xFFFF  }
0xc0: {  	[dreg:$0x0] =	wrdreg $0xFFFFFFFF;
	(pc) =	sbr.abs _section_cstart, $3  }
0xc1: {  	[dreg:$0x1] =	wrdreg $0xFFFFFFFF  }
0xc2: {  	_ =	task.clear_ibuf [dreg:s6], $0x2FFFF;
	_ =	strace $0x9FFFFFFF  }
0xc3: {  	(tm) =	ssettm $0x7FFFFFFF  }
tec
execute0_lowered:
.L_overlay_start_1:
0x0: {  	(tag) =	ssettag $0x1  }
0x1: {  	s0 =	rddreg [dreg:$0x0]  }
0x2: {  	s2 =	rddreg [dreg:$0x1];
	s10 =	stileid.u32  }
0x3: {  	s1 =	srdreg.scid;
	s3 =	rddreg [dreg:$0x2];
	s4 =	simm.s32 $0x0  }
0x4: {  	s20 =	simm.s32 $0x7000;
	s21 =	simm.s32 $0x2;
	s5 =	smul.u32 $0x9C40, s10  }
0x5: {  	s28 =	simm.s32 $0x1;
	s1 =	sand.u32 $0x1, s1;
	s9 =	smul.u32 $0x14000, s10  }
0x6: {  	s29 =	simm.s32 $0x6000;
	[smem:$0x7FF] =	sst s4;
	s6 =	smul.u32 $0x140000, s1  }
0x7: {  	s7 =	sshll.u32 s1, $0x4;
	_ =	strace $0x8000004D;
	s1 =	ssub.s32 $0x2, s1  }
0x8: {  	s8 =	sshrl.u32 s5, $0x4;
	s7 =	sor.u32 s10, s7;
	s10 =	smul.u32 $0x28000, s10  }
0x9: {  	s24 =	sshrl.u32 s1, $0x1;
	s26 =	sshrl.u32 s5, $0x1;
	s30 =	sshrl.u32 s9, $0x1  }
0xa: {  	s8 =	sadd.s32 s8, s0;
	s7 =	smul.u32 $0x500, s7;
	s6 =	sadd.s32 s9, s6  }
0xb: {  	s1 =	ssub.s32 s1, s24;
	s22 =	sadd.s32 s26, s3;
	s31 =	sadd.s32 s30, s2  }
0xc: {  	s24 =	simm.s32 $0x80;
	s26 =	simm.s32 $0x5000;
	s6 =	sshrl.u32 s6, $0x4  }
0xd: {  	s25 =	sshrl.u32 s10, $0x2;
	s10 =	smax.u32 s1, $0x1;
	s22 =	sshrl.u32 s22, $0x3  }
0xe: {  	s1 =	simm.s32 $0x4F80;
	s11 =	sadd.s32 s7, s0;
	s0 =	sadd.s32 s6, s0  }
0xf: {  	s5 =	sadd.s32 s25, s2;
	s6 =	sadd.s32 $0x3600, s8;
	s25 =	sshrl.u32 s31, $0x3  }
0x10: {  	s7 =	sadd.s32 $0x17600, s11;
	s8 =	sadd.s32 $0x21600, s11;
	s9 =	sadd.s32 $0x2B600, s0  }
0x11: {  	s11 =	sadd.s32 $0x1000, s5;
	s12 =	sadd.s32 $0x2000, s5;
	s13 =	sadd.s32 $0x3000, s5  }
0x12: {  	s14 =	sadd.s32 $0x4000, s5;
	s15 =	sadd.s32 $0x5000, s5;
	s16 =	sadd.s32 $0x6000, s5  }
0x13: {  	v0 =	vimm.bf16 $0.0e+00;
	s17 =	sadd.s32 $0x7000, s5;
	s18 =	sadd.s32 $0x8000, s5;
	s19 =	sadd.s32 $0x9000, s5  }
.LBB2_1:
0x14: {  	s0 =	simm.s32 $0x80;
	s23 =	simm.s32 $0x0  }
.LBB2_2:
0x15: {  	p0 =	sne.s32 s0, $0x3F80;
	[tilespmem:s23+$0x7000] =	vst v0;
	s30 =	smov.u32 s0;
	s0 =	sadd.s32 $0x80, s0  }
.Ltmp0:
0x16: {  	[tilespmem:s23+$0x7010] =	vst v0;
	(pc) =	sbr.rel @p0 .LBB2_2-.Ltmp0, $2  }
0x17: {  	_ =	sdelay $0x2  }
0x18: {  	s23 =	sshra.s32 s30, $0x2  }
0x19: {  	[tilespmem:s23+$0x7000] =	vst v0  }
0x1a: {  	[tilespmem:s23+$0x7010] =	vst v0  }
0x1b: {  	[spmem:s5] =	stream.linear.scatter [tilespmem:s20], [sflag:$0x2], $0x1000, $0x38;
	[tilespmem:$0x16E20] =	vst v63  }
0x1c: {  	_ =	swait.ge [sflag:s21], $0x1000  }
0x1d: {  	[sflag:s21] =	ssyncset.done $0x0  }
0x1e: {  	[sflag:s21] =	ssyncadd.s32 $0xFFFFF000  }
0x1f: {  	[spmem:s11] =	stream.linear.scatter [tilespmem:s20], [sflag:$0x2], $0x1000, $0x38;
	[tilespmem:$0x16E20] =	vst v63  }
0x20: {  	_ =	swait.ge [sflag:s21], $0x1000  }
0x21: {  	[sflag:s21] =	ssyncset.done $0x0  }
0x22: {  	[sflag:s21] =	ssyncadd.s32 $0xFFFFF000  }
0x23: {  	[spmem:s12] =	stream.linear.scatter [tilespmem:s20], [sflag:$0x2], $0x1000, $0x38;
	[tilespmem:$0x16E20] =	vst v63  }
0x24: {  	_ =	swait.ge [sflag:s21], $0x1000  }
0x25: {  	[sflag:s21] =	ssyncset.done $0x0  }
0x26: {  	[sflag:s21] =	ssyncadd.s32 $0xFFFFF000  }
0x27: {  	[spmem:s13] =	stream.linear.scatter [tilespmem:s20], [sflag:$0x2], $0x1000, $0x38;
	[tilespmem:$0x16E20] =	vst v63  }
0x28: {  	_ =	swait.ge [sflag:s21], $0x1000  }
0x29: {  	[sflag:s21] =	ssyncset.done $0x0  }
0x2a: {  	[sflag:s21] =	ssyncadd.s32 $0xFFFFF000  }
0x2b: {  	[spmem:s14] =	stream.linear.scatter [tilespmem:s20], [sflag:$0x2], $0x1000, $0x38;
	[tilespmem:$0x16E20] =	vst v63  }
0x2c: {  	_ =	swait.ge [sflag:s21], $0x1000  }
0x2d: {  	[sflag:s21] =	ssyncset.done $0x0  }
0x2e: {  	[sflag:s21] =	ssyncadd.s32 $0xFFFFF000  }
0x2f: {  	[spmem:s15] =	stream.linear.scatter [tilespmem:s20], [sflag:$0x2], $0x1000, $0x38;
	[tilespmem:$0x16E20] =	vst v63  }
0x30: {  	_ =	swait.ge [sflag:s21], $0x1000  }
0x31: {  	[sflag:s21] =	ssyncset.done $0x0  }
0x32: {  	[sflag:s21] =	ssyncadd.s32 $0xFFFFF000  }
0x33: {  	[spmem:s16] =	stream.linear.scatter [tilespmem:s20], [sflag:$0x2], $0x1000, $0x38;
	[tilespmem:$0x16E20] =	vst v63  }
0x34: {  	_ =	swait.ge [sflag:s21], $0x1000  }
0x35: {  	[sflag:s21] =	ssyncset.done $0x0  }
0x36: {  	[sflag:s21] =	ssyncadd.s32 $0xFFFFF000  }
0x37: {  	[spmem:s17] =	stream.linear.scatter [tilespmem:s20], [sflag:$0x2], $0x1000, $0x38;
	[tilespmem:$0x16E20] =	vst v63  }
0x38: {  	_ =	swait.ge [sflag:s21], $0x1000  }
0x39: {  	[sflag:s21] =	ssyncset.done $0x0  }
0x3a: {  	[sflag:s21] =	ssyncadd.s32 $0xFFFFF000  }
0x3b: {  	[spmem:s18] =	stream.linear.scatter [tilespmem:s20], [sflag:$0x2], $0x1000, $0x38;
	[tilespmem:$0x16E20] =	vst v63  }
0x3c: {  	_ =	swait.ge [sflag:s21], $0x1000  }
0x3d: {  	[sflag:s21] =	ssyncset.done $0x0  }
0x3e: {  	[sflag:s21] =	ssyncadd.s32 $0xFFFFF000  }
0x3f: {  	[spmem:s19] =	stream.linear.scatter [tilespmem:s20], [sflag:$0x2], $0x1000, $0x38;
	[tilespmem:$0x16E20] =	vst v63  }
0x40: {  	s0 =	stileid.u32;
	_ =	swait.ge [sflag:s21], $0x1000  }
0x41: {  	s0 =	sshll.u32 s0, $0x6;
	[sflag:s21] =	ssyncset.done $0x0  }
0x42: {  	s0 =	sor.u32 $0x1C02, s0;
	[sflag:s21] =	ssyncadd.s32 $0xFFFFF000  }
0x43: {  	[spmem:s22], [sflag:s0] =	dma.local [hbm:s6], $0x9C4  }
0x44: {  	_ =	swait.ge [sflag:s21], $0x9C4  }
0x45: {  	[sflag:s21] =	ssyncset.done $0x0  }
0x46: {  	[sflag:s21] =	ssyncadd.s32 $0xFFFFF63C  }
0x47: {  	s31 =	simm.s32 $0x0;
	[bflag:$0x0] =	sbarrier.arrive $0xFFFF  }
0x48: {  	[tilespmem:s31], [sflag:$0x2] =	stream.linear.gather [hbm4b:s7+s31], $0x2800, $0x38;
	[tilespmem:$0x16E20] =	vst v63  }
0x49: {  	_ =	swait.ge [sflag:s21], $0x2800  }
0x4a: {  	[sflag:s21] =	ssyncset.done $0x0  }
0x4b: {  	s30 =	simm.s32 $0x2800;
	[sflag:s21] =	ssyncadd.s32 $0xFFFFD800  }
0x4c: {  	[tilespmem:s30], [sflag:$0x2] =	stream.linear.gather [hbm4b:s8+s31], $0x2800, $0x38;
	[tilespmem:$0x16E20] =	vst v63  }
0x4d: {  	_ =	swait.ge [sflag:s21], $0x2800  }
0x4e: {  	[sflag:s21] =	ssyncset.done $0x0  }
0x4f: {  	[sflag:s21] =	ssyncadd.s32 $0xFFFFD800  }
0x50: {  	[tilespmem:s26], [sflag:$0x1] =	stream.indirect.gather [spmem:s3], $0x20, s31, s24, $0xb8;
	[tilespmem:$0x16E20] =	vst v63  }
0x51: {  	_ =	swait.ge [sflag:s28], $0x1000  }
0x52: {  	[sflag:s28] =	ssyncset.done $0x0  }
0x53: {  	s30 =	simm.s32 $0x80;
	[sflag:s28] =	ssyncadd.s32 $0xFFFFF000  }
0x54: {  	[tilespmem:s29], [sflag:$0x1] =	stream.indirect.gather [spmem:s3], $0x20, s30, s24, $0xb8;
	[tilespmem:$0x16E20] =	vst v63  }
0x55: {  	s31 =	simm.s32 $0x2800  }
0x56: {  	[spmem:s2] =	stream.indirect.scatter.add.bf16 [tilespmem:s26], [sflag:$0x2], $0x20, s31, s24, $0xb8;
	[tilespmem:$0x16E20] =	vst v63  }
0x57: {  	_ =	swait.ge [sflag:s21], $0x1000  }
0x58: {  	[sflag:s21] =	ssyncset.done $0x0  }
0x59: {  	[sflag:s21] =	ssyncadd.s32 $0xFFFFF000  }
0x5a: {  	_ =	swait.ge [sflag:s28], $0x1000  }
0x5b: {  	[sflag:s28] =	ssyncset.done $0x0  }
0x5c: {  	s30 =	simm.s32 $0x100;
	[sflag:s28] =	ssyncadd.s32 $0xFFFFF000  }
0x5d: {  	[tilespmem:s26], [sflag:$0x1] =	stream.indirect.gather [spmem:s3], $0x20, s30, s24, $0xb8;
	[tilespmem:$0x16E20] =	vst v63  }
0x5e: {  	s31 =	simm.s32 $0x2880  }
0x5f: {  	[spmem:s2] =	stream.indirect.scatter.add.bf16 [tilespmem:s29], [sflag:$0x2], $0x20, s31, s24, $0xb8;
	[tilespmem:$0x16E20] =	vst v63  }
0x60: {  	_ =	swait.ge [sflag:s21], $0x1000  }
0x61: {  	s23 =	simm.s32 $0x400;
	[sflag:s21] =	ssyncset.done $0x0  }
.LBB2_4:
0x62: {  	p0 =	sne.s32 s23, $0x9800  }
0x63: {  	[sflag:s21] =	ssyncadd.s32 $0xFFFFF000;
	s30 =	smov.u32 s23;
	s23 =	sadd.s32 $0x400, s23  }
0x64: {  	_ = 	snop  }
0x65: {  	_ =	swait.ge [sflag:s28], $0x1000  }
0x66: {  	s30 =	sshra.s32 s30, $0x2;
	[sflag:s28] =	ssyncset.done $0x0  }
0x67: {  	s31 =	sadd.s32 $0x80, s30;
	[sflag:s28] =	ssyncadd.s32 $0xFFFFF000  }
0x68: {  	[tilespmem:s29], [sflag:$0x1] =	stream.indirect.gather [spmem:s3], $0x20, s31, s24, $0xb8;
	[tilespmem:$0x16E20] =	vst v63  }
0x69: {  	s31 =	sadd.s32 $0x2800, s30  }
0x6a: {  	[spmem:s2] =	stream.indirect.scatter.add.bf16 [tilespmem:s26], [sflag:$0x2], $0x20, s31, s24, $0xb8;
	[tilespmem:$0x16E20] =	vst v63  }
0x6b: {  	_ =	swait.ge [sflag:s21], $0x1000  }
0x6c: {  	[sflag:s21] =	ssyncset.done $0x0  }
0x6d: {  	[sflag:s21] =	ssyncadd.s32 $0xFFFFF000  }
0x6e: {  	_ =	swait.ge [sflag:s28], $0x1000  }
0x6f: {  	[sflag:s28] =	ssyncset.done $0x0  }
0x70: {  	s31 =	sadd.s32 $0x100, s30;
	[sflag:s28] =	ssyncadd.s32 $0xFFFFF000  }
0x71: {  	[tilespmem:s26], [sflag:$0x1] =	stream.indirect.gather [spmem:s3], $0x20, s31, s24, $0xb8;
	[tilespmem:$0x16E20] =	vst v63  }
.Ltmp1:
0x72: {  	_ = 	snop;
	(pc) =	sbr.rel @p0 .LBB2_4-.Ltmp1, $4  }
0x73: {  	s30 =	sadd.s32 $0x2880, s30  }
0x74: {  	[spmem:s2] =	stream.indirect.scatter.add.bf16 [tilespmem:s29], [sflag:$0x2], $0x20, s30, s24, $0xb8;
	[tilespmem:$0x16E20] =	vst v63  }
0x75: {  	_ =	swait.ge [sflag:s21], $0x1000  }
0x76: {  	[sflag:s21] =	ssyncset.done $0x0  }
0x77: {  	[sflag:s21] =	ssyncadd.s32 $0xFFFFF000  }
0x78: {  	_ =	swait.ge [sflag:s28], $0x1000  }
0x79: {  	[sflag:s28] =	ssyncset.done $0x0  }
0x7a: {  	s23 =	simm.s32 $0x2780;
	[sflag:s28] =	ssyncadd.s32 $0xFFFFF000  }
0x7b: {  	[tilespmem:s29], [sflag:$0x1] =	stream.indirect.gather [spmem:s3], $0x20, s23, s24, $0xb8;
	[tilespmem:$0x16E20] =	vst v63  }
0x7c: {  	s31 =	simm.s32 $0x4F00  }
0x7d: {  	[spmem:s2] =	stream.indirect.scatter.add.bf16 [tilespmem:s26], [sflag:$0x2], $0x20, s31, s24, $0xb8;
	[tilespmem:$0x16E20] =	vst v63  }
0x7e: {  	_ =	swait.ge [sflag:s21], $0x1000  }
0x7f: {  	[sflag:s21] =	ssyncset.done $0x0  }
0x80: {  	[sflag:s21] =	ssyncadd.s32 $0xFFFFF000  }
0x81: {  	_ =	swait.ge [sflag:s28], $0x1000  }
0x82: {  	[sflag:s28] =	ssyncset.done $0x0  }
0x83: {  	[sflag:s28] =	ssyncadd.s32 $0xFFFFF000  }
0x84: {  	[spmem:s2] =	stream.indirect.scatter.add.bf16 [tilespmem:s29], [sflag:$0x2], $0x20, s1, s24, $0xb8;
	[tilespmem:$0x16E20] =	vst v63  }
0x85: {  	_ =	swait.ge [sflag:s21], $0x1000  }
0x86: {  	s4 =	sadd.s32 $0x1, s4;
	[sflag:s21] =	ssyncset.done $0x0  }
0x87: {  	p0 =	sne.s32 s4, s10;
	[sflag:s21] =	ssyncadd.s32 $0xFFFFF000  }
.Ltmp2:
0x88: {  	[bflag:$0x0] =	sbarrier.arrive $0xFFFF;
	(pc) =	sbr.rel @p0 .LBB2_1-.Ltmp2, $4  }
0x89: {  	[hbm:s9], [sflag:s0] =	dma.local [spmem:s25], $0x1400  }
0x8a: {  	_ =	swait.ge [sflag:s21], $0x1400  }
0x8b: {  	[sflag:s21] =	ssyncset.done $0x0  }
0x8c: {  	[sflag:s21] =	ssyncadd.s32 $0xFFFFEC00  }
0x8d: {  	_ =	sfence.sel $0x180000  }
0x8e: {  	[bflag:$0x0] =	sbarrier.arrive $0xFFFF  }
0x8f: {  	_ =	strace $0x9000004D  }
0x90: {  	s0 =	stileid.u32;
	[bflag:$0x2] =	sbarrier.arrive $0xFFFF  }
0x91: {  	p0 =	sne.s32 s0, $0x0;
	s0 =	rddreg [dreg:$0x3]  }
0x92: {  	s0 =	sadd.s32 @!p0 $0x100000, s0  }
0x93: {  	[sflag:s0] =	ssyncadd.tile.s32 @!p0 $0x1;
	_ =	shalt  }
.Lfunc_end2:
_tile_overlayer_lowered:
.L_overlay_start_2:
0x94: {  	(tag) =	ssettag $0x2  }
0x95: {  	s0 =	rddreg [dreg:$0x0];
	s2 =	stileid.u32  }
0x96: {  	s1 =	rddreg [dreg:$0x1];
	p0 =	sne.s32 s2, $0x0  }
0x97: {  	s3 =	rddreg [dreg:$0x2];
	[bflag:$0x3] =	sbarrier.arrive $0xFFFF;
	s2 =	simm.s32 @!p0 $0x1C02  }
0x98: {  	[timem:s3], [sflag:s2] =	dma.local @!p0 [hbm:s0], s1  }
0x99: {  	s0 =	simm.s32 @!p0 $0x2  }
0x9a: {  	_ =	swait.ge @!p0 [sflag:s0], s1  }
0x9b: {  	s1 =	ssub.s32 @!p0 $0x0, s1;
	[sflag:s0] =	ssyncset.done @!p0 $0x0  }
0x9c: {  	[sflag:s0] =	ssyncadd.s32 @!p0 s1  }
0x9d: {  	[bflag:$0x3] =	sbarrier.arrive $0xFFFF  }
0x9e: {  	_ =	shalt  }

// kernel: kernel.20.cloned.1.call-start
scs
__scs_entry_jumppad:
0x0: {  	(pc) =	sbr.rel $0x88, $3  }
0x1: {  	(tag) =	ssettag $0x0;
	lr =	simm.s32 $0x1  }
0x2: {  	[smem:$0x3F8E] =	sst lr;
	_ =	strace $0xD0000000  }
0x3: {  	_ = 	snop  }
0x4: {  	_ = 	snop  }
0x5: {  	_ = 	snop  }
0x6: {  	_ = 	snop  }
0x7: {  	_ = 	snop  }
__scs_overlays_trampoline_lowered:
0x8: {  	[smem:$0x3F9D] =	sst s0  }
0x9: {  	[smem:$0x3F9E] =	sst s1  }
0xa: {  	[smem:$0x3F9F] =	sst s2  }
0xb: {  	[smem:$0x3FA0] =	sst s3  }
0xc: {  	[smem:$0x3FA1] =	sst s4  }
0xd: {  	[smem:$0x3FA2] =	sst s5  }
0xe: {  	[smem:$0x3FA3] =	sst s6  }
0xf: {  	[smem:$0x3FA4] =	sst s7  }
0x10: {  	[smem:$0x3FA5] =	sst s8  }
0x11: {  	[smem:$0x3FA6] =	sst s9;
	s0 =	simm.s32 @!p0 $0x0  }
0x12: {  	s1 =	sld [smem:$0x3F8C];
	s0 =	simm.s32 @p0 $0x1  }
0x13: {  	[smem:$0x3FA7] =	sst s0;
	s0 =	simm.s32 @!p1 $0x0  }
0x14: {  	s2 =	sld [smem:$0x3F8B];
	s0 =	simm.s32 @p1 $0x1  }
0x15: {  	[smem:$0x3FA8] =	sst s0;
	s0 =	simm.s32 @!p2 $0x0  }
0x16: {  	s3 =	sld [smem:$0x3FDB];
	s0 =	simm.s32 @p2 $0x1  }
0x17: {  	s4 =	simm.s32 $0x1BF5;
	[smem:$0x3FAA] =	sst s0  }
0x18: {  	s0 =	sld [smem:$0x3F8D];
	_ =	swait.ge [sflag:s4], $0x0  }
0x19: {  	s7 =	sld [smem:$0x3F8E]  }
0x1a: {  	s8 =	sadd.s32 $0xFFFFE003, lr  }
0x1b: {  	s9 =	sadd.s32 $0xFFFFFEF7, lr;
	s5 =	simm.s32 $0xFFFFFFFF;
	p2 =	slt.u32 s8, $0xFFFFF086  }
0x1c: {  	p1 =	slt.u32 s9, $0xF7A;
	s5 =	simm.s32 @!p2 $0x0  }
0x1d: {  	s5 =	simm.s32 @p1 $0x1;
	p0 =	seq.s32 s7, s2  }
0x1e: {  	s7 =	smul.u32 @!p0 $0xF7A, s2;
	p2 =	seq.s32 @!p0 s5, $0x0  }
0x1f: {  	s9 =	smul.u32 $0xF7A, s1;
	s8 =	simm.s32 @!p0 $0x1BF5;
	p2 =	por !p2, p0  }
0x20: {  	[sflag:s8] =	ssyncset.s32 @!p0 $0xFFFFF086;
	s6 =	sadd.s32 @!p0 s3, s7;
	s7 =	simm.s32 @!p0 $0x108  }
0x21: {  	s3 =	sadd.s32 s3, s9;
	s6 =	sadd.s32 @!p0 $0x88, s6;
	s7 =	simm.s32 @p2 $0x1082  }
0x22: {  	[simem:s7], [sflag:s8] =	dma.local @!p0 [hbm:s6], $0xF7A  }
0x23: {  	s9 =	sor.u32 $0xD0000000, s2;
	s6 =	simm.s32 $0x108;
	_ =	swait.ge @!p0 [sflag:s8], $0x0  }
0x24: {  	s3 =	sadd.s32 $0x88, s3;
	s6 =	simm.s32 @!p1 $0x1082;
	[sflag:s4] =	ssyncset.s32 $0xFFFFF086  }
0x25: {  	[simem:s6], [sflag:s4] =	dma.local [hbm:s3], $0xF7A  }
0x26: {  	[smem:$0x3F8E] =	sst s1;
	(tag) =	ssettag s2;
	_ =	strace s9  }
0x27: {  	s1 =	sld [smem:$0x3F9E]  }
0x28: {  	s2 =	sld [smem:$0x3F9F]  }
0x29: {  	s4 =	sld [smem:$0x3FA1]  }
0x2a: {  	p0 =	seq.s32 s5, $0x0;
	s5 =	sld [smem:$0x3FA2]  }
0x2b: {  	s6 =	sld [smem:$0x3FA3]  }
0x2c: {  	s7 =	sld [smem:$0x3FA4]  }
0x2d: {  	s3 =	simm.s32 $0x108;
	s8 =	sld [smem:$0x3FA5]  }
0x2e: {  	s3 =	simm.s32 @!p0 $0x1082;
	s9 =	sld [smem:$0x3FA6]  }
0x2f: {  	lr =	sadd.s32 s0, s3;
	s0 =	sld [smem:$0x3F9D]  }
0x30: {  	s3 =	sld [smem:$0x3FA0]  }
0x31: {  	[smem:$0x3FA9] =	sst s10  }
0x32: {  	s10 =	sld [smem:$0x3FA7];
	_ =	sdelay $0x3  }
0x33: {  	p0 =	seq.s32 s10, $0x1;
	s10 =	sld [smem:$0x3FA9];
	_ =	sdelay $0x3  }
0x34: {  	[smem:$0x3FA9] =	sst s10  }
0x35: {  	s10 =	sld [smem:$0x3FA8];
	_ =	sdelay $0x3  }
0x36: {  	p1 =	seq.s32 s10, $0x1;
	s10 =	sld [smem:$0x3FA9];
	_ =	sdelay $0x3  }
0x37: {  	[smem:$0x3FA9] =	sst s10  }
0x38: {  	s10 =	sld [smem:$0x3FAA]  }
0x39: {  	_ = 	snop;
	(pc) =	sbr.ind lr, $3  }
0x3a: {  	_ = 	snop  }
0x3b: {  	_ = 	snop  }
0x3c: {  	p2 =	seq.s32 s10, $0x1;
	s10 =	sld [smem:$0x3FA9]  }
0x3d: {  	_ =	shalt  }
0x3e: {  	_ =	shalt  }
0x3f: {  	_ =	shalt  }
0x40: {  	_ =	shalt  }
0x41: {  	_ =	shalt  }
0x42: {  	_ =	shalt  }
0x43: {  	_ =	shalt  }
0x44: {  	_ =	shalt  }
0x45: {  	_ =	shalt  }
0x46: {  	_ =	shalt  }
0x47: {  	_ =	shalt  }
0x48: {  	_ =	shalt  }
0x49: {  	_ =	shalt  }
0x4a: {  	_ =	shalt  }
0x4b: {  	_ =	shalt  }
0x4c: {  	_ =	shalt  }
0x4d: {  	_ =	shalt  }
0x4e: {  	_ =	shalt  }
0x4f: {  	_ =	shalt  }
0x50: {  	_ =	shalt  }
0x51: {  	_ =	shalt  }
0x52: {  	_ =	shalt  }
0x53: {  	_ =	shalt  }
0x54: {  	_ =	shalt  }
0x55: {  	_ =	shalt  }
0x56: {  	_ =	shalt  }
0x57: {  	_ =	shalt  }
0x58: {  	_ =	shalt  }
0x59: {  	_ =	shalt  }
0x5a: {  	_ =	shalt  }
0x5b: {  	_ =	shalt  }
0x5c: {  	_ =	shalt  }
0x5d: {  	_ =	shalt  }
0x5e: {  	_ =	shalt  }
0x5f: {  	_ =	shalt  }
0x60: {  	_ =	shalt  }
0x61: {  	_ =	shalt  }
0x62: {  	_ =	shalt  }
0x63: {  	_ =	shalt  }
0x64: {  	_ =	shalt  }
0x65: {  	_ =	shalt  }
0x66: {  	_ =	shalt  }
0x67: {  	_ =	shalt  }
0x68: {  	_ =	shalt  }
0x69: {  	_ =	shalt  }
0x6a: {  	_ =	shalt  }
0x6b: {  	_ =	shalt  }
0x6c: {  	_ =	shalt  }
0x6d: {  	_ =	shalt  }
0x6e: {  	_ =	shalt  }
0x6f: {  	_ =	shalt  }
0x70: {  	_ =	shalt  }
0x71: {  	_ =	shalt  }
0x72: {  	_ =	shalt  }
0x73: {  	_ =	shalt  }
0x74: {  	_ =	shalt  }
0x75: {  	_ =	shalt  }
0x76: {  	_ =	shalt  }
0x77: {  	_ =	shalt  }
0x78: {  	_ =	shalt  }
0x79: {  	_ =	shalt  }
0x7a: {  	_ =	shalt  }
0x7b: {  	_ =	shalt  }
0x7c: {  	_ =	shalt  }
0x7d: {  	_ =	shalt  }
0x7e: {  	_ =	shalt  }
0x7f: {  	_ =	shalt  }
0x80: {  	_ =	shalt  }
0x81: {  	_ =	shalt  }
0x82: {  	_ =	shalt  }
0x83: {  	_ =	shalt  }
0x84: {  	_ =	shalt  }
0x85: {  	_ =	shalt  }
0x86: {  	_ =	shalt  }
0x87: {  	_ =	shalt  }
.Lfunc_end0:
.L_simem_size_0:
called_computation.3_lowered:
.L_overlay_start_0:
0x88: {  	s2 =	sld [smem:$0x3FD9]  }
0x89: {  	s3 =	sld [smem:$0x3FFE];
	_ =	sdelay $0x1  }
0x8a: {  	s1 =	srdreg.scid  }
0x8b: {  	s0 =	sand.u32 $0x1, s1  }
0x8c: {  	s16 =	sshll.u32 s0, $0xA;
	s2 =	sadd.s32 s3, s2  }
0x8d: {  	s2 =	sadd.s32 s2, s16  }
0x8e: {  	[smem:$0x3FB5] =	sst s2  }
0x8f: {  	_ = 	snop  }
0x90: {  	(tm) =	ssettm $0x1  }
0x91: {  	s17 =	sld [smem:$0x3FFB];
	_ =	sdelay $0x3  }
0x92: {  	_ =	strace s17  }
0x93: {  	s2 =	sld [smem:$0x3FFC];
	_ =	sdelay $0x3  }
0x94: {  	_ =	strace s2  }
0x95: {  	s2 =	sld [smem:$0x3FFD];
	_ =	sdelay $0x3  }
0x96: {  	_ =	strace s2  }
0x97: {  	_ =	strace $0x8FFFFFFF  }
0x98: {  	s18 =	sld [smem:$0x3FDB];
	_ =	sdelay $0x1  }
0x99: {  	s19 =	simm.s32 $_scs_section_size  }
0x9a: {  	s4 =	simm.s32 $_size__tile_overlayer_lowered;
	s5 =	simm.s32 $_tile_overlayer_lowered  }
0x9b: {  	s22 =	simm.s32 $0x1BFF;
	s21 =	sshll.u32 s5, $0x1;
	s2 =	sadd.s32 s19, s18  }
0x9c: {  	s6 =	simm.s32 $0x0;
	s20 =	sshll.u32 s4, $0x1;
	s4 =	sadd.s32 s21, s2  }
0x9d: {  	[timem:s6], [sflag:s22] =	dma.local [hbm:s4], s20  }
0x9e: {  	_ =	swait.ge [sflag:s22], s20  }
0x9f: {  	s3 =	ssub.s32 $0x0, s20;
	[sflag:s22] =	ssyncset.done $0x0  }
0xa0: {  	[sflag:s22] =	ssyncadd.s32 s3;
	_ =	sdelay $0x1  }
0xa1: {  	s23 =	simm.s32 $0x1B8B  }
0xa2: {  	_ =	swait.ge [sflag:s23], $0x1  }
0xa3: {  	[sflag:s23] =	ssyncset.done $0x0  }
0xa4: {  	s25 =	simm.s32 $0x1B8E;
	s24 =	sld [smem:$0x3FFE];
	[sflag:s23] =	ssyncadd.s32 $0xFFFFFFFF  }
0xa5: {  	s26 =	simm.s32 $execute0_lowered;
	[smem:$0x3FD2] =	sst s25  }
0xa6: {  	s4 =	sshll.u32 s26, $0x1;
	_ =	strace $0x8000004F;
	[dreg:$0x1] =	wrdreg $0xFFFFFFFF  }
0xa7: {  	s28 =	simm.s32 $_size_execute0_lowered;
	s2 =	sadd.s32 s2, s4;
	[dreg:$0x0] =	wrdreg $0x0  }
0xa8: {  	s4 =	sshll.u32 s28, $0x1;
	[dreg:$0x2] =	wrdreg s2  }
0xa9: {  	[dreg:$0x3] =	wrdreg s4  }
0xaa: {  	[dreg:$0x4] =	wrdreg $0xC0  }
0xab: {  	_ =	task [dreg:s6], $0x5FFFF  }
0xac: {  	[dreg:$0x1] =	wrdreg $0xFFFFFFFF  }
0xad: {  	[dreg:$0x0] =	wrdreg $0x60  }
0xae: {  	[dreg:$0x2] =	wrdreg s24  }
0xaf: {  	[dreg:$0x3] =	wrdreg $0x80000  }
0xb0: {  	[dreg:$0x4] =	wrdreg $0x120000  }
0xb1: {  	[dreg:$0x5] =	wrdreg $0x9  }
0xb2: {  	_ =	task.clear_ibuf [dreg:s6], $0x6FFFF;
	_ =	strace $0x9000004F  }
0xb3: {  	s29 =	simm.s32 $0x9;
	_ =	strace $0x80000051  }
0xb4: {  	_ =	swait.ge [sflag:s29], $0x1  }
0xb5: {  	[sflag:s29] =	ssyncadd.s32 $0xFFFFFFFF  }
0xb6: {  	_ =	strace $0x90000051  }
0xb7: {  	_ =	sfence  }
0xb8: {  	s30 =	sld [smem:$0x0];
	_ =	sdelay $0x2  }
0xb9: {  	s31 =	sshll.u32 s1, $0xD;
	s1 =	sshrl.u32 s1, $0x2  }
0xba: {  	s3 =	sand.u32 $0x4000, s31;
	s1 =	sadd.s32 s1, s30  }
0xbb: {  	s0 =	sor.u32 s3, s0;
	s1 =	sshll.u32 s1, $0x11  }
0xbc: {  	s0 =	sor.u32 s1, s0  }
0xbd: {  	s0 =	sadd.s32 $0x8F2B, s0  }
0xbe: {  	[sflag:s0] =	ssyncadd.remote.s32 $0x1  }
0xbf: {  	_ =	sfence.sel $0xFFFF  }
0xc0: {  	[dreg:$0x0] =	wrdreg $0xFFFFFFFF;
	(pc) =	sbr.abs _section_cstart, $3  }
0xc1: {  	[dreg:$0x1] =	wrdreg $0xFFFFFFFF  }
0xc2: {  	_ =	task.clear_ibuf [dreg:s6], $0x2FFFF;
	_ =	strace $0x9FFFFFFF  }
0xc3: {  	(tm) =	ssettm $0x7FFFFFFF  }
tec
execute0_lowered:
.L_overlay_start_1:
0x0: {  	(tag) =	ssettag $0x1  }
0x1: {  	s0 =	rddreg [dreg:$0x0]  }
0x2: {  	s2 =	rddreg [dreg:$0x1];
	s10 =	stileid.u32  }
0x3: {  	s1 =	srdreg.scid;
	s3 =	rddreg [dreg:$0x2];
	s4 =	simm.s32 $0x0  }
0x4: {  	s20 =	simm.s32 $0x7000;
	s21 =	simm.s32 $0x2;
	s5 =	smul.u32 $0x9C40, s10  }
0x5: {  	s28 =	simm.s32 $0x1;
	s1 =	sand.u32 $0x1, s1;
	s9 =	smul.u32 $0x14000, s10  }
0x6: {  	s29 =	simm.s32 $0x6000;
	[smem:$0x7FF] =	sst s4;
	s6 =	smul.u32 $0x140000, s1  }
0x7: {  	s7 =	sshll.u32 s1, $0x4;
	_ =	strace $0x80000050;
	s1 =	ssub.s32 $0x2, s1  }
0x8: {  	s8 =	sshrl.u32 s5, $0x4;
	s7 =	sor.u32 s10, s7;
	s10 =	smul.u32 $0x28000, s10  }
0x9: {  	s24 =	sshrl.u32 s1, $0x1;
	s26 =	sshrl.u32 s5, $0x1;
	s30 =	sshrl.u32 s9, $0x1  }
0xa: {  	s8 =	sadd.s32 s8, s0;
	s7 =	smul.u32 $0x500, s7;
	s6 =	sadd.s32 s9, s6  }
0xb: {  	s1 =	ssub.s32 s1, s24;
	s22 =	sadd.s32 s26, s3;
	s31 =	sadd.s32 s30, s2  }
0xc: {  	s24 =	simm.s32 $0x80;
	s26 =	simm.s32 $0x5000;
	s6 =	sshrl.u32 s6, $0x4  }
0xd: {  	s25 =	sshrl.u32 s10, $0x2;
	s10 =	smax.u32 s1, $0x1;
	s22 =	sshrl.u32 s22, $0x3  }
0xe: {  	s1 =	simm.s32 $0x4F80;
	s11 =	sadd.s32 s7, s0;
	s0 =	sadd.s32 s6, s0  }
0xf: {  	s5 =	sadd.s32 s25, s2;
	s6 =	sadd.s32 $0x3600, s8;
	s25 =	sshrl.u32 s31, $0x3  }
0x10: {  	s7 =	sadd.s32 $0x17600, s11;
	s8 =	sadd.s32 $0x21600, s11;
	s9 =	sadd.s32 $0x2B600, s0  }
0x11: {  	s11 =	sadd.s32 $0x1000, s5;
	s12 =	sadd.s32 $0x2000, s5;
	s13 =	sadd.s32 $0x3000, s5  }
0x12: {  	s14 =	sadd.s32 $0x4000, s5;
	s15 =	sadd.s32 $0x5000, s5;
	s16 =	sadd.s32 $0x6000, s5  }
0x13: {  	v0 =	vimm.bf16 $0.0e+00;
	s17 =	sadd.s32 $0x7000, s5;
	s18 =	sadd.s32 $0x8000, s5;
	s19 =	sadd.s32 $0x9000, s5  }
.LBB2_1:
0x14: {  	s0 =	simm.s32 $0x80;
	s23 =	simm.s32 $0x0  }
.LBB2_2:
0x15: {  	p0 =	sne.s32 s0, $0x3F80;
	[tilespmem:s23+$0x7000] =	vst v0;
	s30 =	smov.u32 s0;
	s0 =	sadd.s32 $0x80, s0  }
.Ltmp0:
0x16: {  	[tilespmem:s23+$0x7010] =	vst v0;
	(pc) =	sbr.rel @p0 .LBB2_2-.Ltmp0, $2  }
0x17: {  	_ =	sdelay $0x2  }
0x18: {  	s23 =	sshra.s32 s30, $0x2  }
0x19: {  	[tilespmem:s23+$0x7000] =	vst v0  }
0x1a: {  	[tilespmem:s23+$0x7010] =	vst v0  }
0x1b: {  	[spmem:s5] =	stream.linear.scatter [tilespmem:s20], [sflag:$0x2], $0x1000, $0x38;
	[tilespmem:$0x16E20] =	vst v63  }
0x1c: {  	_ =	swait.ge [sflag:s21], $0x1000  }
0x1d: {  	[sflag:s21] =	ssyncset.done $0x0  }
0x1e: {  	[sflag:s21] =	ssyncadd.s32 $0xFFFFF000  }
0x1f: {  	[spmem:s11] =	stream.linear.scatter [tilespmem:s20], [sflag:$0x2], $0x1000, $0x38;
	[tilespmem:$0x16E20] =	vst v63  }
0x20: {  	_ =	swait.ge [sflag:s21], $0x1000  }
0x21: {  	[sflag:s21] =	ssyncset.done $0x0  }
0x22: {  	[sflag:s21] =	ssyncadd.s32 $0xFFFFF000  }
0x23: {  	[spmem:s12] =	stream.linear.scatter [tilespmem:s20], [sflag:$0x2], $0x1000, $0x38;
	[tilespmem:$0x16E20] =	vst v63  }
0x24: {  	_ =	swait.ge [sflag:s21], $0x1000  }
0x25: {  	[sflag:s21] =	ssyncset.done $0x0  }
0x26: {  	[sflag:s21] =	ssyncadd.s32 $0xFFFFF000  }
0x27: {  	[spmem:s13] =	stream.linear.scatter [tilespmem:s20], [sflag:$0x2], $0x1000, $0x38;
	[tilespmem:$0x16E20] =	vst v63  }
0x28: {  	_ =	swait.ge [sflag:s21], $0x1000  }
0x29: {  	[sflag:s21] =	ssyncset.done $0x0  }
0x2a: {  	[sflag:s21] =	ssyncadd.s32 $0xFFFFF000  }
0x2b: {  	[spmem:s14] =	stream.linear.scatter [tilespmem:s20], [sflag:$0x2], $0x1000, $0x38;
	[tilespmem:$0x16E20] =	vst v63  }
0x2c: {  	_ =	swait.ge [sflag:s21], $0x1000  }
0x2d: {  	[sflag:s21] =	ssyncset.done $0x0  }
0x2e: {  	[sflag:s21] =	ssyncadd.s32 $0xFFFFF000  }
0x2f: {  	[spmem:s15] =	stream.linear.scatter [tilespmem:s20], [sflag:$0x2], $0x1000, $0x38;
	[tilespmem:$0x16E20] =	vst v63  }
0x30: {  	_ =	swait.ge [sflag:s21], $0x1000  }
0x31: {  	[sflag:s21] =	ssyncset.done $0x0  }
0x32: {  	[sflag:s21] =	ssyncadd.s32 $0xFFFFF000  }
0x33: {  	[spmem:s16] =	stream.linear.scatter [tilespmem:s20], [sflag:$0x2], $0x1000, $0x38;
	[tilespmem:$0x16E20] =	vst v63  }
0x34: {  	_ =	swait.ge [sflag:s21], $0x1000  }
0x35: {  	[sflag:s21] =	ssyncset.done $0x0  }
0x36: {  	[sflag:s21] =	ssyncadd.s32 $0xFFFFF000  }
0x37: {  	[spmem:s17] =	stream.linear.scatter [tilespmem:s20], [sflag:$0x2], $0x1000, $0x38;
	[tilespmem:$0x16E20] =	vst v63  }
0x38: {  	_ =	swait.ge [sflag:s21], $0x1000  }
0x39: {  	[sflag:s21] =	ssyncset.done $0x0  }
0x3a: {  	[sflag:s21] =	ssyncadd.s32 $0xFFFFF000  }
0x3b: {  	[spmem:s18] =	stream.linear.scatter [tilespmem:s20], [sflag:$0x2], $0x1000, $0x38;
	[tilespmem:$0x16E20] =	vst v63  }
0x3c: {  	_ =	swait.ge [sflag:s21], $0x1000  }
0x3d: {  	[sflag:s21] =	ssyncset.done $0x0  }
0x3e: {  	[sflag:s21] =	ssyncadd.s32 $0xFFFFF000  }
0x3f: {  	[spmem:s19] =	stream.linear.scatter [tilespmem:s20], [sflag:$0x2], $0x1000, $0x38;
	[tilespmem:$0x16E20] =	vst v63  }
0x40: {  	s0 =	stileid.u32;
	_ =	swait.ge [sflag:s21], $0x1000  }
0x41: {  	s0 =	sshll.u32 s0, $0x6;
	[sflag:s21] =	ssyncset.done $0x0  }
0x42: {  	s0 =	sor.u32 $0x1C02, s0;
	[sflag:s21] =	ssyncadd.s32 $0xFFFFF000  }
0x43: {  	[spmem:s22], [sflag:s0] =	dma.local [hbm:s6], $0x9C4  }
0x44: {  	_ =	swait.ge [sflag:s21], $0x9C4  }
0x45: {  	[sflag:s21] =	ssyncset.done $0x0  }
0x46: {  	[sflag:s21] =	ssyncadd.s32 $0xFFFFF63C  }
0x47: {  	s31 =	simm.s32 $0x0;
	[bflag:$0x0] =	sbarrier.arrive $0xFFFF  }
0x48: {  	[tilespmem:s31], [sflag:$0x2] =	stream.linear.gather [hbm4b:s7+s31], $0x2800, $0x38;
	[tilespmem:$0x16E20] =	vst v63  }
0x49: {  	_ =	swait.ge [sflag:s21], $0x2800  }
0x4a: {  	[sflag:s21] =	ssyncset.done $0x0  }
0x4b: {  	s30 =	simm.s32 $0x2800;
	[sflag:s21] =	ssyncadd.s32 $0xFFFFD800  }
0x4c: {  	[tilespmem:s30], [sflag:$0x2] =	stream.linear.gather [hbm4b:s8+s31], $0x2800, $0x38;
	[tilespmem:$0x16E20] =	vst v63  }
0x4d: {  	_ =	swait.ge [sflag:s21], $0x2800  }
0x4e: {  	[sflag:s21] =	ssyncset.done $0x0  }
0x4f: {  	[sflag:s21] =	ssyncadd.s32 $0xFFFFD800  }
0x50: {  	[tilespmem:s26], [sflag:$0x1] =	stream.indirect.gather [spmem:s3], $0x20, s31, s24, $0xb8;
	[tilespmem:$0x16E20] =	vst v63  }
0x51: {  	_ =	swait.ge [sflag:s28], $0x1000  }
0x52: {  	[sflag:s28] =	ssyncset.done $0x0  }
0x53: {  	s30 =	simm.s32 $0x80;
	[sflag:s28] =	ssyncadd.s32 $0xFFFFF000  }
0x54: {  	[tilespmem:s29], [sflag:$0x1] =	stream.indirect.gather [spmem:s3], $0x20, s30, s24, $0xb8;
	[tilespmem:$0x16E20] =	vst v63  }
0x55: {  	s31 =	simm.s32 $0x2800  }
0x56: {  	[spmem:s2] =	stream.indirect.scatter.add.bf16 [tilespmem:s26], [sflag:$0x2], $0x20, s31, s24, $0xb8;
	[tilespmem:$0x16E20] =	vst v63  }
0x57: {  	_ =	swait.ge [sflag:s21], $0x1000  }
0x58: {  	[sflag:s21] =	ssyncset.done $0x0  }
0x59: {  	[sflag:s21] =	ssyncadd.s32 $0xFFFFF000  }
0x5a: {  	_ =	swait.ge [sflag:s28], $0x1000  }
0x5b: {  	[sflag:s28] =	ssyncset.done $0x0  }
0x5c: {  	s30 =	simm.s32 $0x100;
	[sflag:s28] =	ssyncadd.s32 $0xFFFFF000  }
0x5d: {  	[tilespmem:s26], [sflag:$0x1] =	stream.indirect.gather [spmem:s3], $0x20, s30, s24, $0xb8;
	[tilespmem:$0x16E20] =	vst v63  }
0x5e: {  	s31 =	simm.s32 $0x2880  }
0x5f: {  	[spmem:s2] =	stream.indirect.scatter.add.bf16 [tilespmem:s29], [sflag:$0x2], $0x20, s31, s24, $0xb8;
	[tilespmem:$0x16E20] =	vst v63  }
0x60: {  	_ =	swait.ge [sflag:s21], $0x1000  }
0x61: {  	s23 =	simm.s32 $0x400;
	[sflag:s21] =	ssyncset.done $0x0  }
.LBB2_4:
0x62: {  	p0 =	sne.s32 s23, $0x9800  }
0x63: {  	[sflag:s21] =	ssyncadd.s32 $0xFFFFF000;
	s30 =	smov.u32 s23;
	s23 =	sadd.s32 $0x400, s23  }
0x64: {  	_ = 	snop  }
0x65: {  	_ =	swait.ge [sflag:s28], $0x1000  }
0x66: {  	s30 =	sshra.s32 s30, $0x2;
	[sflag:s28] =	ssyncset.done $0x0  }
0x67: {  	s31 =	sadd.s32 $0x80, s30;
	[sflag:s28] =	ssyncadd.s32 $0xFFFFF000  }
0x68: {  	[tilespmem:s29], [sflag:$0x1] =	stream.indirect.gather [spmem:s3], $0x20, s31, s24, $0xb8;
	[tilespmem:$0x16E20] =	vst v63  }
0x69: {  	s31 =	sadd.s32 $0x2800, s30  }
0x6a: {  	[spmem:s2] =	stream.indirect.scatter.add.bf16 [tilespmem:s26], [sflag:$0x2], $0x20, s31, s24, $0xb8;
	[tilespmem:$0x16E20] =	vst v63  }
0x6b: {  	_ =	swait.ge [sflag:s21], $0x1000  }
0x6c: {  	[sflag:s21] =	ssyncset.done $0x0  }
0x6d: {  	[sflag:s21] =	ssyncadd.s32 $0xFFFFF000  }
0x6e: {  	_ =	swait.ge [sflag:s28], $0x1000  }
0x6f: {  	[sflag:s28] =	ssyncset.done $0x0  }
0x70: {  	s31 =	sadd.s32 $0x100, s30;
	[sflag:s28] =	ssyncadd.s32 $0xFFFFF000  }
0x71: {  	[tilespmem:s26], [sflag:$0x1] =	stream.indirect.gather [spmem:s3], $0x20, s31, s24, $0xb8;
	[tilespmem:$0x16E20] =	vst v63  }
.Ltmp1:
0x72: {  	_ = 	snop;
	(pc) =	sbr.rel @p0 .LBB2_4-.Ltmp1, $4  }
0x73: {  	s30 =	sadd.s32 $0x2880, s30  }
0x74: {  	[spmem:s2] =	stream.indirect.scatter.add.bf16 [tilespmem:s29], [sflag:$0x2], $0x20, s30, s24, $0xb8;
	[tilespmem:$0x16E20] =	vst v63  }
0x75: {  	_ =	swait.ge [sflag:s21], $0x1000  }
0x76: {  	[sflag:s21] =	ssyncset.done $0x0  }
0x77: {  	[sflag:s21] =	ssyncadd.s32 $0xFFFFF000  }
0x78: {  	_ =	swait.ge [sflag:s28], $0x1000  }
0x79: {  	[sflag:s28] =	ssyncset.done $0x0  }
0x7a: {  	s23 =	simm.s32 $0x2780;
	[sflag:s28] =	ssyncadd.s32 $0xFFFFF000  }
0x7b: {  	[tilespmem:s29], [sflag:$0x1] =	stream.indirect.gather [spmem:s3], $0x20, s23, s24, $0xb8;
	[tilespmem:$0x16E20] =	vst v63  }
0x7c: {  	s31 =	simm.s32 $0x4F00  }
0x7d: {  	[spmem:s2] =	stream.indirect.scatter.add.bf16 [tilespmem:s26], [sflag:$0x2], $0x20, s31, s24, $0xb8;
	[tilespmem:$0x16E20] =	vst v63  }
0x7e: {  	_ =	swait.ge [sflag:s21], $0x1000  }
0x7f: {  	[sflag:s21] =	ssyncset.done $0x0  }
0x80: {  	[sflag:s21] =	ssyncadd.s32 $0xFFFFF000  }
0x81: {  	_ =	swait.ge [sflag:s28], $0x1000  }
0x82: {  	[sflag:s28] =	ssyncset.done $0x0  }
0x83: {  	[sflag:s28] =	ssyncadd.s32 $0xFFFFF000  }
0x84: {  	[spmem:s2] =	stream.indirect.scatter.add.bf16 [tilespmem:s29], [sflag:$0x2], $0x20, s1, s24, $0xb8;
	[tilespmem:$0x16E20] =	vst v63  }
0x85: {  	_ =	swait.ge [sflag:s21], $0x1000  }
0x86: {  	s4 =	sadd.s32 $0x1, s4;
	[sflag:s21] =	ssyncset.done $0x0  }
0x87: {  	p0 =	sne.s32 s4, s10;
	[sflag:s21] =	ssyncadd.s32 $0xFFFFF000  }
.Ltmp2:
0x88: {  	[bflag:$0x0] =	sbarrier.arrive $0xFFFF;
	(pc) =	sbr.rel @p0 .LBB2_1-.Ltmp2, $4  }
0x89: {  	[hbm:s9], [sflag:s0] =	dma.local [spmem:s25], $0x1400  }
0x8a: {  	_ =	swait.ge [sflag:s21], $0x1400  }
0x8b: {  	[sflag:s21] =	ssyncset.done $0x0  }
0x8c: {  	[sflag:s21] =	ssyncadd.s32 $0xFFFFEC00  }
0x8d: {  	_ =	sfence.sel $0x180000  }
0x8e: {  	[bflag:$0x0] =	sbarrier.arrive $0xFFFF  }
0x8f: {  	_ =	strace $0x90000050  }
0x90: {  	s0 =	stileid.u32;
	[bflag:$0x2] =	sbarrier.arrive $0xFFFF  }
0x91: {  	p0 =	sne.s32 s0, $0x0;
	s0 =	rddreg [dreg:$0x3]  }
0x92: {  	s0 =	sadd.s32 @!p0 $0x100000, s0  }
0x93: {  	[sflag:s0] =	ssyncadd.tile.s32 @!p0 $0x1;
	_ =	shalt  }
.Lfunc_end2:
_tile_overlayer_lowered:
.L_overlay_start_2:
0x94: {  	(tag) =	ssettag $0x2  }
0x95: {  	s0 =	rddreg [dreg:$0x0];
	s2 =	stileid.u32  }
0x96: {  	s1 =	rddreg [dreg:$0x1];
	p0 =	sne.s32 s2, $0x0  }
0x97: {  	s3 =	rddreg [dreg:$0x2];
	[bflag:$0x3] =	sbarrier.arrive $0xFFFF;
	s2 =	simm.s32 @!p0 $0x1C02  }
0x98: {  	[timem:s3], [sflag:s2] =	dma.local @!p0 [hbm:s0], s1  }
0x99: {  	s0 =	simm.s32 @!p0 $0x2  }
0x9a: {  	_ =	swait.ge @!p0 [sflag:s0], s1  }
0x9b: {  	s1 =	ssub.s32 @!p0 $0x0, s1;
	[sflag:s0] =	ssyncset.done @!p0 $0x0  }
0x9c: {  	[sflag:s0] =	ssyncadd.s32 @!p0 s1  }
0x9d: {  	[bflag:$0x3] =	sbarrier.arrive $0xFFFF  }
0x9e: {  	_ =	shalt  }

</sc_bundles>
